<compile_context>
chip_gen: v7x
topology: tpu7x:2x2x1
jax: 0.10.2.dev20260603
libtpu: 0.0.44.dev20260713+nightly
codegen_flags: <defaults>
</compile_context>

<pallas_src>
import functools

import jax
import jax.numpy as jnp
from jax import lax
from jax.experimental import pallas as pl
from jax.experimental.pallas import tpu as pltpu
from jax.experimental.pallas import tpu_sc as plsc

NNODES = 10000
NP = 10240
H = 128
EDGES = 320000
BATCH = 1024
NC = 2
NS = 16
NW = NC * NS
K = 128
CH = 79
EPW = CH * K
EP = NW * EPW
RPS = NP // NS
RB = 1024
NB = NP // RB
BPW = BATCH // NW

_MM = dict(preferred_element_type=jnp.float32, precision=lax.Precision.HIGHEST)



def _segsum_kernel(width):

    def body(table, src3, dst3, out, srcv, dstv, rows, acc):
        c = lax.axis_index("c")
        s = lax.axis_index("s")
        wid = c * NS + s
        base = s * RPS
        pltpu.sync_copy(table.at[pl.ds(base, RPS)], acc.at[pl.ds(base, RPS)])
        pltpu.sync_copy(src3.at[wid], srcv)
        pltpu.sync_copy(dst3.at[wid], dstv)
        plsc.subcore_barrier()

        @pl.loop(0, CH)
        def _(j):
            pltpu.sync_copy(table.at[srcv.at[j]], rows)
            pltpu.sync_copy(rows, acc.at[dstv.at[j]], add=True)

        plsc.subcore_barrier()
        pltpu.sync_copy(acc.at[pl.ds(base, RPS)], out.at[c, pl.ds(base, RPS)])

    return pl.kernel(
        body,
        out_type=jax.ShapeDtypeStruct((NC, NP, width), jnp.float32),
        mesh=plsc.VectorSubcoreMesh(core_axis_name="c", subcore_axis_name="s"),
        scratch_types=[
            pltpu.VMEM((CH, K), jnp.int32),
            pltpu.VMEM((CH, K), jnp.int32),
            pltpu.VMEM((K, width), jnp.float32),
            pltpu.VMEM_SHARED((NP, width), jnp.float32),
        ],
    )


_segsum_feat = _segsum_kernel(H)


def _deg_body(zeros, ones128, dst3, out, dstv, onesv, acc):
    c = lax.axis_index("c")
    s = lax.axis_index("s")
    wid = c * NS + s
    base = s * RPS
    pltpu.sync_copy(zeros.at[pl.ds(base, RPS)], acc.at[pl.ds(base, RPS)])
    pltpu.sync_copy(dst3.at[wid], dstv)
    pltpu.sync_copy(ones128, onesv)
    plsc.subcore_barrier()

    @pl.loop(0, CH)
    def _(j):
        pltpu.sync_copy(onesv, acc.at[dstv.at[j]], add=True)

    plsc.subcore_barrier()
    pltpu.sync_copy(acc.at[pl.ds(base, RPS)], out.at[c, pl.ds(base, RPS)])


_deg = pl.kernel(
    _deg_body,
    out_type=jax.ShapeDtypeStruct((NC, NP, H), jnp.float32),
    mesh=plsc.VectorSubcoreMesh(core_axis_name="c", subcore_axis_name="s"),
    scratch_types=[
        pltpu.VMEM((CH, K), jnp.int32),
        pltpu.VMEM((K, H), jnp.float32),
        pltpu.VMEM_SHARED((NP, H), jnp.float32),
    ],
)


def _final_gather_body(h2, env2, bn, gf, envf, idxv, rows):
    c = lax.axis_index("c")
    s = lax.axis_index("s")
    wid = c * NS + s
    base = wid * BPW
    pltpu.sync_copy(bn.at[pl.ds(base, BPW)], idxv)
    pltpu.sync_copy(h2.at[idxv], rows)
    pltpu.sync_copy(rows, gf.at[pl.ds(base, BPW)])
    pltpu.sync_copy(env2.at[idxv], rows)
    pltpu.sync_copy(rows, envf.at[pl.ds(base, BPW)])


_final_gather = pl.kernel(
    _final_gather_body,
    out_type=(
        jax.ShapeDtypeStruct((BATCH, H), jnp.float32),
        jax.ShapeDtypeStruct((BATCH, H), jnp.float32),
    ),
    mesh=plsc.VectorSubcoreMesh(core_axis_name="c", subcore_axis_name="s"),
    scratch_types=[
        pltpu.VMEM((BPW,), jnp.int32),
        pltpu.VMEM((BPW, H), jnp.float32),
    ],
)



def _pre_body(x_ref, bn_ref, d0_ref, d1_ref, w1_ref, hwp_ref, hwpm_ref, dinv_ref):
    i = pl.program_id(0)
    deg = d0_ref[...] + d1_ref[...]
    dinv = lax.rsqrt(deg)
    ids = lax.broadcasted_iota(jnp.int32, (RB, 1), 0) + i * RB
    bn = bn_ref[...]
    hits = jnp.zeros((RB, 1), jnp.float32)
    for r in range(8):
        eq = (ids == bn[r:r + 1, :]).astype(jnp.float32)
        hits = hits + jnp.sum(eq, axis=1, keepdims=True)
    m = (hits == 0.0).astype(jnp.float32)
    xb = x_ref[...]
    w1 = w1_ref[...]
    hwp_ref[...] = jnp.dot(xb, w1, **_MM) * dinv
    hwpm_ref[...] = jnp.dot(xb * m, w1, **_MM) * dinv
    dinv_ref[...] = dinv


_pre = pl.pallas_call(
    _pre_body,
    grid=(NB,),
    in_specs=[
        pl.BlockSpec((RB, H), lambda i: (i, 0)),
        pl.BlockSpec((8, 128), lambda i: (0, 0)),
        pl.BlockSpec((RB, 1), lambda i: (i, 0)),
        pl.BlockSpec((RB, 1), lambda i: (i, 0)),
        pl.BlockSpec((H, H), lambda i: (0, 0)),
    ],
    out_specs=[
        pl.BlockSpec((RB, H), lambda i: (i, 0)),
        pl.BlockSpec((RB, H), lambda i: (i, 0)),
        pl.BlockSpec((RB, 1), lambda i: (i, 0)),
    ],
    out_shape=[
        jax.ShapeDtypeStruct((NP, H), jnp.float32),
        jax.ShapeDtypeStruct((NP, H), jnp.float32),
        jax.ShapeDtypeStruct((NP, 1), jnp.float32),
    ],
)


def _mid_body(p0_ref, p1_ref, hwp_ref, dinv_ref, b_ref, w_ref, out_ref):
    d = dinv_ref[...]
    h = jnp.maximum(d * (p0_ref[...] + p1_ref[...] - hwp_ref[...]) + b_ref[...], 0.0)
    out_ref[...] = jnp.dot(h, w_ref[...], **_MM) * d


_mid = pl.pallas_call(
    _mid_body,
    grid=(NB,),
    in_specs=[
        pl.BlockSpec((RB, H), lambda i: (i, 0)),
        pl.BlockSpec((RB, H), lambda i: (i, 0)),
        pl.BlockSpec((RB, H), lambda i: (i, 0)),
        pl.BlockSpec((RB, 1), lambda i: (i, 0)),
        pl.BlockSpec((1, H), lambda i: (0, 0)),
        pl.BlockSpec((H, H), lambda i: (0, 0)),
    ],
    out_specs=pl.BlockSpec((RB, H), lambda i: (i, 0)),
    out_shape=jax.ShapeDtypeStruct((NP, H), jnp.float32),
)


def _post_body(p0_ref, p1_ref, hwp_ref, dinv_ref, b_ref, out_ref):
    d = dinv_ref[...]
    out_ref[...] = jnp.maximum(
        d * (p0_ref[...] + p1_ref[...] - hwp_ref[...]) + b_ref[...], 0.0)


_post = pl.pallas_call(
    _post_body,
    grid=(NB,),
    in_specs=[
        pl.BlockSpec((RB, H), lambda i: (i, 0)),
        pl.BlockSpec((RB, H), lambda i: (i, 0)),
        pl.BlockSpec((RB, H), lambda i: (i, 0)),
        pl.BlockSpec((RB, 1), lambda i: (i, 0)),
        pl.BlockSpec((1, H), lambda i: (0, 0)),
    ],
    out_specs=pl.BlockSpec((RB, H), lambda i: (i, 0)),
    out_shape=jax.ShapeDtypeStruct((NP, H), jnp.float32),
)


def _bce(z, y):
    return jnp.mean(jnp.maximum(z, 0.0) - z * y + jnp.log1p(jnp.exp(-jnp.abs(z))))


def _loss_body(gf_ref, envf_ref, bn_ref, lab_ref, wc_ref, bc_ref, wl_ref, bl_ref,
               out_ref):
    g = gf_ref[...]
    e = envf_ref[...]
    bn = bn_ref[...]

    def lab_step(r, acc):
        ids = r * 128 + lax.broadcasted_iota(jnp.int32, (1, 128), 1)
        eq = (bn == ids).astype(jnp.float32)
        lr = lab_ref[pl.ds(r, 1), :]
        return acc + jnp.sum(eq * lr, axis=1, keepdims=True)

    y = lax.fori_loop(0, NP // 128, lab_step,
                      jnp.zeros((BATCH, 1), jnp.float32))
    spos = jnp.sum(y)
    proto = jnp.sum(g * y, axis=0, keepdims=True) / jnp.maximum(spos, 1.0)
    t = jnp.dot(g, wc_ref[...], **_MM)
    z1 = jnp.sum(t * proto, axis=1, keepdims=True) + bc_ref[0, 0]
    l1 = _bce(z1, y)
    u = jnp.dot(e, wl_ref[...], **_MM)
    z2 = jnp.sum(u * g, axis=1, keepdims=True) + bl_ref[0, 0]
    l2 = _bce(z2, 1.0 - y)
    out_ref[...] = jnp.reshape(0.5 * l1 + 0.5 * l2, (1, 1))


_loss = pl.pallas_call(
    _loss_body,
    out_shape=jax.ShapeDtypeStruct((1, 1), jnp.float32),
)



@jax.jit
def kernel(x, edge_index, batch_nodes, labels, W1, b1, W2, b2, Wc, bc, Wl, bl):
    src, dst = edge_index[0], edge_index[1]
    pad = EP - EDGES
    srcp = jnp.concatenate([src, jnp.zeros((pad,), jnp.int32)])
    dstp = jnp.concatenate([dst, jnp.full((pad,), NNODES, jnp.int32)])
    src3 = srcp.reshape(NW, CH, K)
    dst3 = dstp.reshape(NW, CH, K)
    xp = jnp.pad(x, ((0, NP - NNODES), (0, 0)))
    labp = jnp.pad(labels.astype(jnp.float32), (0, NP - NNODES))
    bn2d = batch_nodes.reshape(8, 128)

    degp = _deg(jnp.zeros((NP, H), jnp.float32),
                jnp.ones((K, H), jnp.float32), dst3)
    d0 = degp[0, :, 0:1]
    d1 = degp[1, :, 0:1] + 1.0

    hwp1, hwp1m, dinv = _pre(xp, bn2d, d0, d1, W1)

    b1r = b1.reshape(1, H)
    b2r = b2.reshape(1, H)
    p = _segsum_feat(hwp1, src3, dst3)
    q = _segsum_feat(hwp1m, src3, dst3)
    hwp2 = _mid(p[0], p[1], hwp1, dinv, b1r, W2)
    hwp2m = _mid(q[0], q[1], hwp1m, dinv, b1r, W2)
    p2 = _segsum_feat(hwp2, src3, dst3)
    q2 = _segsum_feat(hwp2m, src3, dst3)
    h2 = _post(p2[0], p2[1], hwp2, dinv, b2r)
    env2 = _post(q2[0], q2[1], hwp2m, dinv, b2r)

    gf, envf = _final_gather(h2, env2, batch_nodes)
    loss = _loss(gf, envf, batch_nodes.reshape(BATCH, 1), labp.reshape(NP // 128, 128),
                 Wc[0], bc.reshape(1, 1), Wl[0], bl.reshape(1, 1))
    return gf, loss[0, 0]

# --- scband reference (transcript-rebuilt; emitter-appended) ---
"""Pipeline reference for scband-guidance-node-generator-58952721105294 (READ-ONLY COPY).

The authoritative reference and input builder live on the scoring server;
editing this copy changes nothing except your own understanding.
"""

import jax, jax.numpy as jnp
import numpy as np

N = 10000
E = 320000
D = 128
H = 128
B = 1024


def _gcn(h, src, dst, W, b):
    n = h.shape[0]
    s = jnp.concatenate([src, jnp.arange(n, dtype=src.dtype)])
    d = jnp.concatenate([dst, jnp.arange(n, dtype=dst.dtype)])
    deg = jax.ops.segment_sum(jnp.ones(s.shape[0], dtype=h.dtype), d, num_segments=n)
    dinv = jnp.where(deg > 0, deg ** -0.5, 0.0)
    norm = dinv[s] * dinv[d]
    hw = h @ W
    msg = hw[s] * norm[:, None]
    return jax.ops.segment_sum(msg, d, num_segments=n) + b


def _bilinear(x1, x2, W, b):
    return jnp.einsum('bi,oij,bj->bo', x1, W, x2) + b


def _bce_logits(z, y):
    return jnp.mean(jnp.maximum(z, 0.0) - z * y + jnp.log1p(jnp.exp(-jnp.abs(z))))


def setup_inputs(seed: int = 0):
    key = jax.random.key(seed)
    ks = jax.random.split(key, 10)
    x = jax.random.normal(ks[0], (N, D), dtype=jnp.float32)
    edge_index = jax.random.randint(ks[1], (2, E), 0, N, dtype=jnp.int32)
    batch_nodes = jax.random.randint(ks[2], (B,), 0, N, dtype=jnp.int32)
    labels = jax.random.randint(ks[3], (N,), 0, 2, dtype=jnp.int32)
    W1 = jax.random.normal(ks[4], (D, H), dtype=jnp.float32) / np.sqrt(D)
    b1 = jnp.zeros((H,), dtype=jnp.float32)
    W2 = jax.random.normal(ks[5], (H, H), dtype=jnp.float32) / np.sqrt(H)
    b2 = jnp.zeros((H,), dtype=jnp.float32)
    Wc = jax.random.normal(ks[6], (1, H, H), dtype=jnp.float32) / H
    bc = jnp.zeros((1,), dtype=jnp.float32)
    Wl = jax.random.normal(ks[7], (1, H, H), dtype=jnp.float32) / H
    bl = jnp.zeros((1,), dtype=jnp.float32)
    return {"x": x, "edge_index": edge_index, "batch_nodes": batch_nodes, "labels": labels,
            "W1": W1, "b1": b1, "W2": W2, "b2": b2,
            "Wc": Wc, "bc": bc, "Wl": Wl, "bl": bl}


def reference(x, edge_index, batch_nodes, labels, W1, b1, W2, b2, Wc, bc, Wl, bl):
    beta = 0.5
    src, dst = edge_index[0], edge_index[1]
    # two GCN layers + relu (dropout is identity in eval mode)
    h = jax.nn.relu(_gcn(x, src, dst, W1, b1))
    h = jax.nn.relu(_gcn(h, src, dst, W2, b2))
    gf = h[batch_nodes]
    lab_b = labels[batch_nodes].astype(jnp.float32)
    pos_w = lab_b
    neg_w = 1.0 - lab_b
    pos_proto = jnp.sum(gf * pos_w[:, None], axis=0, keepdims=True) / jnp.maximum(jnp.sum(pos_w), 1.0)
    neg_proto = jnp.sum(gf * neg_w[:, None], axis=0, keepdims=True) / jnp.maximum(jnp.sum(neg_w), 1.0)
    pos_sim = _bilinear(gf, jnp.broadcast_to(pos_proto, gf.shape), Wc, bc)
    neg_sim = _bilinear(gf, jnp.broadcast_to(neg_proto, gf.shape), Wc, bc)  # computed but unused, as in torch
    ctx_loss = _bce_logits(pos_sim, lab_b[:, None])
    masked_x = x.at[batch_nodes].set(0.0)
    env = jax.nn.relu(_gcn(masked_x, src, dst, W1, b1))
    env = jax.nn.relu(_gcn(env, src, dst, W2, b2))
    env_f = env[batch_nodes]
    local_sim = _bilinear(env_f, gf, Wl, bl)
    local_targets = (1.0 - lab_b)[:, None]
    local_loss = _bce_logits(local_sim, local_targets)
    total_loss = beta * ctx_loss + (1.0 - beta) * local_loss
    return (gf, total_loss)

if __name__ == "__main__":
    import jax
    _d = setup_inputs()
    print(jax.jit(kernel)(*tuple(_d.values())))

</pallas_src>

<mosaic_0001>
#map = affine_map<(d0, d1) -> (0, 0)>
#map1 = affine_map<(d0, d1) -> (0, 0, 0)>
module attributes {stable_mosaic.version = 14 : i64} {
  func.func @body(%arg0: i32, %arg1: i32, %arg2: memref<10240x128xf32, #tpu.memory_space<hbm>>, %arg3: memref<32x79x128xi32, #tpu.memory_space<hbm>>, %arg4: memref<32x79x128xi32, #tpu.memory_space<hbm>>, %arg5: memref<2x10240x128xf32, #tpu.memory_space<hbm>>, %arg6: memref<79x128xi32, #tpu.memory_space<vmem>>, %arg7: memref<79x128xi32, #tpu.memory_space<vmem>>, %arg8: memref<128x128xf32, #tpu.memory_space<vmem>>, %arg9: memref<10240x128xf32, #tpu.memory_space<vmem_shared>>) attributes {dimension_semantics = [#tpu.dimension_semantics<core_parallel>, #tpu.dimension_semantics<subcore_parallel>], iteration_bounds = array<i64: 2, 16>, scalar_prefetch = 0 : i64, scratch_operands = 4 : i64, tpu.core_type = #tpu.core_type<sc_vector_subcore>, window_params = [{transform_indices = #map}, {transform_indices = #map1}, {transform_indices = #map1}, {transform_indices = #map1}]} {
    %mul3A = arith.constant 16 : i32
    %mul3A_0 = arith.muli %arg0, %mul3A : i32
    %add3A = arith.addi %mul3A_0, %arg1 : i32
    %mul3A_1 = arith.constant 640 : i32
    %mul3A_2 = arith.muli %arg1, %mul3A_1 : i32
    "tpu.region"() ({
      %run_scoped3A = tpu.sem_alloc : memref<!tpu.dma_semaphore, #tpu.memory_space<semaphore_mem>>
      %dma_start3A = arith.constant 0 : i32
      %dma_start3A_8 = tpu.memref_slice %arg9[%mul3A_2, %dma_start3A] : memref<10240x128xf32, #tpu.memory_space<vmem_shared>> -> memref<640x128xf32, #tpu.memory_space<vmem_shared>>
      %dma_start3A_9 = arith.constant 0 : i32
      %dma_start3A_10 = tpu.memref_slice %arg2[%mul3A_2, %dma_start3A_9] : memref<10240x128xf32, #tpu.memory_space<hbm>> -> memref<640x128xf32, #tpu.memory_space<hbm>>
      tpu.enqueue_dma source(%dma_start3A_10 : memref<640x128xf32, #tpu.memory_space<hbm>>) target(%dma_start3A_8 : memref<640x128xf32, #tpu.memory_space<vmem_shared>>) target_semaphore(%run_scoped3A : memref<!tpu.dma_semaphore, #tpu.memory_space<semaphore_mem>>)
      %dma_wait3A = arith.constant 0 : i32
      %dma_wait3A_11 = tpu.memref_slice %arg9[%mul3A_2, %dma_wait3A] : memref<10240x128xf32, #tpu.memory_space<vmem_shared>> -> memref<640x128xf32, #tpu.memory_space<vmem_shared>>
      %dma_wait3A_12 = arith.constant 0 : i32
      %dma_wait3A_13 = tpu.memref_slice %arg2[%mul3A_2, %dma_wait3A_12] : memref<10240x128xf32, #tpu.memory_space<hbm>> -> memref<640x128xf32, #tpu.memory_space<hbm>>
      tpu.wait_dma2 semaphore(%run_scoped3A : memref<!tpu.dma_semaphore, #tpu.memory_space<semaphore_mem>>) src(%dma_wait3A_13 : memref<640x128xf32, #tpu.memory_space<hbm>>) dst(%dma_wait3A_11 : memref<640x128xf32, #tpu.memory_space<vmem_shared>>)
      tpu.yield
    }) : () -> ()
    "tpu.region"() ({
      %run_scoped3A = tpu.sem_alloc : memref<!tpu.dma_semaphore, #tpu.memory_space<semaphore_mem>>
      %dma_start3A = arith.constant 0 : i32
      %dma_start3A_8 = arith.constant 0 : i32
      %dma_start3A_9 = tpu.memref_slice %arg3[%add3A, %dma_start3A, %dma_start3A_8] : memref<32x79x128xi32, #tpu.memory_space<hbm>> -> memref<1x79x128xi32, #tpu.memory_space<hbm>>
      %dma_start3A_10 = tpu.memref_squeeze %dma_start3A_9 : memref<1x79x128xi32, #tpu.memory_space<hbm>> -> memref<79x128xi32, #tpu.memory_space<hbm>>
      %dma_start3A_11 = arith.constant 0 : i32
      %dma_start3A_12 = arith.constant 0 : i32
      %dma_start3A_13 = tpu.memref_slice %arg3[%add3A, %dma_start3A_11, %dma_start3A_12] : memref<32x79x128xi32, #tpu.memory_space<hbm>> -> memref<1x79x128xi32, #tpu.memory_space<hbm>>
      %dma_start3A_14 = tpu.memref_squeeze %dma_start3A_13 : memref<1x79x128xi32, #tpu.memory_space<hbm>> -> memref<79x128xi32, #tpu.memory_space<hbm>>
      tpu.enqueue_dma source(%dma_start3A_14 : memref<79x128xi32, #tpu.memory_space<hbm>>) target(%arg6 : memref<79x128xi32, #tpu.memory_space<vmem>>) target_semaphore(%run_scoped3A : memref<!tpu.dma_semaphore, #tpu.memory_space<semaphore_mem>>)
      %dma_wait3A = arith.constant 0 : i32
      %dma_wait3A_15 = arith.constant 0 : i32
      %dma_wait3A_16 = tpu.memref_slice %arg3[%add3A, %dma_wait3A, %dma_wait3A_15] : memref<32x79x128xi32, #tpu.memory_space<hbm>> -> memref<1x79x128xi32, #tpu.memory_space<hbm>>
      %dma_wait3A_17 = tpu.memref_squeeze %dma_wait3A_16 : memref<1x79x128xi32, #tpu.memory_space<hbm>> -> memref<79x128xi32, #tpu.memory_space<hbm>>
      %dma_wait3A_18 = arith.constant 0 : i32
      %dma_wait3A_19 = arith.constant 0 : i32
      %dma_wait3A_20 = tpu.memref_slice %arg3[%add3A, %dma_wait3A_18, %dma_wait3A_19] : memref<32x79x128xi32, #tpu.memory_space<hbm>> -> memref<1x79x128xi32, #tpu.memory_space<hbm>>
      %dma_wait3A_21 = tpu.memref_squeeze %dma_wait3A_20 : memref<1x79x128xi32, #tpu.memory_space<hbm>> -> memref<79x128xi32, #tpu.memory_space<hbm>>
      tpu.wait_dma2 semaphore(%run_scoped3A : memref<!tpu.dma_semaphore, #tpu.memory_space<semaphore_mem>>) src(%dma_wait3A_21 : memref<79x128xi32, #tpu.memory_space<hbm>>) dst(%arg6 : memref<79x128xi32, #tpu.memory_space<vmem>>)
      tpu.yield
    }) : () -> ()
    "tpu.region"() ({
      %run_scoped3A = tpu.sem_alloc : memref<!tpu.dma_semaphore, #tpu.memory_space<semaphore_mem>>
      %dma_start3A = arith.constant 0 : i32
      %dma_start3A_8 = arith.constant 0 : i32
      %dma_start3A_9 = tpu.memref_slice %arg4[%add3A, %dma_start3A, %dma_start3A_8] : memref<32x79x128xi32, #tpu.memory_space<hbm>> -> memref<1x79x128xi32, #tpu.memory_space<hbm>>
      %dma_start3A_10 = tpu.memref_squeeze %dma_start3A_9 : memref<1x79x128xi32, #tpu.memory_space<hbm>> -> memref<79x128xi32, #tpu.memory_space<hbm>>
      %dma_start3A_11 = arith.constant 0 : i32
      %dma_start3A_12 = arith.constant 0 : i32
      %dma_start3A_13 = tpu.memref_slice %arg4[%add3A, %dma_start3A_11, %dma_start3A_12] : memref<32x79x128xi32, #tpu.memory_space<hbm>> -> memref<1x79x128xi32, #tpu.memory_space<hbm>>
      %dma_start3A_14 = tpu.memref_squeeze %dma_start3A_13 : memref<1x79x128xi32, #tpu.memory_space<hbm>> -> memref<79x128xi32, #tpu.memory_space<hbm>>
      tpu.enqueue_dma source(%dma_start3A_14 : memref<79x128xi32, #tpu.memory_space<hbm>>) target(%arg7 : memref<79x128xi32, #tpu.memory_space<vmem>>) target_semaphore(%run_scoped3A : memref<!tpu.dma_semaphore, #tpu.memory_space<semaphore_mem>>)
      %dma_wait3A = arith.constant 0 : i32
      %dma_wait3A_15 = arith.constant 0 : i32
      %dma_wait3A_16 = tpu.memref_slice %arg4[%add3A, %dma_wait3A, %dma_wait3A_15] : memref<32x79x128xi32, #tpu.memory_space<hbm>> -> memref<1x79x128xi32, #tpu.memory_space<hbm>>
      %dma_wait3A_17 = tpu.memref_squeeze %dma_wait3A_16 : memref<1x79x128xi32, #tpu.memory_space<hbm>> -> memref<79x128xi32, #tpu.memory_space<hbm>>
      %dma_wait3A_18 = arith.constant 0 : i32
      %dma_wait3A_19 = arith.constant 0 : i32
      %dma_wait3A_20 = tpu.memref_slice %arg4[%add3A, %dma_wait3A_18, %dma_wait3A_19] : memref<32x79x128xi32, #tpu.memory_space<hbm>> -> memref<1x79x128xi32, #tpu.memory_space<hbm>>
      %dma_wait3A_21 = tpu.memref_squeeze %dma_wait3A_20 : memref<1x79x128xi32, #tpu.memory_space<hbm>> -> memref<79x128xi32, #tpu.memory_space<hbm>>
      tpu.wait_dma2 semaphore(%run_scoped3A : memref<!tpu.dma_semaphore, #tpu.memory_space<semaphore_mem>>) src(%dma_wait3A_21 : memref<79x128xi32, #tpu.memory_space<hbm>>) dst(%arg7 : memref<79x128xi32, #tpu.memory_space<vmem>>)
      tpu.yield
    }) : () -> ()
    %barrier3A = arith.constant 0 : index
    tpu.barrier barrier_id(%barrier3A)
    %scan3A = arith.constant 0 : i32
    %scan3A_3 = arith.constant 79 : i32
    %scan3A_4 = arith.addi %scan3A, %scan3A_3 : i32
    %scan3A_5 = arith.constant 1 : i32
    scf.for %scan3A_8 = %scan3A to %scan3A_4 step %scan3A_5  : i32 {
      %mul3A_9 = arith.constant 1 : i32
      %mul3A_10 = arith.muli %scan3A_8, %mul3A_9 : i32
      %add3A_11 = arith.constant 0 : i32
      %add3A_12 = arith.addi %add3A_11, %mul3A_10 : i32
      "tpu.region"() ({
        %run_scoped3A = tpu.sem_alloc : memref<!tpu.dma_semaphore, #tpu.memory_space<semaphore_mem>>
        %dma_start3A = arith.constant 0 : i32
        %dma_start3A_13 = tpu.memref_slice %arg6[%add3A_12, %dma_start3A] : memref<79x128xi32, #tpu.memory_space<vmem>> -> memref<1x128xi32, #tpu.memory_space<vmem>>
        %dma_start3A_14 = tpu.memref_squeeze %dma_start3A_13 : memref<1x128xi32, #tpu.memory_space<vmem>> -> memref<128xi32, #tpu.memory_space<vmem>>
        %dma_start3A_15 = arith.constant 0 : i32
        %dma_start3A_16 = arith.constant 0 : i32
        %dma_start3A_17 = tpu.memref_slice %arg2[%dma_start3A_15, %dma_start3A_16] : memref<10240x128xf32, #tpu.memory_space<hbm>> -> memref<10240x128xf32, #tpu.memory_space<hbm>>
        tpu.enqueue_indirect_dma source(%dma_start3A_17 : memref<10240x128xf32, #tpu.memory_space<hbm>>) target(%arg8 : memref<128x128xf32, #tpu.memory_space<vmem>>) offsets(%dma_start3A_14 : memref<128xi32, #tpu.memory_space<vmem>>) semaphore(%run_scoped3A : memref<!tpu.dma_semaphore, #tpu.memory_space<semaphore_mem>>)
        %dma_wait3A = arith.constant 0 : i32
        %dma_wait3A_18 = tpu.memref_slice %arg6[%add3A_12, %dma_wait3A] : memref<79x128xi32, #tpu.memory_space<vmem>> -> memref<1x128xi32, #tpu.memory_space<vmem>>
        %dma_wait3A_19 = tpu.memref_squeeze %dma_wait3A_18 : memref<1x128xi32, #tpu.memory_space<vmem>> -> memref<128xi32, #tpu.memory_space<vmem>>
        %dma_wait3A_20 = arith.constant 0 : i32
        %dma_wait3A_21 = arith.constant 0 : i32
        %dma_wait3A_22 = tpu.memref_slice %arg2[%dma_wait3A_20, %dma_wait3A_21] : memref<10240x128xf32, #tpu.memory_space<hbm>> -> memref<10240x128xf32, #tpu.memory_space<hbm>>
        tpu.wait_indirect_dma semaphore(%run_scoped3A : memref<!tpu.dma_semaphore, #tpu.memory_space<semaphore_mem>>) src(%dma_wait3A_22 : memref<10240x128xf32, #tpu.memory_space<hbm>>) dst(%arg8 : memref<128x128xf32, #tpu.memory_space<vmem>>)
        tpu.yield
      }) : () -> ()
      "tpu.region"() ({
        %run_scoped3A = tpu.sem_alloc : memref<!tpu.dma_semaphore, #tpu.memory_space<semaphore_mem>>
        %dma_start3A = arith.constant 0 : i32
        %dma_start3A_13 = tpu.memref_slice %arg7[%add3A_12, %dma_start3A] : memref<79x128xi32, #tpu.memory_space<vmem>> -> memref<1x128xi32, #tpu.memory_space<vmem>>
        %dma_start3A_14 = tpu.memref_squeeze %dma_start3A_13 : memref<1x128xi32, #tpu.memory_space<vmem>> -> memref<128xi32, #tpu.memory_space<vmem>>
        %dma_start3A_15 = arith.constant 0 : i32
        %dma_start3A_16 = arith.constant 0 : i32
        %dma_start3A_17 = tpu.memref_slice %arg9[%dma_start3A_15, %dma_start3A_16] : memref<10240x128xf32, #tpu.memory_space<vmem_shared>> -> memref<10240x128xf32, #tpu.memory_space<vmem_shared>>
        tpu.enqueue_indirect_dma source(%arg8 : memref<128x128xf32, #tpu.memory_space<vmem>>) target(%dma_start3A_17 : memref<10240x128xf32, #tpu.memory_space<vmem_shared>>) offsets(%dma_start3A_14 : memref<128xi32, #tpu.memory_space<vmem>>) semaphore(%run_scoped3A : memref<!tpu.dma_semaphore, #tpu.memory_space<semaphore_mem>>) {add = true}
        %dma_wait3A = arith.constant 0 : i32
        %dma_wait3A_18 = tpu.memref_slice %arg7[%add3A_12, %dma_wait3A] : memref<79x128xi32, #tpu.memory_space<vmem>> -> memref<1x128xi32, #tpu.memory_space<vmem>>
        %dma_wait3A_19 = tpu.memref_squeeze %dma_wait3A_18 : memref<1x128xi32, #tpu.memory_space<vmem>> -> memref<128xi32, #tpu.memory_space<vmem>>
        %dma_wait3A_20 = arith.constant 0 : i32
        %dma_wait3A_21 = arith.constant 0 : i32
        %dma_wait3A_22 = tpu.memref_slice %arg9[%dma_wait3A_20, %dma_wait3A_21] : memref<10240x128xf32, #tpu.memory_space<vmem_shared>> -> memref<10240x128xf32, #tpu.memory_space<vmem_shared>>
        tpu.wait_indirect_dma semaphore(%run_scoped3A : memref<!tpu.dma_semaphore, #tpu.memory_space<semaphore_mem>>) src(%arg8 : memref<128x128xf32, #tpu.memory_space<vmem>>) dst(%dma_wait3A_22 : memref<10240x128xf32, #tpu.memory_space<vmem_shared>>)
        tpu.yield
      }) : () -> ()
    }
    %scan3A_6 = arith.constant 79 : i32
    %barrier3A_7 = arith.constant 0 : index
    tpu.barrier barrier_id(%barrier3A_7)
    "tpu.region"() ({
      %run_scoped3A = tpu.sem_alloc : memref<!tpu.dma_semaphore, #tpu.memory_space<semaphore_mem>>
      %dma_start3A = arith.constant 0 : i32
      %dma_start3A_8 = tpu.memref_slice %arg5[%arg0, %mul3A_2, %dma_start3A] : memref<2x10240x128xf32, #tpu.memory_space<hbm>> -> memref<1x640x128xf32, #tpu.memory_space<hbm>>
      %dma_start3A_9 = tpu.memref_squeeze %dma_start3A_8 : memref<1x640x128xf32, #tpu.memory_space<hbm>> -> memref<640x128xf32, #tpu.memory_space<hbm>>
      %dma_start3A_10 = arith.constant 0 : i32
      %dma_start3A_11 = tpu.memref_slice %arg9[%mul3A_2, %dma_start3A_10] : memref<10240x128xf32, #tpu.memory_space<vmem_shared>> -> memref<640x128xf32, #tpu.memory_space<vmem_shared>>
      tpu.enqueue_dma source(%dma_start3A_11 : memref<640x128xf32, #tpu.memory_space<vmem_shared>>) target(%dma_start3A_9 : memref<640x128xf32, #tpu.memory_space<hbm>>) target_semaphore(%run_scoped3A : memref<!tpu.dma_semaphore, #tpu.memory_space<semaphore_mem>>)
      %dma_wait3A = arith.constant 0 : i32
      %dma_wait3A_12 = tpu.memref_slice %arg5[%arg0, %mul3A_2, %dma_wait3A] : memref<2x10240x128xf32, #tpu.memory_space<hbm>> -> memref<1x640x128xf32, #tpu.memory_space<hbm>>
      %dma_wait3A_13 = tpu.memref_squeeze %dma_wait3A_12 : memref<1x640x128xf32, #tpu.memory_space<hbm>> -> memref<640x128xf32, #tpu.memory_space<hbm>>
      %dma_wait3A_14 = arith.constant 0 : i32
      %dma_wait3A_15 = tpu.memref_slice %arg9[%mul3A_2, %dma_wait3A_14] : memref<10240x128xf32, #tpu.memory_space<vmem_shared>> -> memref<640x128xf32, #tpu.memory_space<vmem_shared>>
      tpu.wait_dma2 semaphore(%run_scoped3A : memref<!tpu.dma_semaphore, #tpu.memory_space<semaphore_mem>>) src(%dma_wait3A_15 : memref<640x128xf32, #tpu.memory_space<vmem_shared>>) dst(%dma_wait3A_13 : memref<640x128xf32, #tpu.memory_space<hbm>>)
      tpu.yield
    }) : () -> ()
    return
  }
}

#map = affine_map<(d0, d1) -> (0, 0)>
#map1 = affine_map<(d0, d1) -> (0, 0, 0)>
module attributes {stable_mosaic.version = 14 : i64} {
  func.func @_deg_body(%arg0: i32, %arg1: i32, %arg2: memref<10240x128xf32, #tpu.memory_space<hbm>>, %arg3: memref<128x128xf32, #tpu.memory_space<hbm>>, %arg4: memref<32x79x128xi32, #tpu.memory_space<hbm>>, %arg5: memref<2x10240x128xf32, #tpu.memory_space<hbm>>, %arg6: memref<79x128xi32, #tpu.memory_space<vmem>>, %arg7: memref<128x128xf32, #tpu.memory_space<vmem>>, %arg8: memref<10240x128xf32, #tpu.memory_space<vmem_shared>>) attributes {dimension_semantics = [#tpu.dimension_semantics<core_parallel>, #tpu.dimension_semantics<subcore_parallel>], iteration_bounds = array<i64: 2, 16>, scalar_prefetch = 0 : i64, scratch_operands = 3 : i64, tpu.core_type = #tpu.core_type<sc_vector_subcore>, window_params = [{transform_indices = #map}, {transform_indices = #map}, {transform_indices = #map1}, {transform_indices = #map1}]} {
    %mul3A = arith.constant 16 : i32
    %mul3A_0 = arith.muli %arg0, %mul3A : i32
    %add3A = arith.addi %mul3A_0, %arg1 : i32
    %mul3A_1 = arith.constant 640 : i32
    %mul3A_2 = arith.muli %arg1, %mul3A_1 : i32
    "tpu.region"() ({
      %run_scoped3A = tpu.sem_alloc : memref<!tpu.dma_semaphore, #tpu.memory_space<semaphore_mem>>
      %dma_start3A = arith.constant 0 : i32
      %dma_start3A_8 = tpu.memref_slice %arg8[%mul3A_2, %dma_start3A] : memref<10240x128xf32, #tpu.memory_space<vmem_shared>> -> memref<640x128xf32, #tpu.memory_space<vmem_shared>>
      %dma_start3A_9 = arith.constant 0 : i32
      %dma_start3A_10 = tpu.memref_slice %arg2[%mul3A_2, %dma_start3A_9] : memref<10240x128xf32, #tpu.memory_space<hbm>> -> memref<640x128xf32, #tpu.memory_space<hbm>>
      tpu.enqueue_dma source(%dma_start3A_10 : memref<640x128xf32, #tpu.memory_space<hbm>>) target(%dma_start3A_8 : memref<640x128xf32, #tpu.memory_space<vmem_shared>>) target_semaphore(%run_scoped3A : memref<!tpu.dma_semaphore, #tpu.memory_space<semaphore_mem>>)
      %dma_wait3A = arith.constant 0 : i32
      %dma_wait3A_11 = tpu.memref_slice %arg8[%mul3A_2, %dma_wait3A] : memref<10240x128xf32, #tpu.memory_space<vmem_shared>> -> memref<640x128xf32, #tpu.memory_space<vmem_shared>>
      %dma_wait3A_12 = arith.constant 0 : i32
      %dma_wait3A_13 = tpu.memref_slice %arg2[%mul3A_2, %dma_wait3A_12] : memref<10240x128xf32, #tpu.memory_space<hbm>> -> memref<640x128xf32, #tpu.memory_space<hbm>>
      tpu.wait_dma2 semaphore(%run_scoped3A : memref<!tpu.dma_semaphore, #tpu.memory_space<semaphore_mem>>) src(%dma_wait3A_13 : memref<640x128xf32, #tpu.memory_space<hbm>>) dst(%dma_wait3A_11 : memref<640x128xf32, #tpu.memory_space<vmem_shared>>)
      tpu.yield
    }) : () -> ()
    "tpu.region"() ({
      %run_scoped3A = tpu.sem_alloc : memref<!tpu.dma_semaphore, #tpu.memory_space<semaphore_mem>>
      %dma_start3A = arith.constant 0 : i32
      %dma_start3A_8 = arith.constant 0 : i32
      %dma_start3A_9 = tpu.memref_slice %arg4[%add3A, %dma_start3A, %dma_start3A_8] : memref<32x79x128xi32, #tpu.memory_space<hbm>> -> memref<1x79x128xi32, #tpu.memory_space<hbm>>
      %dma_start3A_10 = tpu.memref_squeeze %dma_start3A_9 : memref<1x79x128xi32, #tpu.memory_space<hbm>> -> memref<79x128xi32, #tpu.memory_space<hbm>>
      %dma_start3A_11 = arith.constant 0 : i32
      %dma_start3A_12 = arith.constant 0 : i32
      %dma_start3A_13 = tpu.memref_slice %arg4[%add3A, %dma_start3A_11, %dma_start3A_12] : memref<32x79x128xi32, #tpu.memory_space<hbm>> -> memref<1x79x128xi32, #tpu.memory_space<hbm>>
      %dma_start3A_14 = tpu.memref_squeeze %dma_start3A_13 : memref<1x79x128xi32, #tpu.memory_space<hbm>> -> memref<79x128xi32, #tpu.memory_space<hbm>>
      tpu.enqueue_dma source(%dma_start3A_14 : memref<79x128xi32, #tpu.memory_space<hbm>>) target(%arg6 : memref<79x128xi32, #tpu.memory_space<vmem>>) target_semaphore(%run_scoped3A : memref<!tpu.dma_semaphore, #tpu.memory_space<semaphore_mem>>)
      %dma_wait3A = arith.constant 0 : i32
      %dma_wait3A_15 = arith.constant 0 : i32
      %dma_wait3A_16 = tpu.memref_slice %arg4[%add3A, %dma_wait3A, %dma_wait3A_15] : memref<32x79x128xi32, #tpu.memory_space<hbm>> -> memref<1x79x128xi32, #tpu.memory_space<hbm>>
      %dma_wait3A_17 = tpu.memref_squeeze %dma_wait3A_16 : memref<1x79x128xi32, #tpu.memory_space<hbm>> -> memref<79x128xi32, #tpu.memory_space<hbm>>
      %dma_wait3A_18 = arith.constant 0 : i32
      %dma_wait3A_19 = arith.constant 0 : i32
      %dma_wait3A_20 = tpu.memref_slice %arg4[%add3A, %dma_wait3A_18, %dma_wait3A_19] : memref<32x79x128xi32, #tpu.memory_space<hbm>> -> memref<1x79x128xi32, #tpu.memory_space<hbm>>
      %dma_wait3A_21 = tpu.memref_squeeze %dma_wait3A_20 : memref<1x79x128xi32, #tpu.memory_space<hbm>> -> memref<79x128xi32, #tpu.memory_space<hbm>>
      tpu.wait_dma2 semaphore(%run_scoped3A : memref<!tpu.dma_semaphore, #tpu.memory_space<semaphore_mem>>) src(%dma_wait3A_21 : memref<79x128xi32, #tpu.memory_space<hbm>>) dst(%arg6 : memref<79x128xi32, #tpu.memory_space<vmem>>)
      tpu.yield
    }) : () -> ()
    "tpu.region"() ({
      %run_scoped3A = tpu.sem_alloc : memref<!tpu.dma_semaphore, #tpu.memory_space<semaphore_mem>>
      tpu.enqueue_dma source(%arg3 : memref<128x128xf32, #tpu.memory_space<hbm>>) target(%arg7 : memref<128x128xf32, #tpu.memory_space<vmem>>) target_semaphore(%run_scoped3A : memref<!tpu.dma_semaphore, #tpu.memory_space<semaphore_mem>>)
      tpu.wait_dma2 semaphore(%run_scoped3A : memref<!tpu.dma_semaphore, #tpu.memory_space<semaphore_mem>>) src(%arg3 : memref<128x128xf32, #tpu.memory_space<hbm>>) dst(%arg7 : memref<128x128xf32, #tpu.memory_space<vmem>>)
      tpu.yield
    }) : () -> ()
    %barrier3A = arith.constant 0 : index
    tpu.barrier barrier_id(%barrier3A)
    %scan3A = arith.constant 0 : i32
    %scan3A_3 = arith.constant 79 : i32
    %scan3A_4 = arith.addi %scan3A, %scan3A_3 : i32
    %scan3A_5 = arith.constant 1 : i32
    scf.for %scan3A_8 = %scan3A to %scan3A_4 step %scan3A_5  : i32 {
      %mul3A_9 = arith.constant 1 : i32
      %mul3A_10 = arith.muli %scan3A_8, %mul3A_9 : i32
      %add3A_11 = arith.constant 0 : i32
      %add3A_12 = arith.addi %add3A_11, %mul3A_10 : i32
      "tpu.region"() ({
        %run_scoped3A = tpu.sem_alloc : memref<!tpu.dma_semaphore, #tpu.memory_space<semaphore_mem>>
        %dma_start3A = arith.constant 0 : i32
        %dma_start3A_13 = tpu.memref_slice %arg6[%add3A_12, %dma_start3A] : memref<79x128xi32, #tpu.memory_space<vmem>> -> memref<1x128xi32, #tpu.memory_space<vmem>>
        %dma_start3A_14 = tpu.memref_squeeze %dma_start3A_13 : memref<1x128xi32, #tpu.memory_space<vmem>> -> memref<128xi32, #tpu.memory_space<vmem>>
        %dma_start3A_15 = arith.constant 0 : i32
        %dma_start3A_16 = arith.constant 0 : i32
        %dma_start3A_17 = tpu.memref_slice %arg8[%dma_start3A_15, %dma_start3A_16] : memref<10240x128xf32, #tpu.memory_space<vmem_shared>> -> memref<10240x128xf32, #tpu.memory_space<vmem_shared>>
        tpu.enqueue_indirect_dma source(%arg7 : memref<128x128xf32, #tpu.memory_space<vmem>>) target(%dma_start3A_17 : memref<10240x128xf32, #tpu.memory_space<vmem_shared>>) offsets(%dma_start3A_14 : memref<128xi32, #tpu.memory_space<vmem>>) semaphore(%run_scoped3A : memref<!tpu.dma_semaphore, #tpu.memory_space<semaphore_mem>>) {add = true}
        %dma_wait3A = arith.constant 0 : i32
        %dma_wait3A_18 = tpu.memref_slice %arg6[%add3A_12, %dma_wait3A] : memref<79x128xi32, #tpu.memory_space<vmem>> -> memref<1x128xi32, #tpu.memory_space<vmem>>
        %dma_wait3A_19 = tpu.memref_squeeze %dma_wait3A_18 : memref<1x128xi32, #tpu.memory_space<vmem>> -> memref<128xi32, #tpu.memory_space<vmem>>
        %dma_wait3A_20 = arith.constant 0 : i32
        %dma_wait3A_21 = arith.constant 0 : i32
        %dma_wait3A_22 = tpu.memref_slice %arg8[%dma_wait3A_20, %dma_wait3A_21] : memref<10240x128xf32, #tpu.memory_space<vmem_shared>> -> memref<10240x128xf32, #tpu.memory_space<vmem_shared>>
        tpu.wait_indirect_dma semaphore(%run_scoped3A : memref<!tpu.dma_semaphore, #tpu.memory_space<semaphore_mem>>) src(%arg7 : memref<128x128xf32, #tpu.memory_space<vmem>>) dst(%dma_wait3A_22 : memref<10240x128xf32, #tpu.memory_space<vmem_shared>>)
        tpu.yield
      }) : () -> ()
    }
    %scan3A_6 = arith.constant 79 : i32
    %barrier3A_7 = arith.constant 0 : index
    tpu.barrier barrier_id(%barrier3A_7)
    "tpu.region"() ({
      %run_scoped3A = tpu.sem_alloc : memref<!tpu.dma_semaphore, #tpu.memory_space<semaphore_mem>>
      %dma_start3A = arith.constant 0 : i32
      %dma_start3A_8 = tpu.memref_slice %arg5[%arg0, %mul3A_2, %dma_start3A] : memref<2x10240x128xf32, #tpu.memory_space<hbm>> -> memref<1x640x128xf32, #tpu.memory_space<hbm>>
      %dma_start3A_9 = tpu.memref_squeeze %dma_start3A_8 : memref<1x640x128xf32, #tpu.memory_space<hbm>> -> memref<640x128xf32, #tpu.memory_space<hbm>>
      %dma_start3A_10 = arith.constant 0 : i32
      %dma_start3A_11 = tpu.memref_slice %arg8[%mul3A_2, %dma_start3A_10] : memref<10240x128xf32, #tpu.memory_space<vmem_shared>> -> memref<640x128xf32, #tpu.memory_space<vmem_shared>>
      tpu.enqueue_dma source(%dma_start3A_11 : memref<640x128xf32, #tpu.memory_space<vmem_shared>>) target(%dma_start3A_9 : memref<640x128xf32, #tpu.memory_space<hbm>>) target_semaphore(%run_scoped3A : memref<!tpu.dma_semaphore, #tpu.memory_space<semaphore_mem>>)
      %dma_wait3A = arith.constant 0 : i32
      %dma_wait3A_12 = tpu.memref_slice %arg5[%arg0, %mul3A_2, %dma_wait3A] : memref<2x10240x128xf32, #tpu.memory_space<hbm>> -> memref<1x640x128xf32, #tpu.memory_space<hbm>>
      %dma_wait3A_13 = tpu.memref_squeeze %dma_wait3A_12 : memref<1x640x128xf32, #tpu.memory_space<hbm>> -> memref<640x128xf32, #tpu.memory_space<hbm>>
      %dma_wait3A_14 = arith.constant 0 : i32
      %dma_wait3A_15 = tpu.memref_slice %arg8[%mul3A_2, %dma_wait3A_14] : memref<10240x128xf32, #tpu.memory_space<vmem_shared>> -> memref<640x128xf32, #tpu.memory_space<vmem_shared>>
      tpu.wait_dma2 semaphore(%run_scoped3A : memref<!tpu.dma_semaphore, #tpu.memory_space<semaphore_mem>>) src(%dma_wait3A_15 : memref<640x128xf32, #tpu.memory_space<vmem_shared>>) dst(%dma_wait3A_13 : memref<640x128xf32, #tpu.memory_space<hbm>>)
      tpu.yield
    }) : () -> ()
    return
  }
}

#map = affine_map<(d0, d1) -> (0, 0)>
#map1 = affine_map<(d0, d1) -> (0, 0, 0)>
module attributes {stable_mosaic.version = 14 : i64} {
  func.func @body(%arg0: i32, %arg1: i32, %arg2: memref<10240x128xf32, #tpu.memory_space<hbm>>, %arg3: memref<32x79x128xi32, #tpu.memory_space<hbm>>, %arg4: memref<32x79x128xi32, #tpu.memory_space<hbm>>, %arg5: memref<2x10240x128xf32, #tpu.memory_space<hbm>>, %arg6: memref<79x128xi32, #tpu.memory_space<vmem>>, %arg7: memref<79x128xi32, #tpu.memory_space<vmem>>, %arg8: memref<128x128xf32, #tpu.memory_space<vmem>>, %arg9: memref<10240x128xf32, #tpu.memory_space<vmem_shared>>) attributes {dimension_semantics = [#tpu.dimension_semantics<core_parallel>, #tpu.dimension_semantics<subcore_parallel>], iteration_bounds = array<i64: 2, 16>, scalar_prefetch = 0 : i64, scratch_operands = 4 : i64, tpu.core_type = #tpu.core_type<sc_vector_subcore>, window_params = [{transform_indices = #map}, {transform_indices = #map1}, {transform_indices = #map1}, {transform_indices = #map1}]} {
    %mul3A = arith.constant 16 : i32
    %mul3A_0 = arith.muli %arg0, %mul3A : i32
    %add3A = arith.addi %mul3A_0, %arg1 : i32
    %mul3A_1 = arith.constant 640 : i32
    %mul3A_2 = arith.muli %arg1, %mul3A_1 : i32
    "tpu.region"() ({
      %run_scoped3A = tpu.sem_alloc : memref<!tpu.dma_semaphore, #tpu.memory_space<semaphore_mem>>
      %dma_start3A = arith.constant 0 : i32
      %dma_start3A_8 = tpu.memref_slice %arg9[%mul3A_2, %dma_start3A] : memref<10240x128xf32, #tpu.memory_space<vmem_shared>> -> memref<640x128xf32, #tpu.memory_space<vmem_shared>>
      %dma_start3A_9 = arith.constant 0 : i32
      %dma_start3A_10 = tpu.memref_slice %arg2[%mul3A_2, %dma_start3A_9] : memref<10240x128xf32, #tpu.memory_space<hbm>> -> memref<640x128xf32, #tpu.memory_space<hbm>>
      tpu.enqueue_dma source(%dma_start3A_10 : memref<640x128xf32, #tpu.memory_space<hbm>>) target(%dma_start3A_8 : memref<640x128xf32, #tpu.memory_space<vmem_shared>>) target_semaphore(%run_scoped3A : memref<!tpu.dma_semaphore, #tpu.memory_space<semaphore_mem>>)
      %dma_wait3A = arith.constant 0 : i32
      %dma_wait3A_11 = tpu.memref_slice %arg9[%mul3A_2, %dma_wait3A] : memref<10240x128xf32, #tpu.memory_space<vmem_shared>> -> memref<640x128xf32, #tpu.memory_space<vmem_shared>>
      %dma_wait3A_12 = arith.constant 0 : i32
      %dma_wait3A_13 = tpu.memref_slice %arg2[%mul3A_2, %dma_wait3A_12] : memref<10240x128xf32, #tpu.memory_space<hbm>> -> memref<640x128xf32, #tpu.memory_space<hbm>>
      tpu.wait_dma2 semaphore(%run_scoped3A : memref<!tpu.dma_semaphore, #tpu.memory_space<semaphore_mem>>) src(%dma_wait3A_13 : memref<640x128xf32, #tpu.memory_space<hbm>>) dst(%dma_wait3A_11 : memref<640x128xf32, #tpu.memory_space<vmem_shared>>)
      tpu.yield
    }) : () -> ()
    "tpu.region"() ({
      %run_scoped3A = tpu.sem_alloc : memref<!tpu.dma_semaphore, #tpu.memory_space<semaphore_mem>>
      %dma_start3A = arith.constant 0 : i32
      %dma_start3A_8 = arith.constant 0 : i32
      %dma_start3A_9 = tpu.memref_slice %arg3[%add3A, %dma_start3A, %dma_start3A_8] : memref<32x79x128xi32, #tpu.memory_space<hbm>> -> memref<1x79x128xi32, #tpu.memory_space<hbm>>
      %dma_start3A_10 = tpu.memref_squeeze %dma_start3A_9 : memref<1x79x128xi32, #tpu.memory_space<hbm>> -> memref<79x128xi32, #tpu.memory_space<hbm>>
      %dma_start3A_11 = arith.constant 0 : i32
      %dma_start3A_12 = arith.constant 0 : i32
      %dma_start3A_13 = tpu.memref_slice %arg3[%add3A, %dma_start3A_11, %dma_start3A_12] : memref<32x79x128xi32, #tpu.memory_space<hbm>> -> memref<1x79x128xi32, #tpu.memory_space<hbm>>
      %dma_start3A_14 = tpu.memref_squeeze %dma_start3A_13 : memref<1x79x128xi32, #tpu.memory_space<hbm>> -> memref<79x128xi32, #tpu.memory_space<hbm>>
      tpu.enqueue_dma source(%dma_start3A_14 : memref<79x128xi32, #tpu.memory_space<hbm>>) target(%arg6 : memref<79x128xi32, #tpu.memory_space<vmem>>) target_semaphore(%run_scoped3A : memref<!tpu.dma_semaphore, #tpu.memory_space<semaphore_mem>>)
      %dma_wait3A = arith.constant 0 : i32
      %dma_wait3A_15 = arith.constant 0 : i32
      %dma_wait3A_16 = tpu.memref_slice %arg3[%add3A, %dma_wait3A, %dma_wait3A_15] : memref<32x79x128xi32, #tpu.memory_space<hbm>> -> memref<1x79x128xi32, #tpu.memory_space<hbm>>
      %dma_wait3A_17 = tpu.memref_squeeze %dma_wait3A_16 : memref<1x79x128xi32, #tpu.memory_space<hbm>> -> memref<79x128xi32, #tpu.memory_space<hbm>>
      %dma_wait3A_18 = arith.constant 0 : i32
      %dma_wait3A_19 = arith.constant 0 : i32
      %dma_wait3A_20 = tpu.memref_slice %arg3[%add3A, %dma_wait3A_18, %dma_wait3A_19] : memref<32x79x128xi32, #tpu.memory_space<hbm>> -> memref<1x79x128xi32, #tpu.memory_space<hbm>>
      %dma_wait3A_21 = tpu.memref_squeeze %dma_wait3A_20 : memref<1x79x128xi32, #tpu.memory_space<hbm>> -> memref<79x128xi32, #tpu.memory_space<hbm>>
      tpu.wait_dma2 semaphore(%run_scoped3A : memref<!tpu.dma_semaphore, #tpu.memory_space<semaphore_mem>>) src(%dma_wait3A_21 : memref<79x128xi32, #tpu.memory_space<hbm>>) dst(%arg6 : memref<79x128xi32, #tpu.memory_space<vmem>>)
      tpu.yield
    }) : () -> ()
    "tpu.region"() ({
      %run_scoped3A = tpu.sem_alloc : memref<!tpu.dma_semaphore, #tpu.memory_space<semaphore_mem>>
      %dma_start3A = arith.constant 0 : i32
      %dma_start3A_8 = arith.constant 0 : i32
      %dma_start3A_9 = tpu.memref_slice %arg4[%add3A, %dma_start3A, %dma_start3A_8] : memref<32x79x128xi32, #tpu.memory_space<hbm>> -> memref<1x79x128xi32, #tpu.memory_space<hbm>>
      %dma_start3A_10 = tpu.memref_squeeze %dma_start3A_9 : memref<1x79x128xi32, #tpu.memory_space<hbm>> -> memref<79x128xi32, #tpu.memory_space<hbm>>
      %dma_start3A_11 = arith.constant 0 : i32
      %dma_start3A_12 = arith.constant 0 : i32
      %dma_start3A_13 = tpu.memref_slice %arg4[%add3A, %dma_start3A_11, %dma_start3A_12] : memref<32x79x128xi32, #tpu.memory_space<hbm>> -> memref<1x79x128xi32, #tpu.memory_space<hbm>>
      %dma_start3A_14 = tpu.memref_squeeze %dma_start3A_13 : memref<1x79x128xi32, #tpu.memory_space<hbm>> -> memref<79x128xi32, #tpu.memory_space<hbm>>
      tpu.enqueue_dma source(%dma_start3A_14 : memref<79x128xi32, #tpu.memory_space<hbm>>) target(%arg7 : memref<79x128xi32, #tpu.memory_space<vmem>>) target_semaphore(%run_scoped3A : memref<!tpu.dma_semaphore, #tpu.memory_space<semaphore_mem>>)
      %dma_wait3A = arith.constant 0 : i32
      %dma_wait3A_15 = arith.constant 0 : i32
      %dma_wait3A_16 = tpu.memref_slice %arg4[%add3A, %dma_wait3A, %dma_wait3A_15] : memref<32x79x128xi32, #tpu.memory_space<hbm>> -> memref<1x79x128xi32, #tpu.memory_space<hbm>>
      %dma_wait3A_17 = tpu.memref_squeeze %dma_wait3A_16 : memref<1x79x128xi32, #tpu.memory_space<hbm>> -> memref<79x128xi32, #tpu.memory_space<hbm>>
      %dma_wait3A_18 = arith.constant 0 : i32
      %dma_wait3A_19 = arith.constant 0 : i32
      %dma_wait3A_20 = tpu.memref_slice %arg4[%add3A, %dma_wait3A_18, %dma_wait3A_19] : memref<32x79x128xi32, #tpu.memory_space<hbm>> -> memref<1x79x128xi32, #tpu.memory_space<hbm>>
      %dma_wait3A_21 = tpu.memref_squeeze %dma_wait3A_20 : memref<1x79x128xi32, #tpu.memory_space<hbm>> -> memref<79x128xi32, #tpu.memory_space<hbm>>
      tpu.wait_dma2 semaphore(%run_scoped3A : memref<!tpu.dma_semaphore, #tpu.memory_space<semaphore_mem>>) src(%dma_wait3A_21 : memref<79x128xi32, #tpu.memory_space<hbm>>) dst(%arg7 : memref<79x128xi32, #tpu.memory_space<vmem>>)
      tpu.yield
    }) : () -> ()
    %barrier3A = arith.constant 0 : index
    tpu.barrier barrier_id(%barrier3A)
    %scan3A = arith.constant 0 : i32
    %scan3A_3 = arith.constant 79 : i32
    %scan3A_4 = arith.addi %scan3A, %scan3A_3 : i32
    %scan3A_5 = arith.constant 1 : i32
    scf.for %scan3A_8 = %scan3A to %scan3A_4 step %scan3A_5  : i32 {
      %mul3A_9 = arith.constant 1 : i32
      %mul3A_10 = arith.muli %scan3A_8, %mul3A_9 : i32
      %add3A_11 = arith.constant 0 : i32
      %add3A_12 = arith.addi %add3A_11, %mul3A_10 : i32
      "tpu.region"() ({
        %run_scoped3A = tpu.sem_alloc : memref<!tpu.dma_semaphore, #tpu.memory_space<semaphore_mem>>
        %dma_start3A = arith.constant 0 : i32
        %dma_start3A_13 = tpu.memref_slice %arg6[%add3A_12, %dma_start3A] : memref<79x128xi32, #tpu.memory_space<vmem>> -> memref<1x128xi32, #tpu.memory_space<vmem>>
        %dma_start3A_14 = tpu.memref_squeeze %dma_start3A_13 : memref<1x128xi32, #tpu.memory_space<vmem>> -> memref<128xi32, #tpu.memory_space<vmem>>
        %dma_start3A_15 = arith.constant 0 : i32
        %dma_start3A_16 = arith.constant 0 : i32
        %dma_start3A_17 = tpu.memref_slice %arg2[%dma_start3A_15, %dma_start3A_16] : memref<10240x128xf32, #tpu.memory_space<hbm>> -> memref<10240x128xf32, #tpu.memory_space<hbm>>
        tpu.enqueue_indirect_dma source(%dma_start3A_17 : memref<10240x128xf32, #tpu.memory_space<hbm>>) target(%arg8 : memref<128x128xf32, #tpu.memory_space<vmem>>) offsets(%dma_start3A_14 : memref<128xi32, #tpu.memory_space<vmem>>) semaphore(%run_scoped3A : memref<!tpu.dma_semaphore, #tpu.memory_space<semaphore_mem>>)
        %dma_wait3A = arith.constant 0 : i32
        %dma_wait3A_18 = tpu.memref_slice %arg6[%add3A_12, %dma_wait3A] : memref<79x128xi32, #tpu.memory_space<vmem>> -> memref<1x128xi32, #tpu.memory_space<vmem>>
        %dma_wait3A_19 = tpu.memref_squeeze %dma_wait3A_18 : memref<1x128xi32, #tpu.memory_space<vmem>> -> memref<128xi32, #tpu.memory_space<vmem>>
        %dma_wait3A_20 = arith.constant 0 : i32
        %dma_wait3A_21 = arith.constant 0 : i32
        %dma_wait3A_22 = tpu.memref_slice %arg2[%dma_wait3A_20, %dma_wait3A_21] : memref<10240x128xf32, #tpu.memory_space<hbm>> -> memref<10240x128xf32, #tpu.memory_space<hbm>>
        tpu.wait_indirect_dma semaphore(%run_scoped3A : memref<!tpu.dma_semaphore, #tpu.memory_space<semaphore_mem>>) src(%dma_wait3A_22 : memref<10240x128xf32, #tpu.memory_space<hbm>>) dst(%arg8 : memref<128x128xf32, #tpu.memory_space<vmem>>)
        tpu.yield
      }) : () -> ()
      "tpu.region"() ({
        %run_scoped3A = tpu.sem_alloc : memref<!tpu.dma_semaphore, #tpu.memory_space<semaphore_mem>>
        %dma_start3A = arith.constant 0 : i32
        %dma_start3A_13 = tpu.memref_slice %arg7[%add3A_12, %dma_start3A] : memref<79x128xi32, #tpu.memory_space<vmem>> -> memref<1x128xi32, #tpu.memory_space<vmem>>
        %dma_start3A_14 = tpu.memref_squeeze %dma_start3A_13 : memref<1x128xi32, #tpu.memory_space<vmem>> -> memref<128xi32, #tpu.memory_space<vmem>>
        %dma_start3A_15 = arith.constant 0 : i32
        %dma_start3A_16 = arith.constant 0 : i32
        %dma_start3A_17 = tpu.memref_slice %arg9[%dma_start3A_15, %dma_start3A_16] : memref<10240x128xf32, #tpu.memory_space<vmem_shared>> -> memref<10240x128xf32, #tpu.memory_space<vmem_shared>>
        tpu.enqueue_indirect_dma source(%arg8 : memref<128x128xf32, #tpu.memory_space<vmem>>) target(%dma_start3A_17 : memref<10240x128xf32, #tpu.memory_space<vmem_shared>>) offsets(%dma_start3A_14 : memref<128xi32, #tpu.memory_space<vmem>>) semaphore(%run_scoped3A : memref<!tpu.dma_semaphore, #tpu.memory_space<semaphore_mem>>) {add = true}
        %dma_wait3A = arith.constant 0 : i32
        %dma_wait3A_18 = tpu.memref_slice %arg7[%add3A_12, %dma_wait3A] : memref<79x128xi32, #tpu.memory_space<vmem>> -> memref<1x128xi32, #tpu.memory_space<vmem>>
        %dma_wait3A_19 = tpu.memref_squeeze %dma_wait3A_18 : memref<1x128xi32, #tpu.memory_space<vmem>> -> memref<128xi32, #tpu.memory_space<vmem>>
        %dma_wait3A_20 = arith.constant 0 : i32
        %dma_wait3A_21 = arith.constant 0 : i32
        %dma_wait3A_22 = tpu.memref_slice %arg9[%dma_wait3A_20, %dma_wait3A_21] : memref<10240x128xf32, #tpu.memory_space<vmem_shared>> -> memref<10240x128xf32, #tpu.memory_space<vmem_shared>>
        tpu.wait_indirect_dma semaphore(%run_scoped3A : memref<!tpu.dma_semaphore, #tpu.memory_space<semaphore_mem>>) src(%arg8 : memref<128x128xf32, #tpu.memory_space<vmem>>) dst(%dma_wait3A_22 : memref<10240x128xf32, #tpu.memory_space<vmem_shared>>)
        tpu.yield
      }) : () -> ()
    }
    %scan3A_6 = arith.constant 79 : i32
    %barrier3A_7 = arith.constant 0 : index
    tpu.barrier barrier_id(%barrier3A_7)
    "tpu.region"() ({
      %run_scoped3A = tpu.sem_alloc : memref<!tpu.dma_semaphore, #tpu.memory_space<semaphore_mem>>
      %dma_start3A = arith.constant 0 : i32
      %dma_start3A_8 = tpu.memref_slice %arg5[%arg0, %mul3A_2, %dma_start3A] : memref<2x10240x128xf32, #tpu.memory_space<hbm>> -> memref<1x640x128xf32, #tpu.memory_space<hbm>>
      %dma_start3A_9 = tpu.memref_squeeze %dma_start3A_8 : memref<1x640x128xf32, #tpu.memory_space<hbm>> -> memref<640x128xf32, #tpu.memory_space<hbm>>
      %dma_start3A_10 = arith.constant 0 : i32
      %dma_start3A_11 = tpu.memref_slice %arg9[%mul3A_2, %dma_start3A_10] : memref<10240x128xf32, #tpu.memory_space<vmem_shared>> -> memref<640x128xf32, #tpu.memory_space<vmem_shared>>
      tpu.enqueue_dma source(%dma_start3A_11 : memref<640x128xf32, #tpu.memory_space<vmem_shared>>) target(%dma_start3A_9 : memref<640x128xf32, #tpu.memory_space<hbm>>) target_semaphore(%run_scoped3A : memref<!tpu.dma_semaphore, #tpu.memory_space<semaphore_mem>>)
      %dma_wait3A = arith.constant 0 : i32
      %dma_wait3A_12 = tpu.memref_slice %arg5[%arg0, %mul3A_2, %dma_wait3A] : memref<2x10240x128xf32, #tpu.memory_space<hbm>> -> memref<1x640x128xf32, #tpu.memory_space<hbm>>
      %dma_wait3A_13 = tpu.memref_squeeze %dma_wait3A_12 : memref<1x640x128xf32, #tpu.memory_space<hbm>> -> memref<640x128xf32, #tpu.memory_space<hbm>>
      %dma_wait3A_14 = arith.constant 0 : i32
      %dma_wait3A_15 = tpu.memref_slice %arg9[%mul3A_2, %dma_wait3A_14] : memref<10240x128xf32, #tpu.memory_space<vmem_shared>> -> memref<640x128xf32, #tpu.memory_space<vmem_shared>>
      tpu.wait_dma2 semaphore(%run_scoped3A : memref<!tpu.dma_semaphore, #tpu.memory_space<semaphore_mem>>) src(%dma_wait3A_15 : memref<640x128xf32, #tpu.memory_space<vmem_shared>>) dst(%dma_wait3A_13 : memref<640x128xf32, #tpu.memory_space<hbm>>)
      tpu.yield
    }) : () -> ()
    return
  }
}

#map = affine_map<(d0, d1) -> (0, 0)>
#map1 = affine_map<(d0, d1) -> (0, 0, 0)>
module attributes {stable_mosaic.version = 14 : i64} {
  func.func @body(%arg0: i32, %arg1: i32, %arg2: memref<10240x128xf32, #tpu.memory_space<hbm>>, %arg3: memref<32x79x128xi32, #tpu.memory_space<hbm>>, %arg4: memref<32x79x128xi32, #tpu.memory_space<hbm>>, %arg5: memref<2x10240x128xf32, #tpu.memory_space<hbm>>, %arg6: memref<79x128xi32, #tpu.memory_space<vmem>>, %arg7: memref<79x128xi32, #tpu.memory_space<vmem>>, %arg8: memref<128x128xf32, #tpu.memory_space<vmem>>, %arg9: memref<10240x128xf32, #tpu.memory_space<vmem_shared>>) attributes {dimension_semantics = [#tpu.dimension_semantics<core_parallel>, #tpu.dimension_semantics<subcore_parallel>], iteration_bounds = array<i64: 2, 16>, scalar_prefetch = 0 : i64, scratch_operands = 4 : i64, tpu.core_type = #tpu.core_type<sc_vector_subcore>, window_params = [{transform_indices = #map}, {transform_indices = #map1}, {transform_indices = #map1}, {transform_indices = #map1}]} {
    %mul3A = arith.constant 16 : i32
    %mul3A_0 = arith.muli %arg0, %mul3A : i32
    %add3A = arith.addi %mul3A_0, %arg1 : i32
    %mul3A_1 = arith.constant 640 : i32
    %mul3A_2 = arith.muli %arg1, %mul3A_1 : i32
    "tpu.region"() ({
      %run_scoped3A = tpu.sem_alloc : memref<!tpu.dma_semaphore, #tpu.memory_space<semaphore_mem>>
      %dma_start3A = arith.constant 0 : i32
      %dma_start3A_8 = tpu.memref_slice %arg9[%mul3A_2, %dma_start3A] : memref<10240x128xf32, #tpu.memory_space<vmem_shared>> -> memref<640x128xf32, #tpu.memory_space<vmem_shared>>
      %dma_start3A_9 = arith.constant 0 : i32
      %dma_start3A_10 = tpu.memref_slice %arg2[%mul3A_2, %dma_start3A_9] : memref<10240x128xf32, #tpu.memory_space<hbm>> -> memref<640x128xf32, #tpu.memory_space<hbm>>
      tpu.enqueue_dma source(%dma_start3A_10 : memref<640x128xf32, #tpu.memory_space<hbm>>) target(%dma_start3A_8 : memref<640x128xf32, #tpu.memory_space<vmem_shared>>) target_semaphore(%run_scoped3A : memref<!tpu.dma_semaphore, #tpu.memory_space<semaphore_mem>>)
      %dma_wait3A = arith.constant 0 : i32
      %dma_wait3A_11 = tpu.memref_slice %arg9[%mul3A_2, %dma_wait3A] : memref<10240x128xf32, #tpu.memory_space<vmem_shared>> -> memref<640x128xf32, #tpu.memory_space<vmem_shared>>
      %dma_wait3A_12 = arith.constant 0 : i32
      %dma_wait3A_13 = tpu.memref_slice %arg2[%mul3A_2, %dma_wait3A_12] : memref<10240x128xf32, #tpu.memory_space<hbm>> -> memref<640x128xf32, #tpu.memory_space<hbm>>
      tpu.wait_dma2 semaphore(%run_scoped3A : memref<!tpu.dma_semaphore, #tpu.memory_space<semaphore_mem>>) src(%dma_wait3A_13 : memref<640x128xf32, #tpu.memory_space<hbm>>) dst(%dma_wait3A_11 : memref<640x128xf32, #tpu.memory_space<vmem_shared>>)
      tpu.yield
    }) : () -> ()
    "tpu.region"() ({
      %run_scoped3A = tpu.sem_alloc : memref<!tpu.dma_semaphore, #tpu.memory_space<semaphore_mem>>
      %dma_start3A = arith.constant 0 : i32
      %dma_start3A_8 = arith.constant 0 : i32
      %dma_start3A_9 = tpu.memref_slice %arg3[%add3A, %dma_start3A, %dma_start3A_8] : memref<32x79x128xi32, #tpu.memory_space<hbm>> -> memref<1x79x128xi32, #tpu.memory_space<hbm>>
      %dma_start3A_10 = tpu.memref_squeeze %dma_start3A_9 : memref<1x79x128xi32, #tpu.memory_space<hbm>> -> memref<79x128xi32, #tpu.memory_space<hbm>>
      %dma_start3A_11 = arith.constant 0 : i32
      %dma_start3A_12 = arith.constant 0 : i32
      %dma_start3A_13 = tpu.memref_slice %arg3[%add3A, %dma_start3A_11, %dma_start3A_12] : memref<32x79x128xi32, #tpu.memory_space<hbm>> -> memref<1x79x128xi32, #tpu.memory_space<hbm>>
      %dma_start3A_14 = tpu.memref_squeeze %dma_start3A_13 : memref<1x79x128xi32, #tpu.memory_space<hbm>> -> memref<79x128xi32, #tpu.memory_space<hbm>>
      tpu.enqueue_dma source(%dma_start3A_14 : memref<79x128xi32, #tpu.memory_space<hbm>>) target(%arg6 : memref<79x128xi32, #tpu.memory_space<vmem>>) target_semaphore(%run_scoped3A : memref<!tpu.dma_semaphore, #tpu.memory_space<semaphore_mem>>)
      %dma_wait3A = arith.constant 0 : i32
      %dma_wait3A_15 = arith.constant 0 : i32
      %dma_wait3A_16 = tpu.memref_slice %arg3[%add3A, %dma_wait3A, %dma_wait3A_15] : memref<32x79x128xi32, #tpu.memory_space<hbm>> -> memref<1x79x128xi32, #tpu.memory_space<hbm>>
      %dma_wait3A_17 = tpu.memref_squeeze %dma_wait3A_16 : memref<1x79x128xi32, #tpu.memory_space<hbm>> -> memref<79x128xi32, #tpu.memory_space<hbm>>
      %dma_wait3A_18 = arith.constant 0 : i32
      %dma_wait3A_19 = arith.constant 0 : i32
      %dma_wait3A_20 = tpu.memref_slice %arg3[%add3A, %dma_wait3A_18, %dma_wait3A_19] : memref<32x79x128xi32, #tpu.memory_space<hbm>> -> memref<1x79x128xi32, #tpu.memory_space<hbm>>
      %dma_wait3A_21 = tpu.memref_squeeze %dma_wait3A_20 : memref<1x79x128xi32, #tpu.memory_space<hbm>> -> memref<79x128xi32, #tpu.memory_space<hbm>>
      tpu.wait_dma2 semaphore(%run_scoped3A : memref<!tpu.dma_semaphore, #tpu.memory_space<semaphore_mem>>) src(%dma_wait3A_21 : memref<79x128xi32, #tpu.memory_space<hbm>>) dst(%arg6 : memref<79x128xi32, #tpu.memory_space<vmem>>)
      tpu.yield
    }) : () -> ()
    "tpu.region"() ({
      %run_scoped3A = tpu.sem_alloc : memref<!tpu.dma_semaphore, #tpu.memory_space<semaphore_mem>>
      %dma_start3A = arith.constant 0 : i32
      %dma_start3A_8 = arith.constant 0 : i32
      %dma_start3A_9 = tpu.memref_slice %arg4[%add3A, %dma_start3A, %dma_start3A_8] : memref<32x79x128xi32, #tpu.memory_space<hbm>> -> memref<1x79x128xi32, #tpu.memory_space<hbm>>
      %dma_start3A_10 = tpu.memref_squeeze %dma_start3A_9 : memref<1x79x128xi32, #tpu.memory_space<hbm>> -> memref<79x128xi32, #tpu.memory_space<hbm>>
      %dma_start3A_11 = arith.constant 0 : i32
      %dma_start3A_12 = arith.constant 0 : i32
      %dma_start3A_13 = tpu.memref_slice %arg4[%add3A, %dma_start3A_11, %dma_start3A_12] : memref<32x79x128xi32, #tpu.memory_space<hbm>> -> memref<1x79x128xi32, #tpu.memory_space<hbm>>
      %dma_start3A_14 = tpu.memref_squeeze %dma_start3A_13 : memref<1x79x128xi32, #tpu.memory_space<hbm>> -> memref<79x128xi32, #tpu.memory_space<hbm>>
      tpu.enqueue_dma source(%dma_start3A_14 : memref<79x128xi32, #tpu.memory_space<hbm>>) target(%arg7 : memref<79x128xi32, #tpu.memory_space<vmem>>) target_semaphore(%run_scoped3A : memref<!tpu.dma_semaphore, #tpu.memory_space<semaphore_mem>>)
      %dma_wait3A = arith.constant 0 : i32
      %dma_wait3A_15 = arith.constant 0 : i32
      %dma_wait3A_16 = tpu.memref_slice %arg4[%add3A, %dma_wait3A, %dma_wait3A_15] : memref<32x79x128xi32, #tpu.memory_space<hbm>> -> memref<1x79x128xi32, #tpu.memory_space<hbm>>
      %dma_wait3A_17 = tpu.memref_squeeze %dma_wait3A_16 : memref<1x79x128xi32, #tpu.memory_space<hbm>> -> memref<79x128xi32, #tpu.memory_space<hbm>>
      %dma_wait3A_18 = arith.constant 0 : i32
      %dma_wait3A_19 = arith.constant 0 : i32
      %dma_wait3A_20 = tpu.memref_slice %arg4[%add3A, %dma_wait3A_18, %dma_wait3A_19] : memref<32x79x128xi32, #tpu.memory_space<hbm>> -> memref<1x79x128xi32, #tpu.memory_space<hbm>>
      %dma_wait3A_21 = tpu.memref_squeeze %dma_wait3A_20 : memref<1x79x128xi32, #tpu.memory_space<hbm>> -> memref<79x128xi32, #tpu.memory_space<hbm>>
      tpu.wait_dma2 semaphore(%run_scoped3A : memref<!tpu.dma_semaphore, #tpu.memory_space<semaphore_mem>>) src(%dma_wait3A_21 : memref<79x128xi32, #tpu.memory_space<hbm>>) dst(%arg7 : memref<79x128xi32, #tpu.memory_space<vmem>>)
      tpu.yield
    }) : () -> ()
    %barrier3A = arith.constant 0 : index
    tpu.barrier barrier_id(%barrier3A)
    %scan3A = arith.constant 0 : i32
    %scan3A_3 = arith.constant 79 : i32
    %scan3A_4 = arith.addi %scan3A, %scan3A_3 : i32
    %scan3A_5 = arith.constant 1 : i32
    scf.for %scan3A_8 = %scan3A to %scan3A_4 step %scan3A_5  : i32 {
      %mul3A_9 = arith.constant 1 : i32
      %mul3A_10 = arith.muli %scan3A_8, %mul3A_9 : i32
      %add3A_11 = arith.constant 0 : i32
      %add3A_12 = arith.addi %add3A_11, %mul3A_10 : i32
      "tpu.region"() ({
        %run_scoped3A = tpu.sem_alloc : memref<!tpu.dma_semaphore, #tpu.memory_space<semaphore_mem>>
        %dma_start3A = arith.constant 0 : i32
        %dma_start3A_13 = tpu.memref_slice %arg6[%add3A_12, %dma_start3A] : memref<79x128xi32, #tpu.memory_space<vmem>> -> memref<1x128xi32, #tpu.memory_space<vmem>>
        %dma_start3A_14 = tpu.memref_squeeze %dma_start3A_13 : memref<1x128xi32, #tpu.memory_space<vmem>> -> memref<128xi32, #tpu.memory_space<vmem>>
        %dma_start3A_15 = arith.constant 0 : i32
        %dma_start3A_16 = arith.constant 0 : i32
        %dma_start3A_17 = tpu.memref_slice %arg2[%dma_start3A_15, %dma_start3A_16] : memref<10240x128xf32, #tpu.memory_space<hbm>> -> memref<10240x128xf32, #tpu.memory_space<hbm>>
        tpu.enqueue_indirect_dma source(%dma_start3A_17 : memref<10240x128xf32, #tpu.memory_space<hbm>>) target(%arg8 : memref<128x128xf32, #tpu.memory_space<vmem>>) offsets(%dma_start3A_14 : memref<128xi32, #tpu.memory_space<vmem>>) semaphore(%run_scoped3A : memref<!tpu.dma_semaphore, #tpu.memory_space<semaphore_mem>>)
        %dma_wait3A = arith.constant 0 : i32
        %dma_wait3A_18 = tpu.memref_slice %arg6[%add3A_12, %dma_wait3A] : memref<79x128xi32, #tpu.memory_space<vmem>> -> memref<1x128xi32, #tpu.memory_space<vmem>>
        %dma_wait3A_19 = tpu.memref_squeeze %dma_wait3A_18 : memref<1x128xi32, #tpu.memory_space<vmem>> -> memref<128xi32, #tpu.memory_space<vmem>>
        %dma_wait3A_20 = arith.constant 0 : i32
        %dma_wait3A_21 = arith.constant 0 : i32
        %dma_wait3A_22 = tpu.memref_slice %arg2[%dma_wait3A_20, %dma_wait3A_21] : memref<10240x128xf32, #tpu.memory_space<hbm>> -> memref<10240x128xf32, #tpu.memory_space<hbm>>
        tpu.wait_indirect_dma semaphore(%run_scoped3A : memref<!tpu.dma_semaphore, #tpu.memory_space<semaphore_mem>>) src(%dma_wait3A_22 : memref<10240x128xf32, #tpu.memory_space<hbm>>) dst(%arg8 : memref<128x128xf32, #tpu.memory_space<vmem>>)
        tpu.yield
      }) : () -> ()
      "tpu.region"() ({
        %run_scoped3A = tpu.sem_alloc : memref<!tpu.dma_semaphore, #tpu.memory_space<semaphore_mem>>
        %dma_start3A = arith.constant 0 : i32
        %dma_start3A_13 = tpu.memref_slice %arg7[%add3A_12, %dma_start3A] : memref<79x128xi32, #tpu.memory_space<vmem>> -> memref<1x128xi32, #tpu.memory_space<vmem>>
        %dma_start3A_14 = tpu.memref_squeeze %dma_start3A_13 : memref<1x128xi32, #tpu.memory_space<vmem>> -> memref<128xi32, #tpu.memory_space<vmem>>
        %dma_start3A_15 = arith.constant 0 : i32
        %dma_start3A_16 = arith.constant 0 : i32
        %dma_start3A_17 = tpu.memref_slice %arg9[%dma_start3A_15, %dma_start3A_16] : memref<10240x128xf32, #tpu.memory_space<vmem_shared>> -> memref<10240x128xf32, #tpu.memory_space<vmem_shared>>
        tpu.enqueue_indirect_dma source(%arg8 : memref<128x128xf32, #tpu.memory_space<vmem>>) target(%dma_start3A_17 : memref<10240x128xf32, #tpu.memory_space<vmem_shared>>) offsets(%dma_start3A_14 : memref<128xi32, #tpu.memory_space<vmem>>) semaphore(%run_scoped3A : memref<!tpu.dma_semaphore, #tpu.memory_space<semaphore_mem>>) {add = true}
        %dma_wait3A = arith.constant 0 : i32
        %dma_wait3A_18 = tpu.memref_slice %arg7[%add3A_12, %dma_wait3A] : memref<79x128xi32, #tpu.memory_space<vmem>> -> memref<1x128xi32, #tpu.memory_space<vmem>>
        %dma_wait3A_19 = tpu.memref_squeeze %dma_wait3A_18 : memref<1x128xi32, #tpu.memory_space<vmem>> -> memref<128xi32, #tpu.memory_space<vmem>>
        %dma_wait3A_20 = arith.constant 0 : i32
        %dma_wait3A_21 = arith.constant 0 : i32
        %dma_wait3A_22 = tpu.memref_slice %arg9[%dma_wait3A_20, %dma_wait3A_21] : memref<10240x128xf32, #tpu.memory_space<vmem_shared>> -> memref<10240x128xf32, #tpu.memory_space<vmem_shared>>
        tpu.wait_indirect_dma semaphore(%run_scoped3A : memref<!tpu.dma_semaphore, #tpu.memory_space<semaphore_mem>>) src(%arg8 : memref<128x128xf32, #tpu.memory_space<vmem>>) dst(%dma_wait3A_22 : memref<10240x128xf32, #tpu.memory_space<vmem_shared>>)
        tpu.yield
      }) : () -> ()
    }
    %scan3A_6 = arith.constant 79 : i32
    %barrier3A_7 = arith.constant 0 : index
    tpu.barrier barrier_id(%barrier3A_7)
    "tpu.region"() ({
      %run_scoped3A = tpu.sem_alloc : memref<!tpu.dma_semaphore, #tpu.memory_space<semaphore_mem>>
      %dma_start3A = arith.constant 0 : i32
      %dma_start3A_8 = tpu.memref_slice %arg5[%arg0, %mul3A_2, %dma_start3A] : memref<2x10240x128xf32, #tpu.memory_space<hbm>> -> memref<1x640x128xf32, #tpu.memory_space<hbm>>
      %dma_start3A_9 = tpu.memref_squeeze %dma_start3A_8 : memref<1x640x128xf32, #tpu.memory_space<hbm>> -> memref<640x128xf32, #tpu.memory_space<hbm>>
      %dma_start3A_10 = arith.constant 0 : i32
      %dma_start3A_11 = tpu.memref_slice %arg9[%mul3A_2, %dma_start3A_10] : memref<10240x128xf32, #tpu.memory_space<vmem_shared>> -> memref<640x128xf32, #tpu.memory_space<vmem_shared>>
      tpu.enqueue_dma source(%dma_start3A_11 : memref<640x128xf32, #tpu.memory_space<vmem_shared>>) target(%dma_start3A_9 : memref<640x128xf32, #tpu.memory_space<hbm>>) target_semaphore(%run_scoped3A : memref<!tpu.dma_semaphore, #tpu.memory_space<semaphore_mem>>)
      %dma_wait3A = arith.constant 0 : i32
      %dma_wait3A_12 = tpu.memref_slice %arg5[%arg0, %mul3A_2, %dma_wait3A] : memref<2x10240x128xf32, #tpu.memory_space<hbm>> -> memref<1x640x128xf32, #tpu.memory_space<hbm>>
      %dma_wait3A_13 = tpu.memref_squeeze %dma_wait3A_12 : memref<1x640x128xf32, #tpu.memory_space<hbm>> -> memref<640x128xf32, #tpu.memory_space<hbm>>
      %dma_wait3A_14 = arith.constant 0 : i32
      %dma_wait3A_15 = tpu.memref_slice %arg9[%mul3A_2, %dma_wait3A_14] : memref<10240x128xf32, #tpu.memory_space<vmem_shared>> -> memref<640x128xf32, #tpu.memory_space<vmem_shared>>
      tpu.wait_dma2 semaphore(%run_scoped3A : memref<!tpu.dma_semaphore, #tpu.memory_space<semaphore_mem>>) src(%dma_wait3A_15 : memref<640x128xf32, #tpu.memory_space<vmem_shared>>) dst(%dma_wait3A_13 : memref<640x128xf32, #tpu.memory_space<hbm>>)
      tpu.yield
    }) : () -> ()
    return
  }
}

#map = affine_map<(d0, d1) -> (0, 0)>
#map1 = affine_map<(d0, d1) -> (0, 0, 0)>
module attributes {stable_mosaic.version = 14 : i64} {
  func.func @body(%arg0: i32, %arg1: i32, %arg2: memref<10240x128xf32, #tpu.memory_space<hbm>>, %arg3: memref<32x79x128xi32, #tpu.memory_space<hbm>>, %arg4: memref<32x79x128xi32, #tpu.memory_space<hbm>>, %arg5: memref<2x10240x128xf32, #tpu.memory_space<hbm>>, %arg6: memref<79x128xi32, #tpu.memory_space<vmem>>, %arg7: memref<79x128xi32, #tpu.memory_space<vmem>>, %arg8: memref<128x128xf32, #tpu.memory_space<vmem>>, %arg9: memref<10240x128xf32, #tpu.memory_space<vmem_shared>>) attributes {dimension_semantics = [#tpu.dimension_semantics<core_parallel>, #tpu.dimension_semantics<subcore_parallel>], iteration_bounds = array<i64: 2, 16>, scalar_prefetch = 0 : i64, scratch_operands = 4 : i64, tpu.core_type = #tpu.core_type<sc_vector_subcore>, window_params = [{transform_indices = #map}, {transform_indices = #map1}, {transform_indices = #map1}, {transform_indices = #map1}]} {
    %mul3A = arith.constant 16 : i32
    %mul3A_0 = arith.muli %arg0, %mul3A : i32
    %add3A = arith.addi %mul3A_0, %arg1 : i32
    %mul3A_1 = arith.constant 640 : i32
    %mul3A_2 = arith.muli %arg1, %mul3A_1 : i32
    "tpu.region"() ({
      %run_scoped3A = tpu.sem_alloc : memref<!tpu.dma_semaphore, #tpu.memory_space<semaphore_mem>>
      %dma_start3A = arith.constant 0 : i32
      %dma_start3A_8 = tpu.memref_slice %arg9[%mul3A_2, %dma_start3A] : memref<10240x128xf32, #tpu.memory_space<vmem_shared>> -> memref<640x128xf32, #tpu.memory_space<vmem_shared>>
      %dma_start3A_9 = arith.constant 0 : i32
      %dma_start3A_10 = tpu.memref_slice %arg2[%mul3A_2, %dma_start3A_9] : memref<10240x128xf32, #tpu.memory_space<hbm>> -> memref<640x128xf32, #tpu.memory_space<hbm>>
      tpu.enqueue_dma source(%dma_start3A_10 : memref<640x128xf32, #tpu.memory_space<hbm>>) target(%dma_start3A_8 : memref<640x128xf32, #tpu.memory_space<vmem_shared>>) target_semaphore(%run_scoped3A : memref<!tpu.dma_semaphore, #tpu.memory_space<semaphore_mem>>)
      %dma_wait3A = arith.constant 0 : i32
      %dma_wait3A_11 = tpu.memref_slice %arg9[%mul3A_2, %dma_wait3A] : memref<10240x128xf32, #tpu.memory_space<vmem_shared>> -> memref<640x128xf32, #tpu.memory_space<vmem_shared>>
      %dma_wait3A_12 = arith.constant 0 : i32
      %dma_wait3A_13 = tpu.memref_slice %arg2[%mul3A_2, %dma_wait3A_12] : memref<10240x128xf32, #tpu.memory_space<hbm>> -> memref<640x128xf32, #tpu.memory_space<hbm>>
      tpu.wait_dma2 semaphore(%run_scoped3A : memref<!tpu.dma_semaphore, #tpu.memory_space<semaphore_mem>>) src(%dma_wait3A_13 : memref<640x128xf32, #tpu.memory_space<hbm>>) dst(%dma_wait3A_11 : memref<640x128xf32, #tpu.memory_space<vmem_shared>>)
      tpu.yield
    }) : () -> ()
    "tpu.region"() ({
      %run_scoped3A = tpu.sem_alloc : memref<!tpu.dma_semaphore, #tpu.memory_space<semaphore_mem>>
      %dma_start3A = arith.constant 0 : i32
      %dma_start3A_8 = arith.constant 0 : i32
      %dma_start3A_9 = tpu.memref_slice %arg3[%add3A, %dma_start3A, %dma_start3A_8] : memref<32x79x128xi32, #tpu.memory_space<hbm>> -> memref<1x79x128xi32, #tpu.memory_space<hbm>>
      %dma_start3A_10 = tpu.memref_squeeze %dma_start3A_9 : memref<1x79x128xi32, #tpu.memory_space<hbm>> -> memref<79x128xi32, #tpu.memory_space<hbm>>
      %dma_start3A_11 = arith.constant 0 : i32
      %dma_start3A_12 = arith.constant 0 : i32
      %dma_start3A_13 = tpu.memref_slice %arg3[%add3A, %dma_start3A_11, %dma_start3A_12] : memref<32x79x128xi32, #tpu.memory_space<hbm>> -> memref<1x79x128xi32, #tpu.memory_space<hbm>>
      %dma_start3A_14 = tpu.memref_squeeze %dma_start3A_13 : memref<1x79x128xi32, #tpu.memory_space<hbm>> -> memref<79x128xi32, #tpu.memory_space<hbm>>
      tpu.enqueue_dma source(%dma_start3A_14 : memref<79x128xi32, #tpu.memory_space<hbm>>) target(%arg6 : memref<79x128xi32, #tpu.memory_space<vmem>>) target_semaphore(%run_scoped3A : memref<!tpu.dma_semaphore, #tpu.memory_space<semaphore_mem>>)
      %dma_wait3A = arith.constant 0 : i32
      %dma_wait3A_15 = arith.constant 0 : i32
      %dma_wait3A_16 = tpu.memref_slice %arg3[%add3A, %dma_wait3A, %dma_wait3A_15] : memref<32x79x128xi32, #tpu.memory_space<hbm>> -> memref<1x79x128xi32, #tpu.memory_space<hbm>>
      %dma_wait3A_17 = tpu.memref_squeeze %dma_wait3A_16 : memref<1x79x128xi32, #tpu.memory_space<hbm>> -> memref<79x128xi32, #tpu.memory_space<hbm>>
      %dma_wait3A_18 = arith.constant 0 : i32
      %dma_wait3A_19 = arith.constant 0 : i32
      %dma_wait3A_20 = tpu.memref_slice %arg3[%add3A, %dma_wait3A_18, %dma_wait3A_19] : memref<32x79x128xi32, #tpu.memory_space<hbm>> -> memref<1x79x128xi32, #tpu.memory_space<hbm>>
      %dma_wait3A_21 = tpu.memref_squeeze %dma_wait3A_20 : memref<1x79x128xi32, #tpu.memory_space<hbm>> -> memref<79x128xi32, #tpu.memory_space<hbm>>
      tpu.wait_dma2 semaphore(%run_scoped3A : memref<!tpu.dma_semaphore, #tpu.memory_space<semaphore_mem>>) src(%dma_wait3A_21 : memref<79x128xi32, #tpu.memory_space<hbm>>) dst(%arg6 : memref<79x128xi32, #tpu.memory_space<vmem>>)
      tpu.yield
    }) : () -> ()
    "tpu.region"() ({
      %run_scoped3A = tpu.sem_alloc : memref<!tpu.dma_semaphore, #tpu.memory_space<semaphore_mem>>
      %dma_start3A = arith.constant 0 : i32
      %dma_start3A_8 = arith.constant 0 : i32
      %dma_start3A_9 = tpu.memref_slice %arg4[%add3A, %dma_start3A, %dma_start3A_8] : memref<32x79x128xi32, #tpu.memory_space<hbm>> -> memref<1x79x128xi32, #tpu.memory_space<hbm>>
      %dma_start3A_10 = tpu.memref_squeeze %dma_start3A_9 : memref<1x79x128xi32, #tpu.memory_space<hbm>> -> memref<79x128xi32, #tpu.memory_space<hbm>>
      %dma_start3A_11 = arith.constant 0 : i32
      %dma_start3A_12 = arith.constant 0 : i32
      %dma_start3A_13 = tpu.memref_slice %arg4[%add3A, %dma_start3A_11, %dma_start3A_12] : memref<32x79x128xi32, #tpu.memory_space<hbm>> -> memref<1x79x128xi32, #tpu.memory_space<hbm>>
      %dma_start3A_14 = tpu.memref_squeeze %dma_start3A_13 : memref<1x79x128xi32, #tpu.memory_space<hbm>> -> memref<79x128xi32, #tpu.memory_space<hbm>>
      tpu.enqueue_dma source(%dma_start3A_14 : memref<79x128xi32, #tpu.memory_space<hbm>>) target(%arg7 : memref<79x128xi32, #tpu.memory_space<vmem>>) target_semaphore(%run_scoped3A : memref<!tpu.dma_semaphore, #tpu.memory_space<semaphore_mem>>)
      %dma_wait3A = arith.constant 0 : i32
      %dma_wait3A_15 = arith.constant 0 : i32
      %dma_wait3A_16 = tpu.memref_slice %arg4[%add3A, %dma_wait3A, %dma_wait3A_15] : memref<32x79x128xi32, #tpu.memory_space<hbm>> -> memref<1x79x128xi32, #tpu.memory_space<hbm>>
      %dma_wait3A_17 = tpu.memref_squeeze %dma_wait3A_16 : memref<1x79x128xi32, #tpu.memory_space<hbm>> -> memref<79x128xi32, #tpu.memory_space<hbm>>
      %dma_wait3A_18 = arith.constant 0 : i32
      %dma_wait3A_19 = arith.constant 0 : i32
      %dma_wait3A_20 = tpu.memref_slice %arg4[%add3A, %dma_wait3A_18, %dma_wait3A_19] : memref<32x79x128xi32, #tpu.memory_space<hbm>> -> memref<1x79x128xi32, #tpu.memory_space<hbm>>
      %dma_wait3A_21 = tpu.memref_squeeze %dma_wait3A_20 : memref<1x79x128xi32, #tpu.memory_space<hbm>> -> memref<79x128xi32, #tpu.memory_space<hbm>>
      tpu.wait_dma2 semaphore(%run_scoped3A : memref<!tpu.dma_semaphore, #tpu.memory_space<semaphore_mem>>) src(%dma_wait3A_21 : memref<79x128xi32, #tpu.memory_space<hbm>>) dst(%arg7 : memref<79x128xi32, #tpu.memory_space<vmem>>)
      tpu.yield
    }) : () -> ()
    %barrier3A = arith.constant 0 : index
    tpu.barrier barrier_id(%barrier3A)
    %scan3A = arith.constant 0 : i32
    %scan3A_3 = arith.constant 79 : i32
    %scan3A_4 = arith.addi %scan3A, %scan3A_3 : i32
    %scan3A_5 = arith.constant 1 : i32
    scf.for %scan3A_8 = %scan3A to %scan3A_4 step %scan3A_5  : i32 {
      %mul3A_9 = arith.constant 1 : i32
      %mul3A_10 = arith.muli %scan3A_8, %mul3A_9 : i32
      %add3A_11 = arith.constant 0 : i32
      %add3A_12 = arith.addi %add3A_11, %mul3A_10 : i32
      "tpu.region"() ({
        %run_scoped3A = tpu.sem_alloc : memref<!tpu.dma_semaphore, #tpu.memory_space<semaphore_mem>>
        %dma_start3A = arith.constant 0 : i32
        %dma_start3A_13 = tpu.memref_slice %arg6[%add3A_12, %dma_start3A] : memref<79x128xi32, #tpu.memory_space<vmem>> -> memref<1x128xi32, #tpu.memory_space<vmem>>
        %dma_start3A_14 = tpu.memref_squeeze %dma_start3A_13 : memref<1x128xi32, #tpu.memory_space<vmem>> -> memref<128xi32, #tpu.memory_space<vmem>>
        %dma_start3A_15 = arith.constant 0 : i32
        %dma_start3A_16 = arith.constant 0 : i32
        %dma_start3A_17 = tpu.memref_slice %arg2[%dma_start3A_15, %dma_start3A_16] : memref<10240x128xf32, #tpu.memory_space<hbm>> -> memref<10240x128xf32, #tpu.memory_space<hbm>>
        tpu.enqueue_indirect_dma source(%dma_start3A_17 : memref<10240x128xf32, #tpu.memory_space<hbm>>) target(%arg8 : memref<128x128xf32, #tpu.memory_space<vmem>>) offsets(%dma_start3A_14 : memref<128xi32, #tpu.memory_space<vmem>>) semaphore(%run_scoped3A : memref<!tpu.dma_semaphore, #tpu.memory_space<semaphore_mem>>)
        %dma_wait3A = arith.constant 0 : i32
        %dma_wait3A_18 = tpu.memref_slice %arg6[%add3A_12, %dma_wait3A] : memref<79x128xi32, #tpu.memory_space<vmem>> -> memref<1x128xi32, #tpu.memory_space<vmem>>
        %dma_wait3A_19 = tpu.memref_squeeze %dma_wait3A_18 : memref<1x128xi32, #tpu.memory_space<vmem>> -> memref<128xi32, #tpu.memory_space<vmem>>
        %dma_wait3A_20 = arith.constant 0 : i32
        %dma_wait3A_21 = arith.constant 0 : i32
        %dma_wait3A_22 = tpu.memref_slice %arg2[%dma_wait3A_20, %dma_wait3A_21] : memref<10240x128xf32, #tpu.memory_space<hbm>> -> memref<10240x128xf32, #tpu.memory_space<hbm>>
        tpu.wait_indirect_dma semaphore(%run_scoped3A : memref<!tpu.dma_semaphore, #tpu.memory_space<semaphore_mem>>) src(%dma_wait3A_22 : memref<10240x128xf32, #tpu.memory_space<hbm>>) dst(%arg8 : memref<128x128xf32, #tpu.memory_space<vmem>>)
        tpu.yield
      }) : () -> ()
      "tpu.region"() ({
        %run_scoped3A = tpu.sem_alloc : memref<!tpu.dma_semaphore, #tpu.memory_space<semaphore_mem>>
        %dma_start3A = arith.constant 0 : i32
        %dma_start3A_13 = tpu.memref_slice %arg7[%add3A_12, %dma_start3A] : memref<79x128xi32, #tpu.memory_space<vmem>> -> memref<1x128xi32, #tpu.memory_space<vmem>>
        %dma_start3A_14 = tpu.memref_squeeze %dma_start3A_13 : memref<1x128xi32, #tpu.memory_space<vmem>> -> memref<128xi32, #tpu.memory_space<vmem>>
        %dma_start3A_15 = arith.constant 0 : i32
        %dma_start3A_16 = arith.constant 0 : i32
        %dma_start3A_17 = tpu.memref_slice %arg9[%dma_start3A_15, %dma_start3A_16] : memref<10240x128xf32, #tpu.memory_space<vmem_shared>> -> memref<10240x128xf32, #tpu.memory_space<vmem_shared>>
        tpu.enqueue_indirect_dma source(%arg8 : memref<128x128xf32, #tpu.memory_space<vmem>>) target(%dma_start3A_17 : memref<10240x128xf32, #tpu.memory_space<vmem_shared>>) offsets(%dma_start3A_14 : memref<128xi32, #tpu.memory_space<vmem>>) semaphore(%run_scoped3A : memref<!tpu.dma_semaphore, #tpu.memory_space<semaphore_mem>>) {add = true}
        %dma_wait3A = arith.constant 0 : i32
        %dma_wait3A_18 = tpu.memref_slice %arg7[%add3A_12, %dma_wait3A] : memref<79x128xi32, #tpu.memory_space<vmem>> -> memref<1x128xi32, #tpu.memory_space<vmem>>
        %dma_wait3A_19 = tpu.memref_squeeze %dma_wait3A_18 : memref<1x128xi32, #tpu.memory_space<vmem>> -> memref<128xi32, #tpu.memory_space<vmem>>
        %dma_wait3A_20 = arith.constant 0 : i32
        %dma_wait3A_21 = arith.constant 0 : i32
        %dma_wait3A_22 = tpu.memref_slice %arg9[%dma_wait3A_20, %dma_wait3A_21] : memref<10240x128xf32, #tpu.memory_space<vmem_shared>> -> memref<10240x128xf32, #tpu.memory_space<vmem_shared>>
        tpu.wait_indirect_dma semaphore(%run_scoped3A : memref<!tpu.dma_semaphore, #tpu.memory_space<semaphore_mem>>) src(%arg8 : memref<128x128xf32, #tpu.memory_space<vmem>>) dst(%dma_wait3A_22 : memref<10240x128xf32, #tpu.memory_space<vmem_shared>>)
        tpu.yield
      }) : () -> ()
    }
    %scan3A_6 = arith.constant 79 : i32
    %barrier3A_7 = arith.constant 0 : index
    tpu.barrier barrier_id(%barrier3A_7)
    "tpu.region"() ({
      %run_scoped3A = tpu.sem_alloc : memref<!tpu.dma_semaphore, #tpu.memory_space<semaphore_mem>>
      %dma_start3A = arith.constant 0 : i32
      %dma_start3A_8 = tpu.memref_slice %arg5[%arg0, %mul3A_2, %dma_start3A] : memref<2x10240x128xf32, #tpu.memory_space<hbm>> -> memref<1x640x128xf32, #tpu.memory_space<hbm>>
      %dma_start3A_9 = tpu.memref_squeeze %dma_start3A_8 : memref<1x640x128xf32, #tpu.memory_space<hbm>> -> memref<640x128xf32, #tpu.memory_space<hbm>>
      %dma_start3A_10 = arith.constant 0 : i32
      %dma_start3A_11 = tpu.memref_slice %arg9[%mul3A_2, %dma_start3A_10] : memref<10240x128xf32, #tpu.memory_space<vmem_shared>> -> memref<640x128xf32, #tpu.memory_space<vmem_shared>>
      tpu.enqueue_dma source(%dma_start3A_11 : memref<640x128xf32, #tpu.memory_space<vmem_shared>>) target(%dma_start3A_9 : memref<640x128xf32, #tpu.memory_space<hbm>>) target_semaphore(%run_scoped3A : memref<!tpu.dma_semaphore, #tpu.memory_space<semaphore_mem>>)
      %dma_wait3A = arith.constant 0 : i32
      %dma_wait3A_12 = tpu.memref_slice %arg5[%arg0, %mul3A_2, %dma_wait3A] : memref<2x10240x128xf32, #tpu.memory_space<hbm>> -> memref<1x640x128xf32, #tpu.memory_space<hbm>>
      %dma_wait3A_13 = tpu.memref_squeeze %dma_wait3A_12 : memref<1x640x128xf32, #tpu.memory_space<hbm>> -> memref<640x128xf32, #tpu.memory_space<hbm>>
      %dma_wait3A_14 = arith.constant 0 : i32
      %dma_wait3A_15 = tpu.memref_slice %arg9[%mul3A_2, %dma_wait3A_14] : memref<10240x128xf32, #tpu.memory_space<vmem_shared>> -> memref<640x128xf32, #tpu.memory_space<vmem_shared>>
      tpu.wait_dma2 semaphore(%run_scoped3A : memref<!tpu.dma_semaphore, #tpu.memory_space<semaphore_mem>>) src(%dma_wait3A_15 : memref<640x128xf32, #tpu.memory_space<vmem_shared>>) dst(%dma_wait3A_13 : memref<640x128xf32, #tpu.memory_space<hbm>>)
      tpu.yield
    }) : () -> ()
    return
  }
}

#map = affine_map<(d0, d1) -> (0, 0)>
#map1 = affine_map<(d0, d1) -> (0)>
module attributes {stable_mosaic.version = 14 : i64} {
  func.func @_final_gather_body(%arg0: i32, %arg1: i32, %arg2: memref<10240x128xf32, #tpu.memory_space<hbm>>, %arg3: memref<10240x128xf32, #tpu.memory_space<hbm>>, %arg4: memref<1024xi32, #tpu.memory_space<hbm>>, %arg5: memref<1024x128xf32, #tpu.memory_space<hbm>>, %arg6: memref<1024x128xf32, #tpu.memory_space<hbm>>, %arg7: memref<32xi32, #tpu.memory_space<vmem>>, %arg8: memref<32x128xf32, #tpu.memory_space<vmem>>) attributes {dimension_semantics = [#tpu.dimension_semantics<core_parallel>, #tpu.dimension_semantics<subcore_parallel>], iteration_bounds = array<i64: 2, 16>, scalar_prefetch = 0 : i64, scratch_operands = 2 : i64, tpu.core_type = #tpu.core_type<sc_vector_subcore>, window_params = [{transform_indices = #map}, {transform_indices = #map}, {transform_indices = #map1}, {transform_indices = #map}, {transform_indices = #map}]} {
    %mul3A = arith.constant 16 : i32
    %mul3A_0 = arith.muli %arg0, %mul3A : i32
    %add3A = arith.addi %mul3A_0, %arg1 : i32
    %mul3A_1 = arith.constant 32 : i32
    %mul3A_2 = arith.muli %add3A, %mul3A_1 : i32
    "tpu.region"() ({
      %run_scoped3A = tpu.sem_alloc : memref<!tpu.dma_semaphore, #tpu.memory_space<semaphore_mem>>
      %dma_start3A = tpu.memref_slice %arg4[%mul3A_2] : memref<1024xi32, #tpu.memory_space<hbm>> -> memref<32xi32, #tpu.memory_space<hbm>>
      %dma_start3A_3 = tpu.memref_slice %arg4[%mul3A_2] : memref<1024xi32, #tpu.memory_space<hbm>> -> memref<32xi32, #tpu.memory_space<hbm>>
      tpu.enqueue_dma source(%dma_start3A_3 : memref<32xi32, #tpu.memory_space<hbm>>) target(%arg7 : memref<32xi32, #tpu.memory_space<vmem>>) target_semaphore(%run_scoped3A : memref<!tpu.dma_semaphore, #tpu.memory_space<semaphore_mem>>)
      %dma_wait3A = tpu.memref_slice %arg4[%mul3A_2] : memref<1024xi32, #tpu.memory_space<hbm>> -> memref<32xi32, #tpu.memory_space<hbm>>
      %dma_wait3A_4 = tpu.memref_slice %arg4[%mul3A_2] : memref<1024xi32, #tpu.memory_space<hbm>> -> memref<32xi32, #tpu.memory_space<hbm>>
      tpu.wait_dma2 semaphore(%run_scoped3A : memref<!tpu.dma_semaphore, #tpu.memory_space<semaphore_mem>>) src(%dma_wait3A_4 : memref<32xi32, #tpu.memory_space<hbm>>) dst(%arg7 : memref<32xi32, #tpu.memory_space<vmem>>)
      tpu.yield
    }) : () -> ()
    "tpu.region"() ({
      %run_scoped3A = tpu.sem_alloc : memref<!tpu.dma_semaphore, #tpu.memory_space<semaphore_mem>>
      %dma_start3A = arith.constant 0 : i32
      %dma_start3A_3 = arith.constant 0 : i32
      %dma_start3A_4 = tpu.memref_slice %arg2[%dma_start3A, %dma_start3A_3] : memref<10240x128xf32, #tpu.memory_space<hbm>> -> memref<10240x128xf32, #tpu.memory_space<hbm>>
      tpu.enqueue_indirect_dma source(%dma_start3A_4 : memref<10240x128xf32, #tpu.memory_space<hbm>>) target(%arg8 : memref<32x128xf32, #tpu.memory_space<vmem>>) offsets(%arg7 : memref<32xi32, #tpu.memory_space<vmem>>) semaphore(%run_scoped3A : memref<!tpu.dma_semaphore, #tpu.memory_space<semaphore_mem>>)
      %dma_wait3A = arith.constant 0 : i32
      %dma_wait3A_5 = arith.constant 0 : i32
      %dma_wait3A_6 = tpu.memref_slice %arg2[%dma_wait3A, %dma_wait3A_5] : memref<10240x128xf32, #tpu.memory_space<hbm>> -> memref<10240x128xf32, #tpu.memory_space<hbm>>
      tpu.wait_indirect_dma semaphore(%run_scoped3A : memref<!tpu.dma_semaphore, #tpu.memory_space<semaphore_mem>>) src(%dma_wait3A_6 : memref<10240x128xf32, #tpu.memory_space<hbm>>) dst(%arg8 : memref<32x128xf32, #tpu.memory_space<vmem>>)
      tpu.yield
    }) : () -> ()
    "tpu.region"() ({
      %run_scoped3A = tpu.sem_alloc : memref<!tpu.dma_semaphore, #tpu.memory_space<semaphore_mem>>
      %dma_start3A = arith.constant 0 : i32
      %dma_start3A_3 = tpu.memref_slice %arg5[%mul3A_2, %dma_start3A] : memref<1024x128xf32, #tpu.memory_space<hbm>> -> memref<32x128xf32, #tpu.memory_space<hbm>>
      %dma_start3A_4 = arith.constant 0 : i32
      %dma_start3A_5 = tpu.memref_slice %arg5[%mul3A_2, %dma_start3A_4] : memref<1024x128xf32, #tpu.memory_space<hbm>> -> memref<32x128xf32, #tpu.memory_space<hbm>>
      tpu.enqueue_dma source(%arg8 : memref<32x128xf32, #tpu.memory_space<vmem>>) target(%dma_start3A_5 : memref<32x128xf32, #tpu.memory_space<hbm>>) target_semaphore(%run_scoped3A : memref<!tpu.dma_semaphore, #tpu.memory_space<semaphore_mem>>)
      %dma_wait3A = arith.constant 0 : i32
      %dma_wait3A_6 = tpu.memref_slice %arg5[%mul3A_2, %dma_wait3A] : memref<1024x128xf32, #tpu.memory_space<hbm>> -> memref<32x128xf32, #tpu.memory_space<hbm>>
      %dma_wait3A_7 = arith.constant 0 : i32
      %dma_wait3A_8 = tpu.memref_slice %arg5[%mul3A_2, %dma_wait3A_7] : memref<1024x128xf32, #tpu.memory_space<hbm>> -> memref<32x128xf32, #tpu.memory_space<hbm>>
      tpu.wait_dma2 semaphore(%run_scoped3A : memref<!tpu.dma_semaphore, #tpu.memory_space<semaphore_mem>>) src(%arg8 : memref<32x128xf32, #tpu.memory_space<vmem>>) dst(%dma_wait3A_8 : memref<32x128xf32, #tpu.memory_space<hbm>>)
      tpu.yield
    }) : () -> ()
    "tpu.region"() ({
      %run_scoped3A = tpu.sem_alloc : memref<!tpu.dma_semaphore, #tpu.memory_space<semaphore_mem>>
      %dma_start3A = arith.constant 0 : i32
      %dma_start3A_3 = arith.constant 0 : i32
      %dma_start3A_4 = tpu.memref_slice %arg3[%dma_start3A, %dma_start3A_3] : memref<10240x128xf32, #tpu.memory_space<hbm>> -> memref<10240x128xf32, #tpu.memory_space<hbm>>
      tpu.enqueue_indirect_dma source(%dma_start3A_4 : memref<10240x128xf32, #tpu.memory_space<hbm>>) target(%arg8 : memref<32x128xf32, #tpu.memory_space<vmem>>) offsets(%arg7 : memref<32xi32, #tpu.memory_space<vmem>>) semaphore(%run_scoped3A : memref<!tpu.dma_semaphore, #tpu.memory_space<semaphore_mem>>)
      %dma_wait3A = arith.constant 0 : i32
      %dma_wait3A_5 = arith.constant 0 : i32
      %dma_wait3A_6 = tpu.memref_slice %arg3[%dma_wait3A, %dma_wait3A_5] : memref<10240x128xf32, #tpu.memory_space<hbm>> -> memref<10240x128xf32, #tpu.memory_space<hbm>>
      tpu.wait_indirect_dma semaphore(%run_scoped3A : memref<!tpu.dma_semaphore, #tpu.memory_space<semaphore_mem>>) src(%dma_wait3A_6 : memref<10240x128xf32, #tpu.memory_space<hbm>>) dst(%arg8 : memref<32x128xf32, #tpu.memory_space<vmem>>)
      tpu.yield
    }) : () -> ()
    "tpu.region"() ({
      %run_scoped3A = tpu.sem_alloc : memref<!tpu.dma_semaphore, #tpu.memory_space<semaphore_mem>>
      %dma_start3A = arith.constant 0 : i32
      %dma_start3A_3 = tpu.memref_slice %arg6[%mul3A_2, %dma_start3A] : memref<1024x128xf32, #tpu.memory_space<hbm>> -> memref<32x128xf32, #tpu.memory_space<hbm>>
      %dma_start3A_4 = arith.constant 0 : i32
      %dma_start3A_5 = tpu.memref_slice %arg6[%mul3A_2, %dma_start3A_4] : memref<1024x128xf32, #tpu.memory_space<hbm>> -> memref<32x128xf32, #tpu.memory_space<hbm>>
      tpu.enqueue_dma source(%arg8 : memref<32x128xf32, #tpu.memory_space<vmem>>) target(%dma_start3A_5 : memref<32x128xf32, #tpu.memory_space<hbm>>) target_semaphore(%run_scoped3A : memref<!tpu.dma_semaphore, #tpu.memory_space<semaphore_mem>>)
      %dma_wait3A = arith.constant 0 : i32
      %dma_wait3A_6 = tpu.memref_slice %arg6[%mul3A_2, %dma_wait3A] : memref<1024x128xf32, #tpu.memory_space<hbm>> -> memref<32x128xf32, #tpu.memory_space<hbm>>
      %dma_wait3A_7 = arith.constant 0 : i32
      %dma_wait3A_8 = tpu.memref_slice %arg6[%mul3A_2, %dma_wait3A_7] : memref<1024x128xf32, #tpu.memory_space<hbm>> -> memref<32x128xf32, #tpu.memory_space<hbm>>
      tpu.wait_dma2 semaphore(%run_scoped3A : memref<!tpu.dma_semaphore, #tpu.memory_space<semaphore_mem>>) src(%arg8 : memref<32x128xf32, #tpu.memory_space<vmem>>) dst(%dma_wait3A_8 : memref<32x128xf32, #tpu.memory_space<hbm>>)
      tpu.yield
    }) : () -> ()
    return
  }
}

module attributes {stable_mosaic.version = 14 : i64} {
  func.func @_pre_body(%arg0: i32, %arg1: memref<1024x128xf32, #tpu.memory_space<vmem>>, %arg2: memref<8x128xi32, #tpu.memory_space<vmem>>, %arg3: memref<1024x1xf32, #tpu.memory_space<vmem>>, %arg4: memref<1024x1xf32, #tpu.memory_space<vmem>>, %arg5: memref<128x128xf32, #tpu.memory_space<vmem>>, %arg6: memref<1024x128xf32, #tpu.memory_space<vmem>>, %arg7: memref<1024x128xf32, #tpu.memory_space<vmem>>, %arg8: memref<1024x1xf32, #tpu.memory_space<vmem>>) attributes {dimension_semantics = [#tpu.dimension_semantics<arbitrary>], iteration_bounds = array<i64: 10>, scalar_prefetch = 0 : i64, scratch_operands = 0 : i64, tpu.core_type = #tpu.core_type<tc>, window_params = [{transform_indices = @transform_0, window_bounds = array<i64: 1024, 128>}, {pipeline_mode = #tpu.pipeline_mode<synchronous>, transform_indices = @transform_1, window_bounds = array<i64: 8, 128>}, {transform_indices = @transform_2, window_bounds = array<i64: 1024, 1>}, {transform_indices = @transform_3, window_bounds = array<i64: 1024, 1>}, {pipeline_mode = #tpu.pipeline_mode<synchronous>, transform_indices = @transform_4, window_bounds = array<i64: 128, 128>}, {transform_indices = @transform_5, window_bounds = array<i64: 1024, 128>}, {transform_indices = @transform_6, window_bounds = array<i64: 1024, 128>}, {transform_indices = @transform_7, window_bounds = array<i64: 1024, 1>}]} {
    %get3A = arith.constant 0 : index
    %get3A_0 = arith.constant 0 : index
    %get3A_1 = vector.load %arg3[%get3A, %get3A_0] : memref<1024x1xf32, #tpu.memory_space<vmem>>, vector<1024x1xf32>
    %get3A_2 = arith.constant 0 : index
    %get3A_3 = arith.constant 0 : index
    %get3A_4 = vector.load %arg4[%get3A_2, %get3A_3] : memref<1024x1xf32, #tpu.memory_space<vmem>>, vector<1024x1xf32>
    %add3A = arith.addf %get3A_1, %get3A_4 : vector<1024x1xf32>
    %rsqrt3A = math.rsqrt %add3A : vector<1024x1xf32>
    %iota3A = tpu.iota {dimensions = array<i32: 0>} : vector<1024x1xi32>
    %mul3A = arith.constant 1024 : i32
    %mul3A_5 = arith.muli %arg0, %mul3A : i32
    %add3A_6 = vector.broadcast %mul3A_5 : i32 to vector<1024x1xi32>
    %add3A_7 = arith.addi %iota3A, %add3A_6 : vector<1024x1xi32>
    %get3A_8 = arith.constant 0 : index
    %get3A_9 = arith.constant 0 : index
    %get3A_10 = vector.load %arg2[%get3A_8, %get3A_9] : memref<8x128xi32, #tpu.memory_space<vmem>>, vector<8x128xi32>
    %broadcast_in_dim3A = arith.constant 0.000000e+00 : f32
    %broadcast_in_dim3A_11 = vector.broadcast %broadcast_in_dim3A : f32 to vector<1024x1xf32>
    %slice3A = vector.extract_strided_slice %get3A_10 {offsets = [0, 0], sizes = [1, 128], strides = [1, 1]} : vector<8x128xi32> to vector<1x128xi32>
    %eq3A = vector.broadcast %add3A_7 : vector<1024x1xi32> to vector<1024x128xi32>
    %eq3A_12 = vector.broadcast %slice3A : vector<1x128xi32> to vector<1024x128xi32>
    %eq3A_13 = arith.cmpi eq, %eq3A, %eq3A_12 : vector<1024x128xi32>
    %convert_element_type3A = arith.extui %eq3A_13 : vector<1024x128xi1> to vector<1024x128xi32>
    %convert_element_type3A_14 = arith.sitofp %convert_element_type3A : vector<1024x128xi32> to vector<1024x128xf32>
    %reduce_sum3A = arith.constant dense<0.000000e+00> : vector<1024xf32>
    %reduce_sum3A_15 = vector.multi_reduction <add>, %convert_element_type3A_14, %reduce_sum3A [1] : vector<1024x128xf32> to vector<1024xf32>
    %broadcast_in_dim3A_16 = vector.shape_cast %reduce_sum3A_15 : vector<1024xf32> to vector<1024x1xf32>
    %add3A_17 = arith.addf %broadcast_in_dim3A_11, %broadcast_in_dim3A_16 : vector<1024x1xf32>
    %slice3A_18 = vector.extract_strided_slice %get3A_10 {offsets = [1, 0], sizes = [1, 128], strides = [1, 1]} : vector<8x128xi32> to vector<1x128xi32>
    %eq3A_19 = vector.broadcast %add3A_7 : vector<1024x1xi32> to vector<1024x128xi32>
    %eq3A_20 = vector.broadcast %slice3A_18 : vector<1x128xi32> to vector<1024x128xi32>
    %eq3A_21 = arith.cmpi eq, %eq3A_19, %eq3A_20 : vector<1024x128xi32>
    %convert_element_type3A_22 = arith.extui %eq3A_21 : vector<1024x128xi1> to vector<1024x128xi32>
    %convert_element_type3A_23 = arith.sitofp %convert_element_type3A_22 : vector<1024x128xi32> to vector<1024x128xf32>
    %reduce_sum3A_24 = arith.constant dense<0.000000e+00> : vector<1024xf32>
    %reduce_sum3A_25 = vector.multi_reduction <add>, %convert_element_type3A_23, %reduce_sum3A_24 [1] : vector<1024x128xf32> to vector<1024xf32>
    %broadcast_in_dim3A_26 = vector.shape_cast %reduce_sum3A_25 : vector<1024xf32> to vector<1024x1xf32>
    %add3A_27 = arith.addf %add3A_17, %broadcast_in_dim3A_26 : vector<1024x1xf32>
    %slice3A_28 = vector.extract_strided_slice %get3A_10 {offsets = [2, 0], sizes = [1, 128], strides = [1, 1]} : vector<8x128xi32> to vector<1x128xi32>
    %eq3A_29 = vector.broadcast %add3A_7 : vector<1024x1xi32> to vector<1024x128xi32>
    %eq3A_30 = vector.broadcast %slice3A_28 : vector<1x128xi32> to vector<1024x128xi32>
    %eq3A_31 = arith.cmpi eq, %eq3A_29, %eq3A_30 : vector<1024x128xi32>
    %convert_element_type3A_32 = arith.extui %eq3A_31 : vector<1024x128xi1> to vector<1024x128xi32>
    %convert_element_type3A_33 = arith.sitofp %convert_element_type3A_32 : vector<1024x128xi32> to vector<1024x128xf32>
    %reduce_sum3A_34 = arith.constant dense<0.000000e+00> : vector<1024xf32>
    %reduce_sum3A_35 = vector.multi_reduction <add>, %convert_element_type3A_33, %reduce_sum3A_34 [1] : vector<1024x128xf32> to vector<1024xf32>
    %broadcast_in_dim3A_36 = vector.shape_cast %reduce_sum3A_35 : vector<1024xf32> to vector<1024x1xf32>
    %add3A_37 = arith.addf %add3A_27, %broadcast_in_dim3A_36 : vector<1024x1xf32>
    %slice3A_38 = vector.extract_strided_slice %get3A_10 {offsets = [3, 0], sizes = [1, 128], strides = [1, 1]} : vector<8x128xi32> to vector<1x128xi32>
    %eq3A_39 = vector.broadcast %add3A_7 : vector<1024x1xi32> to vector<1024x128xi32>
    %eq3A_40 = vector.broadcast %slice3A_38 : vector<1x128xi32> to vector<1024x128xi32>
    %eq3A_41 = arith.cmpi eq, %eq3A_39, %eq3A_40 : vector<1024x128xi32>
    %convert_element_type3A_42 = arith.extui %eq3A_41 : vector<1024x128xi1> to vector<1024x128xi32>
    %convert_element_type3A_43 = arith.sitofp %convert_element_type3A_42 : vector<1024x128xi32> to vector<1024x128xf32>
    %reduce_sum3A_44 = arith.constant dense<0.000000e+00> : vector<1024xf32>
    %reduce_sum3A_45 = vector.multi_reduction <add>, %convert_element_type3A_43, %reduce_sum3A_44 [1] : vector<1024x128xf32> to vector<1024xf32>
    %broadcast_in_dim3A_46 = vector.shape_cast %reduce_sum3A_45 : vector<1024xf32> to vector<1024x1xf32>
    %add3A_47 = arith.addf %add3A_37, %broadcast_in_dim3A_46 : vector<1024x1xf32>
    %slice3A_48 = vector.extract_strided_slice %get3A_10 {offsets = [4, 0], sizes = [1, 128], strides = [1, 1]} : vector<8x128xi32> to vector<1x128xi32>
    %eq3A_49 = vector.broadcast %add3A_7 : vector<1024x1xi32> to vector<1024x128xi32>
    %eq3A_50 = vector.broadcast %slice3A_48 : vector<1x128xi32> to vector<1024x128xi32>
    %eq3A_51 = arith.cmpi eq, %eq3A_49, %eq3A_50 : vector<1024x128xi32>
    %convert_element_type3A_52 = arith.extui %eq3A_51 : vector<1024x128xi1> to vector<1024x128xi32>
    %convert_element_type3A_53 = arith.sitofp %convert_element_type3A_52 : vector<1024x128xi32> to vector<1024x128xf32>
    %reduce_sum3A_54 = arith.constant dense<0.000000e+00> : vector<1024xf32>
    %reduce_sum3A_55 = vector.multi_reduction <add>, %convert_element_type3A_53, %reduce_sum3A_54 [1] : vector<1024x128xf32> to vector<1024xf32>
    %broadcast_in_dim3A_56 = vector.shape_cast %reduce_sum3A_55 : vector<1024xf32> to vector<1024x1xf32>
    %add3A_57 = arith.addf %add3A_47, %broadcast_in_dim3A_56 : vector<1024x1xf32>
    %slice3A_58 = vector.extract_strided_slice %get3A_10 {offsets = [5, 0], sizes = [1, 128], strides = [1, 1]} : vector<8x128xi32> to vector<1x128xi32>
    %eq3A_59 = vector.broadcast %add3A_7 : vector<1024x1xi32> to vector<1024x128xi32>
    %eq3A_60 = vector.broadcast %slice3A_58 : vector<1x128xi32> to vector<1024x128xi32>
    %eq3A_61 = arith.cmpi eq, %eq3A_59, %eq3A_60 : vector<1024x128xi32>
    %convert_element_type3A_62 = arith.extui %eq3A_61 : vector<1024x128xi1> to vector<1024x128xi32>
    %convert_element_type3A_63 = arith.sitofp %convert_element_type3A_62 : vector<1024x128xi32> to vector<1024x128xf32>
    %reduce_sum3A_64 = arith.constant dense<0.000000e+00> : vector<1024xf32>
    %reduce_sum3A_65 = vector.multi_reduction <add>, %convert_element_type3A_63, %reduce_sum3A_64 [1] : vector<1024x128xf32> to vector<1024xf32>
    %broadcast_in_dim3A_66 = vector.shape_cast %reduce_sum3A_65 : vector<1024xf32> to vector<1024x1xf32>
    %add3A_67 = arith.addf %add3A_57, %broadcast_in_dim3A_66 : vector<1024x1xf32>
    %slice3A_68 = vector.extract_strided_slice %get3A_10 {offsets = [6, 0], sizes = [1, 128], strides = [1, 1]} : vector<8x128xi32> to vector<1x128xi32>
    %eq3A_69 = vector.broadcast %add3A_7 : vector<1024x1xi32> to vector<1024x128xi32>
    %eq3A_70 = vector.broadcast %slice3A_68 : vector<1x128xi32> to vector<1024x128xi32>
    %eq3A_71 = arith.cmpi eq, %eq3A_69, %eq3A_70 : vector<1024x128xi32>
    %convert_element_type3A_72 = arith.extui %eq3A_71 : vector<1024x128xi1> to vector<1024x128xi32>
    %convert_element_type3A_73 = arith.sitofp %convert_element_type3A_72 : vector<1024x128xi32> to vector<1024x128xf32>
    %reduce_sum3A_74 = arith.constant dense<0.000000e+00> : vector<1024xf32>
    %reduce_sum3A_75 = vector.multi_reduction <add>, %convert_element_type3A_73, %reduce_sum3A_74 [1] : vector<1024x128xf32> to vector<1024xf32>
    %broadcast_in_dim3A_76 = vector.shape_cast %reduce_sum3A_75 : vector<1024xf32> to vector<1024x1xf32>
    %add3A_77 = arith.addf %add3A_67, %broadcast_in_dim3A_76 : vector<1024x1xf32>
    %slice3A_78 = vector.extract_strided_slice %get3A_10 {offsets = [7, 0], sizes = [1, 128], strides = [1, 1]} : vector<8x128xi32> to vector<1x128xi32>
    %eq3A_79 = vector.broadcast %add3A_7 : vector<1024x1xi32> to vector<1024x128xi32>
    %eq3A_80 = vector.broadcast %slice3A_78 : vector<1x128xi32> to vector<1024x128xi32>
    %eq3A_81 = arith.cmpi eq, %eq3A_79, %eq3A_80 : vector<1024x128xi32>
    %convert_element_type3A_82 = arith.extui %eq3A_81 : vector<1024x128xi1> to vector<1024x128xi32>
    %convert_element_type3A_83 = arith.sitofp %convert_element_type3A_82 : vector<1024x128xi32> to vector<1024x128xf32>
    %reduce_sum3A_84 = arith.constant dense<0.000000e+00> : vector<1024xf32>
    %reduce_sum3A_85 = vector.multi_reduction <add>, %convert_element_type3A_83, %reduce_sum3A_84 [1] : vector<1024x128xf32> to vector<1024xf32>
    %broadcast_in_dim3A_86 = vector.shape_cast %reduce_sum3A_85 : vector<1024xf32> to vector<1024x1xf32>
    %add3A_87 = arith.addf %add3A_77, %broadcast_in_dim3A_86 : vector<1024x1xf32>
    %eq3A_88 = arith.constant 0.000000e+00 : f32
    %eq3A_89 = vector.broadcast %eq3A_88 : f32 to vector<1024x1xf32>
    %eq3A_90 = arith.cmpf oeq, %add3A_87, %eq3A_89 : vector<1024x1xf32>
    %convert_element_type3A_91 = arith.extui %eq3A_90 : vector<1024x1xi1> to vector<1024x1xi32>
    %convert_element_type3A_92 = arith.sitofp %convert_element_type3A_91 : vector<1024x1xi32> to vector<1024x1xf32>
    %get3A_93 = arith.constant 0 : index
    %get3A_94 = arith.constant 0 : index
    %get3A_95 = vector.load %arg1[%get3A_93, %get3A_94] : memref<1024x128xf32, #tpu.memory_space<vmem>>, vector<1024x128xf32>
    %get3A_96 = arith.constant 0 : index
    %get3A_97 = arith.constant 0 : index
    %get3A_98 = vector.load %arg5[%get3A_96, %get3A_97] : memref<128x128xf32, #tpu.memory_space<vmem>>, vector<128x128xf32>
    %dot_general3A = arith.constant dense<0.000000e+00> : vector<1024x128xf32>
    %dot_general3A_99 = tpu.matmul %get3A_95, %get3A_98, %dot_general3A {dimension_numbers = #tpu.dot_dimension_numbers<[1], [0], [0], [1], [0, 0, 1, 1], [], []>, precision = #tpu.contract_precision<fp32>, transpose_lhs_hint = false} : vector<1024x128xf32>, vector<128x128xf32>, vector<1024x128xf32> -> vector<1024x128xf32>
    %mul3A_100 = vector.broadcast %rsqrt3A : vector<1024x1xf32> to vector<1024x128xf32>
    %mul3A_101 = arith.mulf %dot_general3A_99, %mul3A_100 : vector<1024x128xf32>
    %swap3A = arith.constant 0 : index
    %swap3A_102 = arith.constant 0 : index
    %swap3A_103 = vector.load %arg6[%swap3A, %swap3A_102] : memref<1024x128xf32, #tpu.memory_space<vmem>>, vector<1024x128xf32>
    tpu.vector_store %arg6[%swap3A, %swap3A_102], %mul3A_101 {strides = array<i32>} : memref<1024x128xf32, #tpu.memory_space<vmem>>, vector<1024x128xf32>,
    %mul3A_104 = vector.broadcast %convert_element_type3A_92 : vector<1024x1xf32> to vector<1024x128xf32>
    %mul3A_105 = arith.mulf %get3A_95, %mul3A_104 : vector<1024x128xf32>
    %dot_general3A_106 = arith.constant dense<0.000000e+00> : vector<1024x128xf32>
    %dot_general3A_107 = tpu.matmul %mul3A_105, %get3A_98, %dot_general3A_106 {dimension_numbers = #tpu.dot_dimension_numbers<[1], [0], [0], [1], [0, 0, 1, 1], [], []>, precision = #tpu.contract_precision<fp32>, transpose_lhs_hint = false} : vector<1024x128xf32>, vector<128x128xf32>, vector<1024x128xf32> -> vector<1024x128xf32>
    %mul3A_108 = vector.broadcast %rsqrt3A : vector<1024x1xf32> to vector<1024x128xf32>
    %mul3A_109 = arith.mulf %dot_general3A_107, %mul3A_108 : vector<1024x128xf32>
    %swap3A_110 = arith.constant 0 : index
    %swap3A_111 = arith.constant 0 : index
    %swap3A_112 = vector.load %arg7[%swap3A_110, %swap3A_111] : memref<1024x128xf32, #tpu.memory_space<vmem>>, vector<1024x128xf32>
    tpu.vector_store %arg7[%swap3A_110, %swap3A_111], %mul3A_109 {strides = array<i32>} : memref<1024x128xf32, #tpu.memory_space<vmem>>, vector<1024x128xf32>,
    %swap3A_113 = arith.constant 0 : index
    %swap3A_114 = arith.constant 0 : index
    %swap3A_115 = vector.load %arg8[%swap3A_113, %swap3A_114] : memref<1024x1xf32, #tpu.memory_space<vmem>>, vector<1024x1xf32>
    tpu.vector_store %arg8[%swap3A_113, %swap3A_114], %rsqrt3A {strides = array<i32>} : memref<1024x1xf32, #tpu.memory_space<vmem>>, vector<1024x1xf32>,
    return
  }
  func.func @transform_0(%arg0: i32) -> (i32, i32) {
    %c0_i32 = arith.constant 0 : i32
    %c0_i32_0 = arith.constant 0 : i32
    return %arg0, %c0_i32 : i32, i32
  }
  func.func @transform_1(%arg0: i32) -> (i32, i32) {
    %c0_i32 = arith.constant 0 : i32
    %c0_i32_0 = arith.constant 0 : i32
    %c0_i32_1 = arith.constant 0 : i32
    return %c0_i32, %c0_i32_0 : i32, i32
  }
  func.func @transform_2(%arg0: i32) -> (i32, i32) {
    %c0_i32 = arith.constant 0 : i32
    %c0_i32_0 = arith.constant 0 : i32
    return %arg0, %c0_i32 : i32, i32
  }
  func.func @transform_3(%arg0: i32) -> (i32, i32) {
    %c0_i32 = arith.constant 0 : i32
    %c0_i32_0 = arith.constant 0 : i32
    return %arg0, %c0_i32 : i32, i32
  }
  func.func @transform_4(%arg0: i32) -> (i32, i32) {
    %c0_i32 = arith.constant 0 : i32
    %c0_i32_0 = arith.constant 0 : i32
    %c0_i32_1 = arith.constant 0 : i32
    return %c0_i32, %c0_i32_0 : i32, i32
  }
  func.func @transform_5(%arg0: i32) -> (i32, i32) {
    %c0_i32 = arith.constant 0 : i32
    %c0_i32_0 = arith.constant 0 : i32
    return %arg0, %c0_i32 : i32, i32
  }
  func.func @transform_6(%arg0: i32) -> (i32, i32) {
    %c0_i32 = arith.constant 0 : i32
    %c0_i32_0 = arith.constant 0 : i32
    return %arg0, %c0_i32 : i32, i32
  }
  func.func @transform_7(%arg0: i32) -> (i32, i32) {
    %c0_i32 = arith.constant 0 : i32
    %c0_i32_0 = arith.constant 0 : i32
    return %arg0, %c0_i32 : i32, i32
  }
}

module attributes {stable_mosaic.version = 14 : i64} {
  func.func @_mid_body(%arg0: i32, %arg1: memref<1024x128xf32, #tpu.memory_space<vmem>>, %arg2: memref<1024x128xf32, #tpu.memory_space<vmem>>, %arg3: memref<1024x128xf32, #tpu.memory_space<vmem>>, %arg4: memref<1024x1xf32, #tpu.memory_space<vmem>>, %arg5: memref<1x128xf32, #tpu.memory_space<vmem>>, %arg6: memref<128x128xf32, #tpu.memory_space<vmem>>, %arg7: memref<1024x128xf32, #tpu.memory_space<vmem>>) attributes {dimension_semantics = [#tpu.dimension_semantics<arbitrary>], iteration_bounds = array<i64: 10>, scalar_prefetch = 0 : i64, scratch_operands = 0 : i64, tpu.core_type = #tpu.core_type<tc>, window_params = [{transform_indices = @transform_0, window_bounds = array<i64: 1024, 128>}, {transform_indices = @transform_1, window_bounds = array<i64: 1024, 128>}, {transform_indices = @transform_2, window_bounds = array<i64: 1024, 128>}, {transform_indices = @transform_3, window_bounds = array<i64: 1024, 1>}, {pipeline_mode = #tpu.pipeline_mode<synchronous>, transform_indices = @transform_4, window_bounds = array<i64: 1, 128>}, {pipeline_mode = #tpu.pipeline_mode<synchronous>, transform_indices = @transform_5, window_bounds = array<i64: 128, 128>}, {transform_indices = @transform_6, window_bounds = array<i64: 1024, 128>}]} {
    %get3A = arith.constant 0 : index
    %get3A_0 = arith.constant 0 : index
    %get3A_1 = vector.load %arg4[%get3A, %get3A_0] : memref<1024x1xf32, #tpu.memory_space<vmem>>, vector<1024x1xf32>
    %get3A_2 = arith.constant 0 : index
    %get3A_3 = arith.constant 0 : index
    %get3A_4 = vector.load %arg1[%get3A_2, %get3A_3] : memref<1024x128xf32, #tpu.memory_space<vmem>>, vector<1024x128xf32>
    %get3A_5 = arith.constant 0 : index
    %get3A_6 = arith.constant 0 : index
    %get3A_7 = vector.load %arg2[%get3A_5, %get3A_6] : memref<1024x128xf32, #tpu.memory_space<vmem>>, vector<1024x128xf32>
    %add3A = arith.addf %get3A_4, %get3A_7 : vector<1024x128xf32>
    %get3A_8 = arith.constant 0 : index
    %get3A_9 = arith.constant 0 : index
    %get3A_10 = vector.load %arg3[%get3A_8, %get3A_9] : memref<1024x128xf32, #tpu.memory_space<vmem>>, vector<1024x128xf32>
    %sub3A = arith.subf %add3A, %get3A_10 : vector<1024x128xf32>
    %mul3A = vector.broadcast %get3A_1 : vector<1024x1xf32> to vector<1024x128xf32>
    %mul3A_11 = arith.mulf %mul3A, %sub3A : vector<1024x128xf32>
    %get3A_12 = arith.constant 0 : index
    %get3A_13 = arith.constant 0 : index
    %get3A_14 = vector.load %arg5[%get3A_12, %get3A_13] : memref<1x128xf32, #tpu.memory_space<vmem>>, vector<1x128xf32>
    %add3A_15 = vector.broadcast %get3A_14 : vector<1x128xf32> to vector<1024x128xf32>
    %add3A_16 = arith.addf %mul3A_11, %add3A_15 : vector<1024x128xf32>
    %max3A = arith.constant 0.000000e+00 : f32
    %max3A_17 = vector.broadcast %max3A : f32 to vector<1024x128xf32>
    %max3A_18 = arith.maximumf %add3A_16, %max3A_17 : vector<1024x128xf32>
    %get3A_19 = arith.constant 0 : index
    %get3A_20 = arith.constant 0 : index
    %get3A_21 = vector.load %arg6[%get3A_19, %get3A_20] : memref<128x128xf32, #tpu.memory_space<vmem>>, vector<128x128xf32>
    %dot_general3A = arith.constant dense<0.000000e+00> : vector<1024x128xf32>
    %dot_general3A_22 = tpu.matmul %max3A_18, %get3A_21, %dot_general3A {dimension_numbers = #tpu.dot_dimension_numbers<[1], [0], [0], [1], [0, 0, 1, 1], [], []>, precision = #tpu.contract_precision<fp32>, transpose_lhs_hint = false} : vector<1024x128xf32>, vector<128x128xf32>, vector<1024x128xf32> -> vector<1024x128xf32>
    %mul3A_23 = vector.broadcast %get3A_1 : vector<1024x1xf32> to vector<1024x128xf32>
    %mul3A_24 = arith.mulf %dot_general3A_22, %mul3A_23 : vector<1024x128xf32>
    %swap3A = arith.constant 0 : index
    %swap3A_25 = arith.constant 0 : index
    %swap3A_26 = vector.load %arg7[%swap3A, %swap3A_25] : memref<1024x128xf32, #tpu.memory_space<vmem>>, vector<1024x128xf32>
    tpu.vector_store %arg7[%swap3A, %swap3A_25], %mul3A_24 {strides = array<i32>} : memref<1024x128xf32, #tpu.memory_space<vmem>>, vector<1024x128xf32>,
    return
  }
  func.func @transform_0(%arg0: i32) -> (i32, i32) {
    %c0_i32 = arith.constant 0 : i32
    %c0_i32_0 = arith.constant 0 : i32
    return %arg0, %c0_i32 : i32, i32
  }
  func.func @transform_1(%arg0: i32) -> (i32, i32) {
    %c0_i32 = arith.constant 0 : i32
    %c0_i32_0 = arith.constant 0 : i32
    return %arg0, %c0_i32 : i32, i32
  }
  func.func @transform_2(%arg0: i32) -> (i32, i32) {
    %c0_i32 = arith.constant 0 : i32
    %c0_i32_0 = arith.constant 0 : i32
    return %arg0, %c0_i32 : i32, i32
  }
  func.func @transform_3(%arg0: i32) -> (i32, i32) {
    %c0_i32 = arith.constant 0 : i32
    %c0_i32_0 = arith.constant 0 : i32
    return %arg0, %c0_i32 : i32, i32
  }
  func.func @transform_4(%arg0: i32) -> (i32, i32) {
    %c0_i32 = arith.constant 0 : i32
    %c0_i32_0 = arith.constant 0 : i32
    %c0_i32_1 = arith.constant 0 : i32
    return %c0_i32, %c0_i32_0 : i32, i32
  }
  func.func @transform_5(%arg0: i32) -> (i32, i32) {
    %c0_i32 = arith.constant 0 : i32
    %c0_i32_0 = arith.constant 0 : i32
    %c0_i32_1 = arith.constant 0 : i32
    return %c0_i32, %c0_i32_0 : i32, i32
  }
  func.func @transform_6(%arg0: i32) -> (i32, i32) {
    %c0_i32 = arith.constant 0 : i32
    %c0_i32_0 = arith.constant 0 : i32
    return %arg0, %c0_i32 : i32, i32
  }
}

module attributes {stable_mosaic.version = 14 : i64} {
  func.func @_post_body(%arg0: i32, %arg1: memref<1024x128xf32, #tpu.memory_space<vmem>>, %arg2: memref<1024x128xf32, #tpu.memory_space<vmem>>, %arg3: memref<1024x128xf32, #tpu.memory_space<vmem>>, %arg4: memref<1024x1xf32, #tpu.memory_space<vmem>>, %arg5: memref<1x128xf32, #tpu.memory_space<vmem>>, %arg6: memref<1024x128xf32, #tpu.memory_space<vmem>>) attributes {dimension_semantics = [#tpu.dimension_semantics<arbitrary>], iteration_bounds = array<i64: 10>, scalar_prefetch = 0 : i64, scratch_operands = 0 : i64, tpu.core_type = #tpu.core_type<tc>, window_params = [{transform_indices = @transform_0, window_bounds = array<i64: 1024, 128>}, {transform_indices = @transform_1, window_bounds = array<i64: 1024, 128>}, {transform_indices = @transform_2, window_bounds = array<i64: 1024, 128>}, {transform_indices = @transform_3, window_bounds = array<i64: 1024, 1>}, {pipeline_mode = #tpu.pipeline_mode<synchronous>, transform_indices = @transform_4, window_bounds = array<i64: 1, 128>}, {transform_indices = @transform_5, window_bounds = array<i64: 1024, 128>}]} {
    %get3A = arith.constant 0 : index
    %get3A_0 = arith.constant 0 : index
    %get3A_1 = vector.load %arg4[%get3A, %get3A_0] : memref<1024x1xf32, #tpu.memory_space<vmem>>, vector<1024x1xf32>
    %get3A_2 = arith.constant 0 : index
    %get3A_3 = arith.constant 0 : index
    %get3A_4 = vector.load %arg1[%get3A_2, %get3A_3] : memref<1024x128xf32, #tpu.memory_space<vmem>>, vector<1024x128xf32>
    %get3A_5 = arith.constant 0 : index
    %get3A_6 = arith.constant 0 : index
    %get3A_7 = vector.load %arg2[%get3A_5, %get3A_6] : memref<1024x128xf32, #tpu.memory_space<vmem>>, vector<1024x128xf32>
    %add3A = arith.addf %get3A_4, %get3A_7 : vector<1024x128xf32>
    %get3A_8 = arith.constant 0 : index
    %get3A_9 = arith.constant 0 : index
    %get3A_10 = vector.load %arg3[%get3A_8, %get3A_9] : memref<1024x128xf32, #tpu.memory_space<vmem>>, vector<1024x128xf32>
    %sub3A = arith.subf %add3A, %get3A_10 : vector<1024x128xf32>
    %mul3A = vector.broadcast %get3A_1 : vector<1024x1xf32> to vector<1024x128xf32>
    %mul3A_11 = arith.mulf %mul3A, %sub3A : vector<1024x128xf32>
    %get3A_12 = arith.constant 0 : index
    %get3A_13 = arith.constant 0 : index
    %get3A_14 = vector.load %arg5[%get3A_12, %get3A_13] : memref<1x128xf32, #tpu.memory_space<vmem>>, vector<1x128xf32>
    %add3A_15 = vector.broadcast %get3A_14 : vector<1x128xf32> to vector<1024x128xf32>
    %add3A_16 = arith.addf %mul3A_11, %add3A_15 : vector<1024x128xf32>
    %max3A = arith.constant 0.000000e+00 : f32
    %max3A_17 = vector.broadcast %max3A : f32 to vector<1024x128xf32>
    %max3A_18 = arith.maximumf %add3A_16, %max3A_17 : vector<1024x128xf32>
    %swap3A = arith.constant 0 : index
    %swap3A_19 = arith.constant 0 : index
    %swap3A_20 = vector.load %arg6[%swap3A, %swap3A_19] : memref<1024x128xf32, #tpu.memory_space<vmem>>, vector<1024x128xf32>
    tpu.vector_store %arg6[%swap3A, %swap3A_19], %max3A_18 {strides = array<i32>} : memref<1024x128xf32, #tpu.memory_space<vmem>>, vector<1024x128xf32>,
    return
  }
  func.func @transform_0(%arg0: i32) -> (i32, i32) {
    %c0_i32 = arith.constant 0 : i32
    %c0_i32_0 = arith.constant 0 : i32
    return %arg0, %c0_i32 : i32, i32
  }
  func.func @transform_1(%arg0: i32) -> (i32, i32) {
    %c0_i32 = arith.constant 0 : i32
    %c0_i32_0 = arith.constant 0 : i32
    return %arg0, %c0_i32 : i32, i32
  }
  func.func @transform_2(%arg0: i32) -> (i32, i32) {
    %c0_i32 = arith.constant 0 : i32
    %c0_i32_0 = arith.constant 0 : i32
    return %arg0, %c0_i32 : i32, i32
  }
  func.func @transform_3(%arg0: i32) -> (i32, i32) {
    %c0_i32 = arith.constant 0 : i32
    %c0_i32_0 = arith.constant 0 : i32
    return %arg0, %c0_i32 : i32, i32
  }
  func.func @transform_4(%arg0: i32) -> (i32, i32) {
    %c0_i32 = arith.constant 0 : i32
    %c0_i32_0 = arith.constant 0 : i32
    %c0_i32_1 = arith.constant 0 : i32
    return %c0_i32, %c0_i32_0 : i32, i32
  }
  func.func @transform_5(%arg0: i32) -> (i32, i32) {
    %c0_i32 = arith.constant 0 : i32
    %c0_i32_0 = arith.constant 0 : i32
    return %arg0, %c0_i32 : i32, i32
  }
}

module attributes {stable_mosaic.version = 14 : i64} {
  func.func @_loss_body(%arg0: memref<1024x128xf32, #tpu.memory_space<vmem>>, %arg1: memref<1024x128xf32, #tpu.memory_space<vmem>>, %arg2: memref<1024x1xi32, #tpu.memory_space<vmem>>, %arg3: memref<80x128xf32, #tpu.memory_space<vmem>>, %arg4: memref<128x128xf32, #tpu.memory_space<vmem>>, %arg5: memref<1x1xf32, #tpu.memory_space<vmem>>, %arg6: memref<128x128xf32, #tpu.memory_space<vmem>>, %arg7: memref<1x1xf32, #tpu.memory_space<vmem>>, %arg8: memref<1x1xf32, #tpu.memory_space<vmem>>) attributes {dimension_semantics = [], scalar_prefetch = 0 : i64, scratch_operands = 0 : i64, tpu.core_type = #tpu.core_type<tc>} {
    %get3A = arith.constant 0 : index
    %get3A_0 = arith.constant 0 : index
    %get3A_1 = vector.load %arg0[%get3A, %get3A_0] : memref<1024x128xf32, #tpu.memory_space<vmem>>, vector<1024x128xf32>
    %get3A_2 = arith.constant 0 : index
    %get3A_3 = arith.constant 0 : index
    %get3A_4 = vector.load %arg1[%get3A_2, %get3A_3] : memref<1024x128xf32, #tpu.memory_space<vmem>>, vector<1024x128xf32>
    %get3A_5 = arith.constant 0 : index
    %get3A_6 = arith.constant 0 : index
    %get3A_7 = vector.load %arg2[%get3A_5, %get3A_6] : memref<1024x1xi32, #tpu.memory_space<vmem>>, vector<1024x1xi32>
    %broadcast_in_dim3A = arith.constant 0.000000e+00 : f32
    %broadcast_in_dim3A_8 = vector.broadcast %broadcast_in_dim3A : f32 to vector<1024x1xf32>
    %scan3A = arith.constant 0 : i32
    %scan3A_9 = arith.constant 80 : i32
    %scan3A_10 = arith.addi %scan3A, %scan3A_9 : i32
    %scan3A_11 = arith.constant 1 : i32
    %scan3A_12 = scf.for %scan3A_96 = %scan3A to %scan3A_10 step %scan3A_11 iter_args(%scan3A_97 = %broadcast_in_dim3A_8) -> (vector<1024x1xf32>)  : i32 {
      %mul3A_98 = arith.constant 128 : i32
      %mul3A_99 = arith.muli %scan3A_96, %mul3A_98 : i32
      %iota3A = tpu.iota {dimensions = array<i32: 1>} : vector<1x128xi32>
      %add3A_100 = vector.broadcast %mul3A_99 : i32 to vector<1x128xi32>
      %add3A_101 = arith.addi %add3A_100, %iota3A : vector<1x128xi32>
      %eq3A = vector.broadcast %get3A_7 : vector<1024x1xi32> to vector<1024x128xi32>
      %eq3A_102 = vector.broadcast %add3A_101 : vector<1x128xi32> to vector<1024x128xi32>
      %eq3A_103 = arith.cmpi eq, %eq3A, %eq3A_102 : vector<1024x128xi32>
      %convert_element_type3A = arith.extui %eq3A_103 : vector<1024x128xi1> to vector<1024x128xi32>
      %convert_element_type3A_104 = arith.sitofp %convert_element_type3A : vector<1024x128xi32> to vector<1024x128xf32>
      %get3A_105 = arith.index_cast %scan3A_96 : i32 to index
      %get3A_106 = arith.constant 0 : index
      %get3A_107 = vector.load %arg3[%get3A_105, %get3A_106] : memref<80x128xf32, #tpu.memory_space<vmem>>, vector<1x128xf32>
      %mul3A_108 = vector.broadcast %get3A_107 : vector<1x128xf32> to vector<1024x128xf32>
      %mul3A_109 = arith.mulf %convert_element_type3A_104, %mul3A_108 : vector<1024x128xf32>
      %reduce_sum3A_110 = arith.constant dense<0.000000e+00> : vector<1024xf32>
      %reduce_sum3A_111 = vector.multi_reduction <add>, %mul3A_109, %reduce_sum3A_110 [1] : vector<1024x128xf32> to vector<1024xf32>
      %broadcast_in_dim3A_112 = vector.shape_cast %reduce_sum3A_111 : vector<1024xf32> to vector<1024x1xf32>
      %add3A_113 = arith.addf %scan3A_97, %broadcast_in_dim3A_112 : vector<1024x1xf32>
      scf.yield %add3A_113 : vector<1024x1xf32>
    }
    %scan3A_13 = arith.constant 80 : i32
    %reduce_sum3A = vector.shape_cast %scan3A_12 : vector<1024x1xf32> to vector<1x1024x1xf32>
    %reduce_sum3A_14 = arith.constant dense<0.000000e+00> : vector<1xf32>
    %reduce_sum3A_15 = vector.multi_reduction <add>, %reduce_sum3A, %reduce_sum3A_14 [1, 2] : vector<1x1024x1xf32> to vector<1xf32>
    %reduce_sum3A_16 = vector.shape_cast %reduce_sum3A_15 : vector<1xf32> to vector<1x1x1xf32>
    %reduce_sum3A_17 = vector.extract %reduce_sum3A_16[0, 0, 0] : f32 from vector<1x1x1xf32>
    %mul3A = vector.broadcast %scan3A_12 : vector<1024x1xf32> to vector<1024x128xf32>
    %mul3A_18 = arith.mulf %get3A_1, %mul3A : vector<1024x128xf32>
    %reduce_sum3A_19 = arith.constant dense<0.000000e+00> : vector<128xf32>
    %reduce_sum3A_20 = vector.multi_reduction <add>, %mul3A_18, %reduce_sum3A_19 [0] : vector<1024x128xf32> to vector<128xf32>
    %broadcast_in_dim3A_21 = vector.shape_cast %reduce_sum3A_20 : vector<128xf32> to vector<1x128xf32>
    %max3A = arith.constant 1.000000e+00 : f32
    %max3A_22 = arith.maximumf %reduce_sum3A_17, %max3A : f32
    %div3A = vector.broadcast %max3A_22 : f32 to vector<1x128xf32>
    %div3A_23 = arith.divf %broadcast_in_dim3A_21, %div3A : vector<1x128xf32>
    %get3A_24 = arith.constant 0 : index
    %get3A_25 = arith.constant 0 : index
    %get3A_26 = vector.load %arg4[%get3A_24, %get3A_25] : memref<128x128xf32, #tpu.memory_space<vmem>>, vector<128x128xf32>
    %dot_general3A = arith.constant dense<0.000000e+00> : vector<1024x128xf32>
    %dot_general3A_27 = tpu.matmul %get3A_1, %get3A_26, %dot_general3A {dimension_numbers = #tpu.dot_dimension_numbers<[1], [0], [0], [1], [0, 0, 1, 1], [], []>, precision = #tpu.contract_precision<fp32>, transpose_lhs_hint = false} : vector<1024x128xf32>, vector<128x128xf32>, vector<1024x128xf32> -> vector<1024x128xf32>
    %mul3A_28 = vector.broadcast %div3A_23 : vector<1x128xf32> to vector<1024x128xf32>
    %mul3A_29 = arith.mulf %dot_general3A_27, %mul3A_28 : vector<1024x128xf32>
    %reduce_sum3A_30 = arith.constant dense<0.000000e+00> : vector<1024xf32>
    %reduce_sum3A_31 = vector.multi_reduction <add>, %mul3A_29, %reduce_sum3A_30 [1] : vector<1024x128xf32> to vector<1024xf32>
    %broadcast_in_dim3A_32 = vector.shape_cast %reduce_sum3A_31 : vector<1024xf32> to vector<1024x1xf32>
    %get3A_33 = arith.constant 0 : index
    %get3A_34 = arith.constant 0 : index
    %get3A_35 = vector.load %arg5[%get3A_33, %get3A_34] : memref<1x1xf32, #tpu.memory_space<vmem>>, vector<1x1xf32>
    %get3A_36 = vector.extract %get3A_35[0, 0] : f32 from vector<1x1xf32>
    %add3A = vector.broadcast %get3A_36 : f32 to vector<1024x1xf32>
    %add3A_37 = arith.addf %broadcast_in_dim3A_32, %add3A : vector<1024x1xf32>
    %max3A_38 = arith.constant 0.000000e+00 : f32
    %max3A_39 = vector.broadcast %max3A_38 : f32 to vector<1024x1xf32>
    %max3A_40 = arith.maximumf %add3A_37, %max3A_39 : vector<1024x1xf32>
    %mul3A_41 = arith.mulf %add3A_37, %scan3A_12 : vector<1024x1xf32>
    %sub3A = arith.subf %max3A_40, %mul3A_41 : vector<1024x1xf32>
    %abs3A = math.absf %add3A_37 : vector<1024x1xf32>
    %neg3A = arith.constant 0.000000e+00 : f32
    %neg3A_42 = vector.broadcast %neg3A : f32 to vector<1024x1xf32>
    %neg3A_43 = arith.subf %neg3A_42, %abs3A : vector<1024x1xf32>
    %exp3A = math.exp %neg3A_43 : vector<1024x1xf32>
    %log1p3A = math.log1p %exp3A : vector<1024x1xf32>
    %add3A_44 = arith.addf %sub3A, %log1p3A : vector<1024x1xf32>
    %reduce_sum3A_45 = vector.shape_cast %add3A_44 : vector<1024x1xf32> to vector<1x1024x1xf32>
    %reduce_sum3A_46 = arith.constant dense<0.000000e+00> : vector<1xf32>
    %reduce_sum3A_47 = vector.multi_reduction <add>, %reduce_sum3A_45, %reduce_sum3A_46 [1, 2] : vector<1x1024x1xf32> to vector<1xf32>
    %reduce_sum3A_48 = vector.shape_cast %reduce_sum3A_47 : vector<1xf32> to vector<1x1x1xf32>
    %reduce_sum3A_49 = vector.extract %reduce_sum3A_48[0, 0, 0] : f32 from vector<1x1x1xf32>
    %div3A_50 = arith.constant 1.024000e+03 : f32
    %div3A_51 = arith.divf %reduce_sum3A_49, %div3A_50 : f32
    %get3A_52 = arith.constant 0 : index
    %get3A_53 = arith.constant 0 : index
    %get3A_54 = vector.load %arg6[%get3A_52, %get3A_53] : memref<128x128xf32, #tpu.memory_space<vmem>>, vector<128x128xf32>
    %dot_general3A_55 = arith.constant dense<0.000000e+00> : vector<1024x128xf32>
    %dot_general3A_56 = tpu.matmul %get3A_4, %get3A_54, %dot_general3A_55 {dimension_numbers = #tpu.dot_dimension_numbers<[1], [0], [0], [1], [0, 0, 1, 1], [], []>, precision = #tpu.contract_precision<fp32>, transpose_lhs_hint = false} : vector<1024x128xf32>, vector<128x128xf32>, vector<1024x128xf32> -> vector<1024x128xf32>
    %mul3A_57 = arith.mulf %dot_general3A_56, %get3A_1 : vector<1024x128xf32>
    %reduce_sum3A_58 = arith.constant dense<0.000000e+00> : vector<1024xf32>
    %reduce_sum3A_59 = vector.multi_reduction <add>, %mul3A_57, %reduce_sum3A_58 [1] : vector<1024x128xf32> to vector<1024xf32>
    %broadcast_in_dim3A_60 = vector.shape_cast %reduce_sum3A_59 : vector<1024xf32> to vector<1024x1xf32>
    %get3A_61 = arith.constant 0 : index
    %get3A_62 = arith.constant 0 : index
    %get3A_63 = vector.load %arg7[%get3A_61, %get3A_62] : memref<1x1xf32, #tpu.memory_space<vmem>>, vector<1x1xf32>
    %get3A_64 = vector.extract %get3A_63[0, 0] : f32 from vector<1x1xf32>
    %add3A_65 = vector.broadcast %get3A_64 : f32 to vector<1024x1xf32>
    %add3A_66 = arith.addf %broadcast_in_dim3A_60, %add3A_65 : vector<1024x1xf32>
    %sub3A_67 = arith.constant 1.000000e+00 : f32
    %sub3A_68 = vector.broadcast %sub3A_67 : f32 to vector<1024x1xf32>
    %sub3A_69 = arith.subf %sub3A_68, %scan3A_12 : vector<1024x1xf32>
    %max3A_70 = arith.constant 0.000000e+00 : f32
    %max3A_71 = vector.broadcast %max3A_70 : f32 to vector<1024x1xf32>
    %max3A_72 = arith.maximumf %add3A_66, %max3A_71 : vector<1024x1xf32>
    %mul3A_73 = arith.mulf %add3A_66, %sub3A_69 : vector<1024x1xf32>
    %sub3A_74 = arith.subf %max3A_72, %mul3A_73 : vector<1024x1xf32>
    %abs3A_75 = math.absf %add3A_66 : vector<1024x1xf32>
    %neg3A_76 = arith.constant 0.000000e+00 : f32
    %neg3A_77 = vector.broadcast %neg3A_76 : f32 to vector<1024x1xf32>
    %neg3A_78 = arith.subf %neg3A_77, %abs3A_75 : vector<1024x1xf32>
    %exp3A_79 = math.exp %neg3A_78 : vector<1024x1xf32>
    %log1p3A_80 = math.log1p %exp3A_79 : vector<1024x1xf32>
    %add3A_81 = arith.addf %sub3A_74, %log1p3A_80 : vector<1024x1xf32>
    %reduce_sum3A_82 = vector.shape_cast %add3A_81 : vector<1024x1xf32> to vector<1x1024x1xf32>
    %reduce_sum3A_83 = arith.constant dense<0.000000e+00> : vector<1xf32>
    %reduce_sum3A_84 = vector.multi_reduction <add>, %reduce_sum3A_82, %reduce_sum3A_83 [1, 2] : vector<1x1024x1xf32> to vector<1xf32>
    %reduce_sum3A_85 = vector.shape_cast %reduce_sum3A_84 : vector<1xf32> to vector<1x1x1xf32>
    %reduce_sum3A_86 = vector.extract %reduce_sum3A_85[0, 0, 0] : f32 from vector<1x1x1xf32>
    %div3A_87 = arith.constant 1.024000e+03 : f32
    %div3A_88 = arith.divf %reduce_sum3A_86, %div3A_87 : f32
    %mul3A_89 = arith.constant 5.000000e-01 : f32
    %mul3A_90 = arith.mulf %mul3A_89, %div3A_51 : f32
    %mul3A_91 = arith.constant 5.000000e-01 : f32
    %mul3A_92 = arith.mulf %mul3A_91, %div3A_88 : f32
    %add3A_93 = arith.addf %mul3A_90, %mul3A_92 : f32
    %reshape3A = vector.broadcast %add3A_93 : f32 to vector<1x1xf32>
    %swap3A = arith.constant 0 : index
    %swap3A_94 = arith.constant 0 : index
    %swap3A_95 = vector.load %arg8[%swap3A, %swap3A_94] : memref<1x1xf32, #tpu.memory_space<vmem>>, vector<1x1xf32>
    tpu.vector_store %arg8[%swap3A, %swap3A_94], %reshape3A {strides = array<i32>} : memref<1x1xf32, #tpu.memory_space<vmem>>, vector<1x1xf32>,
    return
  }
}

</mosaic_0001>

<sc_bundles>
// kernel: kernel.14.cloned.1.call-start
scs
__scs_entry_jumppad:
0x0: {  	(pc) =	sbr.rel $0x88, $3  }
0x1: {  	(tag) =	ssettag $0x0;
	lr =	simm.s32 $0x1  }
0x2: {  	[smem:$0x3F95] =	sst lr;
	_ =	strace $0xD0000000  }
0x3: {  	_ = 	snop  }
0x4: {  	_ = 	snop  }
0x5: {  	_ = 	snop  }
0x6: {  	_ = 	snop  }
0x7: {  	_ = 	snop  }
__scs_overlays_trampoline_lowered:
0x8: {  	[smem:$0x3FA4] =	sst s0  }
0x9: {  	[smem:$0x3FA5] =	sst s1  }
0xa: {  	[smem:$0x3FA6] =	sst s2  }
0xb: {  	[smem:$0x3FA7] =	sst s3  }
0xc: {  	[smem:$0x3FA8] =	sst s4  }
0xd: {  	[smem:$0x3FA9] =	sst s5  }
0xe: {  	[smem:$0x3FAA] =	sst s6  }
0xf: {  	[smem:$0x3FAB] =	sst s7  }
0x10: {  	[smem:$0x3FAC] =	sst s8  }
0x11: {  	[smem:$0x3FAD] =	sst s9;
	s0 =	simm.s32 @!p0 $0x0  }
0x12: {  	s1 =	sld [smem:$0x3F93];
	s0 =	simm.s32 @p0 $0x1  }
0x13: {  	[smem:$0x3FAE] =	sst s0;
	s0 =	simm.s32 @!p1 $0x0  }
0x14: {  	s2 =	sld [smem:$0x3F92];
	s0 =	simm.s32 @p1 $0x1  }
0x15: {  	[smem:$0x3FAF] =	sst s0;
	s0 =	simm.s32 @!p2 $0x0  }
0x16: {  	s3 =	sld [smem:$0x3FDB];
	s0 =	simm.s32 @p2 $0x1  }
0x17: {  	s4 =	simm.s32 $0x1BF5;
	[smem:$0x3FB1] =	sst s0  }
0x18: {  	s0 =	sld [smem:$0x3F94];
	_ =	swait.ge [sflag:s4], $0x0  }
0x19: {  	s7 =	sld [smem:$0x3F95]  }
0x1a: {  	s8 =	sadd.s32 $0xFFFFE003, lr  }
0x1b: {  	s9 =	sadd.s32 $0xFFFFFEF7, lr;
	s5 =	simm.s32 $0xFFFFFFFF;
	p2 =	slt.u32 s8, $0xFFFFF086  }
0x1c: {  	p1 =	slt.u32 s9, $0xF7A;
	s5 =	simm.s32 @!p2 $0x0  }
0x1d: {  	s5 =	simm.s32 @p1 $0x1;
	p0 =	seq.s32 s7, s2  }
0x1e: {  	s7 =	smul.u32 @!p0 $0xF7A, s2;
	p2 =	seq.s32 @!p0 s5, $0x0  }
0x1f: {  	s9 =	smul.u32 $0xF7A, s1;
	s8 =	simm.s32 @!p0 $0x1BF5;
	p2 =	por !p2, p0  }
0x20: {  	[sflag:s8] =	ssyncset.s32 @!p0 $0xFFFFF086;
	s6 =	sadd.s32 @!p0 s3, s7;
	s7 =	simm.s32 @!p0 $0x108  }
0x21: {  	s3 =	sadd.s32 s3, s9;
	s6 =	sadd.s32 @!p0 $0x88, s6;
	s7 =	simm.s32 @p2 $0x1082  }
0x22: {  	[simem:s7], [sflag:s8] =	dma.local @!p0 [hbm:s6], $0xF7A  }
0x23: {  	s9 =	sor.u32 $0xD0000000, s2;
	s6 =	simm.s32 $0x108;
	_ =	swait.ge @!p0 [sflag:s8], $0x0  }
0x24: {  	s3 =	sadd.s32 $0x88, s3;
	s6 =	simm.s32 @!p1 $0x1082;
	[sflag:s4] =	ssyncset.s32 $0xFFFFF086  }
0x25: {  	[simem:s6], [sflag:s4] =	dma.local [hbm:s3], $0xF7A  }
0x26: {  	[smem:$0x3F95] =	sst s1;
	(tag) =	ssettag s2;
	_ =	strace s9  }
0x27: {  	s1 =	sld [smem:$0x3FA5]  }
0x28: {  	s2 =	sld [smem:$0x3FA6]  }
0x29: {  	s4 =	sld [smem:$0x3FA8]  }
0x2a: {  	p0 =	seq.s32 s5, $0x0;
	s5 =	sld [smem:$0x3FA9]  }
0x2b: {  	s6 =	sld [smem:$0x3FAA]  }
0x2c: {  	s7 =	sld [smem:$0x3FAB]  }
0x2d: {  	s3 =	simm.s32 $0x108;
	s8 =	sld [smem:$0x3FAC]  }
0x2e: {  	s3 =	simm.s32 @!p0 $0x1082;
	s9 =	sld [smem:$0x3FAD]  }
0x2f: {  	lr =	sadd.s32 s0, s3;
	s0 =	sld [smem:$0x3FA4]  }
0x30: {  	s3 =	sld [smem:$0x3FA7]  }
0x31: {  	[smem:$0x3FB0] =	sst s10  }
0x32: {  	s10 =	sld [smem:$0x3FAE];
	_ =	sdelay $0x3  }
0x33: {  	p0 =	seq.s32 s10, $0x1;
	s10 =	sld [smem:$0x3FB0];
	_ =	sdelay $0x3  }
0x34: {  	[smem:$0x3FB0] =	sst s10  }
0x35: {  	s10 =	sld [smem:$0x3FAF];
	_ =	sdelay $0x3  }
0x36: {  	p1 =	seq.s32 s10, $0x1;
	s10 =	sld [smem:$0x3FB0];
	_ =	sdelay $0x3  }
0x37: {  	[smem:$0x3FB0] =	sst s10  }
0x38: {  	s10 =	sld [smem:$0x3FB1]  }
0x39: {  	_ = 	snop;
	(pc) =	sbr.ind lr, $3  }
0x3a: {  	_ = 	snop  }
0x3b: {  	_ = 	snop  }
0x3c: {  	p2 =	seq.s32 s10, $0x1;
	s10 =	sld [smem:$0x3FB0]  }
0x3d: {  	_ =	shalt  }
0x3e: {  	_ =	shalt  }
0x3f: {  	_ =	shalt  }
0x40: {  	_ =	shalt  }
0x41: {  	_ =	shalt  }
0x42: {  	_ =	shalt  }
0x43: {  	_ =	shalt  }
0x44: {  	_ =	shalt  }
0x45: {  	_ =	shalt  }
0x46: {  	_ =	shalt  }
0x47: {  	_ =	shalt  }
0x48: {  	_ =	shalt  }
0x49: {  	_ =	shalt  }
0x4a: {  	_ =	shalt  }
0x4b: {  	_ =	shalt  }
0x4c: {  	_ =	shalt  }
0x4d: {  	_ =	shalt  }
0x4e: {  	_ =	shalt  }
0x4f: {  	_ =	shalt  }
0x50: {  	_ =	shalt  }
0x51: {  	_ =	shalt  }
0x52: {  	_ =	shalt  }
0x53: {  	_ =	shalt  }
0x54: {  	_ =	shalt  }
0x55: {  	_ =	shalt  }
0x56: {  	_ =	shalt  }
0x57: {  	_ =	shalt  }
0x58: {  	_ =	shalt  }
0x59: {  	_ =	shalt  }
0x5a: {  	_ =	shalt  }
0x5b: {  	_ =	shalt  }
0x5c: {  	_ =	shalt  }
0x5d: {  	_ =	shalt  }
0x5e: {  	_ =	shalt  }
0x5f: {  	_ =	shalt  }
0x60: {  	_ =	shalt  }
0x61: {  	_ =	shalt  }
0x62: {  	_ =	shalt  }
0x63: {  	_ =	shalt  }
0x64: {  	_ =	shalt  }
0x65: {  	_ =	shalt  }
0x66: {  	_ =	shalt  }
0x67: {  	_ =	shalt  }
0x68: {  	_ =	shalt  }
0x69: {  	_ =	shalt  }
0x6a: {  	_ =	shalt  }
0x6b: {  	_ =	shalt  }
0x6c: {  	_ =	shalt  }
0x6d: {  	_ =	shalt  }
0x6e: {  	_ =	shalt  }
0x6f: {  	_ =	shalt  }
0x70: {  	_ =	shalt  }
0x71: {  	_ =	shalt  }
0x72: {  	_ =	shalt  }
0x73: {  	_ =	shalt  }
0x74: {  	_ =	shalt  }
0x75: {  	_ =	shalt  }
0x76: {  	_ =	shalt  }
0x77: {  	_ =	shalt  }
0x78: {  	_ =	shalt  }
0x79: {  	_ =	shalt  }
0x7a: {  	_ =	shalt  }
0x7b: {  	_ =	shalt  }
0x7c: {  	_ =	shalt  }
0x7d: {  	_ =	shalt  }
0x7e: {  	_ =	shalt  }
0x7f: {  	_ =	shalt  }
0x80: {  	_ =	shalt  }
0x81: {  	_ =	shalt  }
0x82: {  	_ =	shalt  }
0x83: {  	_ =	shalt  }
0x84: {  	_ =	shalt  }
0x85: {  	_ =	shalt  }
0x86: {  	_ =	shalt  }
0x87: {  	_ =	shalt  }
.Lfunc_end0:
.L_simem_size_0:
called_computation_lowered:
.L_overlay_start_0:
0x88: {  	s2 =	sld [smem:$0x3FD9]  }
0x89: {  	s3 =	sld [smem:$0x3FFE];
	_ =	sdelay $0x1  }
0x8a: {  	s1 =	srdreg.scid  }
0x8b: {  	s0 =	sand.u32 $0x1, s1  }
0x8c: {  	s14 =	sshll.u32 s0, $0xA;
	s2 =	sadd.s32 s3, s2  }
0x8d: {  	s2 =	sadd.s32 s2, s14  }
0x8e: {  	[smem:$0x3FBC] =	sst s2  }
0x8f: {  	_ = 	snop  }
0x90: {  	s2 =	sld [smem:$0x3FD0];
	_ =	sdelay $0x2  }
0x91: {  	s15 =	simm.s32 $0xB;
	s4 =	simm.s32 $0x10  }
0x92: {  	[smem:s4], [sflag:s15] =	dma.local [hbm:s2], $0x1  }
0x93: {  	_ =	swait.eq [sflag:s15], $0x1  }
0x94: {  	[sflag:s15] =	ssyncset.done $0x0  }
0x95: {  	[sflag:s15] =	ssyncadd.s32 $0xFFFFFFFF  }
0x96: {  	s16 =	sld [smem:$0x10];
	(tm) =	ssettm $0x1  }
0x97: {  	s17 =	sld [smem:$0x3FFB];
	_ =	sdelay $0x3  }
0x98: {  	_ =	strace s17  }
0x99: {  	s3 =	sld [smem:$0x3FFC];
	_ =	sdelay $0x3  }
0x9a: {  	_ =	strace s3  }
0x9b: {  	s3 =	sld [smem:$0x3FFD];
	_ =	sdelay $0x3  }
0x9c: {  	_ =	strace s3  }
0x9d: {  	_ =	strace $0x8FFFFFFF  }
0x9e: {  	s18 =	sld [smem:$0x3FDB];
	_ =	sdelay $0x1  }
0x9f: {  	s19 =	simm.s32 $_scs_section_size  }
0xa0: {  	s5 =	simm.s32 $_size__tile_overlayer_lowered;
	s6 =	simm.s32 $_tile_overlayer_lowered  }
0xa1: {  	s22 =	simm.s32 $0x1BFF;
	s21 =	sshll.u32 s6, $0x1;
	s3 =	sadd.s32 s19, s18  }
0xa2: {  	s7 =	simm.s32 $0x0;
	s20 =	sshll.u32 s5, $0x1;
	s5 =	sadd.s32 s21, s3  }
0xa3: {  	[timem:s7], [sflag:s22] =	dma.local [hbm:s5], s20  }
0xa4: {  	_ =	swait.ge [sflag:s22], s20  }
0xa5: {  	s4 =	ssub.s32 $0x0, s20;
	[sflag:s22] =	ssyncset.done $0x0  }
0xa6: {  	[sflag:s22] =	ssyncadd.s32 s4;
	_ =	sdelay $0x1  }
0xa7: {  	s23 =	simm.s32 $0x1B8B  }
0xa8: {  	_ =	swait.ge [sflag:s23], $0x1  }
0xa9: {  	[sflag:s23] =	ssyncset.done $0x0  }
0xaa: {  	s25 =	simm.s32 $0x1B8E;
	s24 =	sld [smem:$0x3FFE];
	[sflag:s23] =	ssyncadd.s32 $0xFFFFFFFF  }
0xab: {  	s26 =	simm.s32 $execute0_lowered;
	[smem:$0x3FD2] =	sst s25  }
0xac: {  	s5 =	sshll.u32 s26, $0x1;
	_ =	strace $0x80000046;
	[dreg:$0x1] =	wrdreg $0xFFFFFFFF  }
0xad: {  	s28 =	simm.s32 $_size_execute0_lowered;
	s3 =	sadd.s32 s3, s5;
	[dreg:$0x0] =	wrdreg $0x0  }
0xae: {  	s5 =	sshll.u32 s28, $0x1;
	[dreg:$0x2] =	wrdreg s3  }
0xaf: {  	[dreg:$0x3] =	wrdreg s5  }
0xb0: {  	[dreg:$0x4] =	wrdreg $0xC0  }
0xb1: {  	_ =	task [dreg:s7], $0x5FFFF  }
0xb2: {  	[dreg:$0x1] =	wrdreg $0xFFFFFFFF  }
0xb3: {  	[dreg:$0x0] =	wrdreg $0x60  }
0xb4: {  	[dreg:$0x2] =	wrdreg s24  }
0xb5: {  	[dreg:$0x3] =	wrdreg s16  }
0xb6: {  	[dreg:$0x4] =	wrdreg $0x68000  }
0xb7: {  	[dreg:$0x5] =	wrdreg $0x9  }
0xb8: {  	_ =	task.clear_ibuf [dreg:s7], $0x6FFFF;
	_ =	strace $0x90000046  }
0xb9: {  	s29 =	simm.s32 $0x9;
	_ =	strace $0x80000048  }
0xba: {  	_ =	swait.ge [sflag:s29], $0x1  }
0xbb: {  	[sflag:s29] =	ssyncadd.s32 $0xFFFFFFFF  }
0xbc: {  	_ =	strace $0x90000048  }
0xbd: {  	_ =	sfence  }
0xbe: {  	s30 =	sld [smem:$0x0];
	_ =	sdelay $0x2  }
0xbf: {  	s31 =	sshll.u32 s1, $0xD;
	s1 =	sshrl.u32 s1, $0x2  }
0xc0: {  	s3 =	sand.u32 $0x4000, s31;
	s1 =	sadd.s32 s1, s30  }
0xc1: {  	s0 =	sor.u32 s3, s0;
	s1 =	sshll.u32 s1, $0x11  }
0xc2: {  	s0 =	sor.u32 s1, s0  }
0xc3: {  	s0 =	sadd.s32 $0x8F2B, s0  }
0xc4: {  	[sflag:s0] =	ssyncadd.remote.s32 $0x1  }
0xc5: {  	_ =	sfence.sel $0xFFFF  }
0xc6: {  	[dreg:$0x0] =	wrdreg $0xFFFFFFFF;
	(pc) =	sbr.abs _section_cstart, $3  }
0xc7: {  	[dreg:$0x1] =	wrdreg $0xFFFFFFFF  }
0xc8: {  	_ =	task.clear_ibuf [dreg:s7], $0x2FFFF;
	_ =	strace $0x9FFFFFFF  }
0xc9: {  	(tm) =	ssettm $0x7FFFFFFF  }
tec
execute0_lowered:
.L_overlay_start_1:
0x0: {  	(tag) =	ssettag $0x1  }
0x1: {  	s5 =	rddreg [dreg:$0x0]  }
0x2: {  	s2 =	rddreg [dreg:$0x1]  }
0x3: {  	s3 =	rddreg [dreg:$0x2]  }
0x4: {  	s0 =	rddreg [dreg:$0x3];
	s1 =	stileid.u32  }
0x5: {  	s6 =	srdreg.scid;
	s4 =	simm.s32 $0x0;
	s13 =	simm.s32 $0x80  }
0x6: {  	s14 =	simm.s32 $0x0;
	s7 =	smul.u32 $0x14000, s1;
	s6 =	sand.u32 $0x1, s6  }
0x7: {  	[smem:$0x7FF] =	sst s4;
	s29 =	smul.u32 $0x50000, s1;
	s31 =	sshll.u32 s1, $0x6  }
0x8: {  	s8 =	sshll.u32 s6, $0x4;
	s10 =	smul.u32 $0x140000, s6;
	_ =	strace $0x80000047  }
0x9: {  	s6 =	ssub.s32 $0x2, s6;
	s9 =	sshrl.u32 s7, $0x3;
	s8 =	sor.u32 s1, s8  }
0xa: {  	s11 =	sshrl.u32 s6, $0x1;
	s30 =	sshrl.u32 s29, $0x2;
	s9 =	sadd.s32 s9, s5  }
0xb: {  	s8 =	smul.u32 $0x500, s8;
	s7 =	sadd.s32 s7, s10;
	s11 =	ssub.s32 s6, s11  }
0xc: {  	s10 =	sadd.s32 s30, s3;
	s6 =	sor.u32 $0x1C01, s31;
	s7 =	sshrl.u32 s7, $0x3  }
0xd: {  	s10 =	sshrl.u32 s10, $0x3;
	s8 =	sadd.s32 s8, s5;
	s12 =	sadd.s32 s7, s5  }
0xe: {  	s5 =	sadd.s32 $0x10C00, s9;
	s9 =	smax.u32 s11, $0x1;
	s11 =	simm.s32 $0x1  }
0xf: {  	s7 =	sadd.s32 $0x6C00, s8;
	s8 =	sadd.s32 $0x38C00, s12;
	s12 =	simm.s32 $0x2800  }
.LBB2_1:
0x10: {  	[spmem:s10], [sflag:s6] =	dma.local [hbm:s5], $0x2800  }
0x11: {  	_ =	swait.ge [sflag:s11], $0x2800  }
0x12: {  	[sflag:s11] =	ssyncset.done $0x0  }
0x13: {  	[sflag:s11] =	ssyncadd.s32 $0xFFFFD800  }
0x14: {  	[tilespmem:s4], [sflag:$0x1] =	stream.linear.gather [hbm4b:s7+s4], $0x2780, $0x38;
	[tilespmem:$0x1A800] =	vst v63  }
0x15: {  	_ =	swait.ge [sflag:s11], $0x2780  }
0x16: {  	[sflag:s11] =	ssyncset.done $0x0  }
0x17: {  	[sflag:s11] =	ssyncadd.s32 $0xFFFFD880  }
0x18: {  	[tilespmem:s12], [sflag:$0x1] =	stream.linear.gather [hbm4b:s2+s4], $0x4000, $0x38;
	[tilespmem:$0x1A800] =	vst v63  }
0x19: {  	_ =	swait.ge [sflag:s11], $0x4000  }
0x1a: {  	[sflag:s11] =	ssyncset.done $0x0  }
0x1b: {  	[sflag:s11] =	ssyncadd.s32 $0xFFFFC000  }
0x1c: {  	s15 =	simm.s32 $0x0;
	[bflag:$0x0] =	sbarrier.arrive $0xFFFF  }
0x1d: {  	[spmem:s3] =	stream.indirect.scatter.add.f32 [tilespmem:s12], [sflag:$0x1], $0x80, s15, s13, $0xb8;
	[tilespmem:$0x1A800] =	vst v63  }
0x1e: {  	_ =	swait.ge [sflag:s11], $0x4000  }
0x1f: {  	s15 =	simm.s32 $0x200;
	[sflag:s11] =	ssyncset.done $0x0  }
.LBB2_2:
0x20: {  	s16 =	sshra.s32 s15, $0x2;
	[sflag:s11] =	ssyncadd.s32 $0xFFFFC000;
	p0 =	sne.s32 s15, $0x9C00  }
0x21: {  	[spmem:s3] =	stream.indirect.scatter.add.f32 [tilespmem:s12], [sflag:$0x1], $0x80, s16, s13, $0xb8;
	[tilespmem:$0x1A800] =	vst v63  }
.Ltmp0:
0x22: {  	_ = 	snop;
	(pc) =	sbr.rel @p0 .LBB2_2-.Ltmp0, $4  }
0x23: {  	_ = 	snop  }
0x24: {  	s15 =	sadd.s32 $0x200, s15  }
0x25: {  	_ =	swait.ge [sflag:s11], $0x4000  }
0x26: {  	[sflag:s11] =	ssyncset.done $0x0  }
0x27: {  	s14 =	sadd.s32 $0x1, s14  }
0x28: {  	[sflag:s11] =	ssyncadd.s32 $0xFFFFC000;
	p0 =	sne.s32 s14, s9  }
.Ltmp1:
0x29: {  	[bflag:$0x0] =	sbarrier.arrive $0xFFFF;
	(pc) =	sbr.rel @p0 .LBB2_1-.Ltmp1, $4  }
0x2a: {  	[hbm:s8], [sflag:s6] =	dma.local [spmem:s10], $0x2800  }
0x2b: {  	_ =	swait.ge [sflag:s11], $0x2800  }
0x2c: {  	[sflag:s11] =	ssyncset.done $0x0  }
0x2d: {  	[sflag:s11] =	ssyncadd.s32 $0xFFFFD800  }
0x2e: {  	_ =	sfence.sel $0x180000  }
0x2f: {  	[bflag:$0x0] =	sbarrier.arrive $0xFFFF  }
0x30: {  	p0 =	sne.s32 s1, $0x0;
	_ =	strace $0x90000047  }
0x31: {  	s0 =	sadd.s32 @!p0 $0x100000, s0;
	[bflag:$0x2] =	sbarrier.arrive $0xFFFF  }
0x32: {  	[sflag:s0] =	ssyncadd.tile.s32 @!p0 $0x1;
	_ =	shalt  }
.Lfunc_end2:
_tile_overlayer_lowered:
.L_overlay_start_2:
0x33: {  	(tag) =	ssettag $0x2  }
0x34: {  	s0 =	rddreg [dreg:$0x0];
	s2 =	stileid.u32  }
0x35: {  	s1 =	rddreg [dreg:$0x1];
	p0 =	sne.s32 s2, $0x0  }
0x36: {  	s3 =	rddreg [dreg:$0x2];
	[bflag:$0x3] =	sbarrier.arrive $0xFFFF;
	s2 =	simm.s32 @!p0 $0x1C01  }
0x37: {  	[timem:s3], [sflag:s2] =	dma.local @!p0 [hbm:s0], s1  }
0x38: {  	s0 =	simm.s32 @!p0 $0x1  }
0x39: {  	_ =	swait.ge @!p0 [sflag:s0], s1  }
0x3a: {  	s1 =	ssub.s32 @!p0 $0x0, s1;
	[sflag:s0] =	ssyncset.done @!p0 $0x0  }
0x3b: {  	[sflag:s0] =	ssyncadd.s32 @!p0 s1  }
0x3c: {  	[bflag:$0x3] =	sbarrier.arrive $0xFFFF  }
0x3d: {  	_ =	shalt  }

// kernel: kernel.17.cloned.1.call-start
scs
__scs_entry_jumppad:
0x0: {  	(pc) =	sbr.rel $0x88, $3  }
0x1: {  	(tag) =	ssettag $0x0;
	lr =	simm.s32 $0x1  }
0x2: {  	[smem:$0x3F95] =	sst lr;
	_ =	strace $0xD0000000  }
0x3: {  	_ = 	snop  }
0x4: {  	_ = 	snop  }
0x5: {  	_ = 	snop  }
0x6: {  	_ = 	snop  }
0x7: {  	_ = 	snop  }
__scs_overlays_trampoline_lowered:
0x8: {  	[smem:$0x3FA4] =	sst s0  }
0x9: {  	[smem:$0x3FA5] =	sst s1  }
0xa: {  	[smem:$0x3FA6] =	sst s2  }
0xb: {  	[smem:$0x3FA7] =	sst s3  }
0xc: {  	[smem:$0x3FA8] =	sst s4  }
0xd: {  	[smem:$0x3FA9] =	sst s5  }
0xe: {  	[smem:$0x3FAA] =	sst s6  }
0xf: {  	[smem:$0x3FAB] =	sst s7  }
0x10: {  	[smem:$0x3FAC] =	sst s8  }
0x11: {  	[smem:$0x3FAD] =	sst s9;
	s0 =	simm.s32 @!p0 $0x0  }
0x12: {  	s1 =	sld [smem:$0x3F93];
	s0 =	simm.s32 @p0 $0x1  }
0x13: {  	[smem:$0x3FAE] =	sst s0;
	s0 =	simm.s32 @!p1 $0x0  }
0x14: {  	s2 =	sld [smem:$0x3F92];
	s0 =	simm.s32 @p1 $0x1  }
0x15: {  	[smem:$0x3FAF] =	sst s0;
	s0 =	simm.s32 @!p2 $0x0  }
0x16: {  	s3 =	sld [smem:$0x3FDB];
	s0 =	simm.s32 @p2 $0x1  }
0x17: {  	s4 =	simm.s32 $0x1BF5;
	[smem:$0x3FB1] =	sst s0  }
0x18: {  	s0 =	sld [smem:$0x3F94];
	_ =	swait.ge [sflag:s4], $0x0  }
0x19: {  	s7 =	sld [smem:$0x3F95]  }
0x1a: {  	s8 =	sadd.s32 $0xFFFFE003, lr  }
0x1b: {  	s9 =	sadd.s32 $0xFFFFFEF7, lr;
	s5 =	simm.s32 $0xFFFFFFFF;
	p2 =	slt.u32 s8, $0xFFFFF086  }
0x1c: {  	p1 =	slt.u32 s9, $0xF7A;
	s5 =	simm.s32 @!p2 $0x0  }
0x1d: {  	s5 =	simm.s32 @p1 $0x1;
	p0 =	seq.s32 s7, s2  }
0x1e: {  	s7 =	smul.u32 @!p0 $0xF7A, s2;
	p2 =	seq.s32 @!p0 s5, $0x0  }
0x1f: {  	s9 =	smul.u32 $0xF7A, s1;
	s8 =	simm.s32 @!p0 $0x1BF5;
	p2 =	por !p2, p0  }
0x20: {  	[sflag:s8] =	ssyncset.s32 @!p0 $0xFFFFF086;
	s6 =	sadd.s32 @!p0 s3, s7;
	s7 =	simm.s32 @!p0 $0x108  }
0x21: {  	s3 =	sadd.s32 s3, s9;
	s6 =	sadd.s32 @!p0 $0x88, s6;
	s7 =	simm.s32 @p2 $0x1082  }
0x22: {  	[simem:s7], [sflag:s8] =	dma.local @!p0 [hbm:s6], $0xF7A  }
0x23: {  	s9 =	sor.u32 $0xD0000000, s2;
	s6 =	simm.s32 $0x108;
	_ =	swait.ge @!p0 [sflag:s8], $0x0  }
0x24: {  	s3 =	sadd.s32 $0x88, s3;
	s6 =	simm.s32 @!p1 $0x1082;
	[sflag:s4] =	ssyncset.s32 $0xFFFFF086  }
0x25: {  	[simem:s6], [sflag:s4] =	dma.local [hbm:s3], $0xF7A  }
0x26: {  	[smem:$0x3F95] =	sst s1;
	(tag) =	ssettag s2;
	_ =	strace s9  }
0x27: {  	s1 =	sld [smem:$0x3FA5]  }
0x28: {  	s2 =	sld [smem:$0x3FA6]  }
0x29: {  	s4 =	sld [smem:$0x3FA8]  }
0x2a: {  	p0 =	seq.s32 s5, $0x0;
	s5 =	sld [smem:$0x3FA9]  }
0x2b: {  	s6 =	sld [smem:$0x3FAA]  }
0x2c: {  	s7 =	sld [smem:$0x3FAB]  }
0x2d: {  	s3 =	simm.s32 $0x108;
	s8 =	sld [smem:$0x3FAC]  }
0x2e: {  	s3 =	simm.s32 @!p0 $0x1082;
	s9 =	sld [smem:$0x3FAD]  }
0x2f: {  	lr =	sadd.s32 s0, s3;
	s0 =	sld [smem:$0x3FA4]  }
0x30: {  	s3 =	sld [smem:$0x3FA7]  }
0x31: {  	[smem:$0x3FB0] =	sst s10  }
0x32: {  	s10 =	sld [smem:$0x3FAE];
	_ =	sdelay $0x3  }
0x33: {  	p0 =	seq.s32 s10, $0x1;
	s10 =	sld [smem:$0x3FB0];
	_ =	sdelay $0x3  }
0x34: {  	[smem:$0x3FB0] =	sst s10  }
0x35: {  	s10 =	sld [smem:$0x3FAF];
	_ =	sdelay $0x3  }
0x36: {  	p1 =	seq.s32 s10, $0x1;
	s10 =	sld [smem:$0x3FB0];
	_ =	sdelay $0x3  }
0x37: {  	[smem:$0x3FB0] =	sst s10  }
0x38: {  	s10 =	sld [smem:$0x3FB1]  }
0x39: {  	_ = 	snop;
	(pc) =	sbr.ind lr, $3  }
0x3a: {  	_ = 	snop  }
0x3b: {  	_ = 	snop  }
0x3c: {  	p2 =	seq.s32 s10, $0x1;
	s10 =	sld [smem:$0x3FB0]  }
0x3d: {  	_ =	shalt  }
0x3e: {  	_ =	shalt  }
0x3f: {  	_ =	shalt  }
0x40: {  	_ =	shalt  }
0x41: {  	_ =	shalt  }
0x42: {  	_ =	shalt  }
0x43: {  	_ =	shalt  }
0x44: {  	_ =	shalt  }
0x45: {  	_ =	shalt  }
0x46: {  	_ =	shalt  }
0x47: {  	_ =	shalt  }
0x48: {  	_ =	shalt  }
0x49: {  	_ =	shalt  }
0x4a: {  	_ =	shalt  }
0x4b: {  	_ =	shalt  }
0x4c: {  	_ =	shalt  }
0x4d: {  	_ =	shalt  }
0x4e: {  	_ =	shalt  }
0x4f: {  	_ =	shalt  }
0x50: {  	_ =	shalt  }
0x51: {  	_ =	shalt  }
0x52: {  	_ =	shalt  }
0x53: {  	_ =	shalt  }
0x54: {  	_ =	shalt  }
0x55: {  	_ =	shalt  }
0x56: {  	_ =	shalt  }
0x57: {  	_ =	shalt  }
0x58: {  	_ =	shalt  }
0x59: {  	_ =	shalt  }
0x5a: {  	_ =	shalt  }
0x5b: {  	_ =	shalt  }
0x5c: {  	_ =	shalt  }
0x5d: {  	_ =	shalt  }
0x5e: {  	_ =	shalt  }
0x5f: {  	_ =	shalt  }
0x60: {  	_ =	shalt  }
0x61: {  	_ =	shalt  }
0x62: {  	_ =	shalt  }
0x63: {  	_ =	shalt  }
0x64: {  	_ =	shalt  }
0x65: {  	_ =	shalt  }
0x66: {  	_ =	shalt  }
0x67: {  	_ =	shalt  }
0x68: {  	_ =	shalt  }
0x69: {  	_ =	shalt  }
0x6a: {  	_ =	shalt  }
0x6b: {  	_ =	shalt  }
0x6c: {  	_ =	shalt  }
0x6d: {  	_ =	shalt  }
0x6e: {  	_ =	shalt  }
0x6f: {  	_ =	shalt  }
0x70: {  	_ =	shalt  }
0x71: {  	_ =	shalt  }
0x72: {  	_ =	shalt  }
0x73: {  	_ =	shalt  }
0x74: {  	_ =	shalt  }
0x75: {  	_ =	shalt  }
0x76: {  	_ =	shalt  }
0x77: {  	_ =	shalt  }
0x78: {  	_ =	shalt  }
0x79: {  	_ =	shalt  }
0x7a: {  	_ =	shalt  }
0x7b: {  	_ =	shalt  }
0x7c: {  	_ =	shalt  }
0x7d: {  	_ =	shalt  }
0x7e: {  	_ =	shalt  }
0x7f: {  	_ =	shalt  }
0x80: {  	_ =	shalt  }
0x81: {  	_ =	shalt  }
0x82: {  	_ =	shalt  }
0x83: {  	_ =	shalt  }
0x84: {  	_ =	shalt  }
0x85: {  	_ =	shalt  }
0x86: {  	_ =	shalt  }
0x87: {  	_ =	shalt  }
.Lfunc_end0:
.L_simem_size_0:
called_computation.1_lowered:
.L_overlay_start_0:
0x88: {  	s2 =	sld [smem:$0x3FD9]  }
0x89: {  	s3 =	sld [smem:$0x3FFE];
	_ =	sdelay $0x1  }
0x8a: {  	s1 =	srdreg.scid  }
0x8b: {  	s0 =	sand.u32 $0x1, s1  }
0x8c: {  	s17 =	sshll.u32 s0, $0xA;
	s2 =	sadd.s32 s3, s2  }
0x8d: {  	s2 =	sadd.s32 s2, s17  }
0x8e: {  	[smem:$0x3FBC] =	sst s2  }
0x8f: {  	_ = 	snop  }
0x90: {  	(tm) =	ssettm $0x1  }
0x91: {  	s18 =	sld [smem:$0x3FFB];
	_ =	sdelay $0x3  }
0x92: {  	_ =	strace s18  }
0x93: {  	s2 =	sld [smem:$0x3FFC];
	_ =	sdelay $0x3  }
0x94: {  	_ =	strace s2  }
0x95: {  	s2 =	sld [smem:$0x3FFD];
	_ =	sdelay $0x3  }
0x96: {  	_ =	strace s2  }
0x97: {  	_ =	strace $0x8FFFFFFF  }
0x98: {  	s19 =	sld [smem:$0x3FDB];
	_ =	sdelay $0x1  }
0x99: {  	s20 =	simm.s32 $_scs_section_size  }
0x9a: {  	s4 =	simm.s32 $_size__tile_overlayer_lowered;
	s5 =	simm.s32 $_tile_overlayer_lowered  }
0x9b: {  	s6 =	simm.s32 $0x1BFF;
	s21 =	sshll.u32 s5, $0x1;
	s3 =	sadd.s32 s20, s19  }
0x9c: {  	s22 =	simm.s32 $0x0;
	s4 =	sshll.u32 s4, $0x1;
	s5 =	sadd.s32 s21, s3  }
0x9d: {  	[timem:s22], [sflag:s6] =	dma.local [hbm:s5], s4  }
0x9e: {  	_ =	swait.ge [sflag:s6], s4  }
0x9f: {  	s4 =	ssub.s32 $0x0, s4;
	[sflag:s6] =	ssyncset.done $0x0  }
0xa0: {  	[sflag:s6] =	ssyncadd.s32 s4;
	_ =	sdelay $0x1  }
0xa1: {  	s23 =	simm.s32 $0x1B8B  }
0xa2: {  	_ =	swait.ge [sflag:s23], $0x1  }
0xa3: {  	[sflag:s23] =	ssyncset.done $0x0  }
0xa4: {  	[sflag:s23] =	ssyncadd.s32 $0xFFFFFFFF  }
0xa5: {  	s4 =	sld [smem:$0x0]  }
0xa6: {  	s5 =	sand.u32 $0xFFFFFFFE, s1  }
0xa7: {  	p0 =	sne.s32 s1, s5  }
0xa8: {  	s5 =	sshll.u32 @p0 s5, $0xE  }
0xa9: {  	s5 =	sadd.s32 @p0 $0x11B8D, s5;
	s6 =	sshll.u32 @p0 s4, $0x11  }
0xaa: {  	s5 =	sor.u32 @p0 s6, s5  }
0xab: {  	[sflag:s5] =	ssyncadd.remote.s32 @p0 $0x1;
	_ =	sdelay $0x1  }
0xac: {  	s5 =	simm.s32 @p0 $0x1B8D  }
0xad: {  	_ =	swait.eq @p0 [sflag:s5], $0x1  }
0xae: {  	[sflag:s5] =	ssyncadd.s32 @p0 $0xFFFFFFFF  }
0xaf: {  	s6 =	sshll.u32 @!p0 s1, $0xE  }
0xb0: {  	s6 =	sor.u32 @!p0 $0x4000, s6;
	s5 =	simm.s32 @!p0 $0x1B8D  }
0xb1: {  	s4 =	sshll.u32 @!p0 s4, $0x11;
	s6 =	sadd.s32 @!p0 $0x11B8D, s6;
	_ =	swait.eq @!p0 [sflag:s5], $0x1  }
0xb2: {  	s4 =	sor.u32 @!p0 s4, s6;
	[sflag:s5] =	ssyncadd.s32 @!p0 $0xFFFFFFFF  }
0xb3: {  	s25 =	simm.s32 $0x1B8E;
	s24 =	sld [smem:$0x3FFE];
	[sflag:s4] =	ssyncadd.remote.s32 @!p0 $0x1  }
0xb4: {  	s26 =	simm.s32 $execute0_lowered;
	[smem:$0x3FD2] =	sst s25  }
0xb5: {  	s5 =	sshll.u32 s26, $0x1;
	_ =	strace $0x8000004C;
	[dreg:$0x1] =	wrdreg $0xFFFFFFFF  }
0xb6: {  	s28 =	simm.s32 $_size_execute0_lowered;
	s3 =	sadd.s32 s3, s5;
	[dreg:$0x0] =	wrdreg $0x0  }
0xb7: {  	s5 =	sshll.u32 s28, $0x1;
	[dreg:$0x2] =	wrdreg s3  }
0xb8: {  	[dreg:$0x3] =	wrdreg s5  }
0xb9: {  	[dreg:$0x4] =	wrdreg $0xC0  }
0xba: {  	_ =	task [dreg:s22], $0x5FFFF  }
0xbb: {  	[dreg:$0x1] =	wrdreg $0xFFFFFFFF  }
0xbc: {  	[dreg:$0x0] =	wrdreg $0x60  }
0xbd: {  	[dreg:$0x2] =	wrdreg s24  }
0xbe: {  	[dreg:$0x3] =	wrdreg $0x90000  }
0xbf: {  	[dreg:$0x4] =	wrdreg $0x9  }
0xc0: {  	_ =	task.clear_ibuf [dreg:s22], $0x5FFFF;
	_ =	strace $0x9000004C  }
0xc1: {  	s29 =	simm.s32 $0x9;
	_ =	strace $0x8000004E  }
0xc2: {  	_ =	swait.ge [sflag:s29], $0x1  }
0xc3: {  	[sflag:s29] =	ssyncadd.s32 $0xFFFFFFFF  }
0xc4: {  	_ =	strace $0x9000004E  }
0xc5: {  	_ =	sfence  }
0xc6: {  	s30 =	sld [smem:$0x0];
	_ =	sdelay $0x2  }
0xc7: {  	s31 =	sshll.u32 s1, $0xD;
	s1 =	sshrl.u32 s1, $0x2  }
0xc8: {  	s4 =	sand.u32 $0x4000, s31;
	s1 =	sadd.s32 s1, s30  }
0xc9: {  	s0 =	sor.u32 s4, s0;
	s1 =	sshll.u32 s1, $0x11  }
0xca: {  	s0 =	sor.u32 s1, s0  }
0xcb: {  	s0 =	sadd.s32 $0x8F2B, s0  }
0xcc: {  	[sflag:s0] =	ssyncadd.remote.s32 $0x1  }
0xcd: {  	_ =	sfence.sel $0xFFFF  }
0xce: {  	[dreg:$0x0] =	wrdreg $0xFFFFFFFF;
	(pc) =	sbr.abs _section_cstart, $3  }
0xcf: {  	[dreg:$0x1] =	wrdreg $0xFFFFFFFF  }
0xd0: {  	_ =	task.clear_ibuf [dreg:s22], $0x2FFFF;
	_ =	strace $0x9FFFFFFF  }
0xd1: {  	(tm) =	ssettm $0x7FFFFFFF  }
tec
execute0_lowered:
.L_overlay_start_1:
0x0: {  	(tag) =	ssettag $0x1  }
0x1: {  	s5 =	rddreg [dreg:$0x0]  }
0x2: {  	s2 =	rddreg [dreg:$0x1];
	s3 =	srdreg.scid  }
0x3: {  	s0 =	rddreg [dreg:$0x2];
	s1 =	stileid.u32;
	s13 =	simm.s32 $0x2800  }
0x4: {  	s14 =	simm.s32 $0x80;
	s15 =	simm.s32 $0x5000;
	s16 =	simm.s32 $0x0  }
0x5: {  	s6 =	sand.u32 $0x1, s3;
	s3 =	simm.s32 $0x0;
	s7 =	smul.u32 $0x14000, s1  }
0x6: {  	s10 =	smul.u32 $0x50000, s1;
	s31 =	sshll.u32 s1, $0x6;
	s4 =	sshll.u32 s6, $0x4  }
0x7: {  	[smem:$0x7FF] =	sst s3;
	s9 =	smul.u32 $0x140000, s6;
	s6 =	ssub.s32 $0x2, s6  }
0x8: {  	s8 =	sor.u32 s1, s4;
	_ =	strace $0x8000004D;
	s4 =	sadd.s32 $0x38C00, s5  }
0x9: {  	s11 =	sshrl.u32 s6, $0x1;
	s29 =	sshrl.u32 s10, $0x2;
	s30 =	sshrl.u32 s7, $0x3  }
0xa: {  	s8 =	smul.u32 $0x500, s8;
	s9 =	sadd.s32 s7, s9;
	s11 =	ssub.s32 s6, s11  }
0xb: {  	s12 =	sadd.s32 s29, s2;
	s6 =	sor.u32 $0x1C01, s31;
	s9 =	sshrl.u32 s9, $0x3  }
0xc: {  	s10 =	smax.u32 s11, $0x1;
	s11 =	sshrl.u32 s12, $0x3;
	s12 =	simm.s32 $0x1  }
0xd: {  	s8 =	sadd.s32 s8, s5;
	s9 =	sadd.s32 s9, s5;
	s5 =	sadd.s32 s4, s30  }
0xe: {  	s7 =	sadd.s32 $0x88C00, s8;
	s8 =	sadd.s32 $0x6C00, s8;
	s9 =	sadd.s32 $0xE2C00, s9  }
.LBB2_1:
0xf: {  	[spmem:s11], [sflag:s6] =	dma.local [hbm:s5], $0x2800  }
0x10: {  	_ =	swait.ge [sflag:s12], $0x2800  }
0x11: {  	[sflag:s12] =	ssyncset.done $0x0  }
0x12: {  	[sflag:s12] =	ssyncadd.s32 $0xFFFFD800  }
0x13: {  	[tilespmem:s3], [sflag:$0x1] =	stream.linear.gather [hbm4b:s7+s3], $0x2780, $0x38;
	[tilespmem:$0x1D000] =	vst v63  }
0x14: {  	_ =	swait.ge [sflag:s12], $0x2780  }
0x15: {  	[sflag:s12] =	ssyncset.done $0x0  }
0x16: {  	[sflag:s12] =	ssyncadd.s32 $0xFFFFD880  }
0x17: {  	[tilespmem:s13], [sflag:$0x1] =	stream.linear.gather [hbm4b:s8+s3], $0x2780, $0x38;
	[tilespmem:$0x1D000] =	vst v63  }
0x18: {  	_ =	swait.ge [sflag:s12], $0x2780  }
0x19: {  	[sflag:s12] =	ssyncset.done $0x0  }
0x1a: {  	[sflag:s12] =	ssyncadd.s32 $0xFFFFD880  }
0x1b: {  	s17 =	simm.s32 $0x0;
	[bflag:$0x0] =	sbarrier.arrive $0xFFFF  }
0x1c: {  	[tilespmem:s15], [sflag:$0x1] =	stream.indirect.gather [hbm4b:s4+s14], $0x80, s17, s14, $0xb8;
	[tilespmem:$0x1D000] =	vst v63  }
0x1d: {  	_ =	swait.ge [sflag:s12], $0x4000  }
0x1e: {  	[sflag:s12] =	ssyncset.done $0x0  }
0x1f: {  	s31 =	simm.s32 $0x2800;
	[sflag:s12] =	ssyncadd.s32 $0xFFFFC000  }
0x20: {  	[spmem:s2] =	stream.indirect.scatter.add.f32 [tilespmem:s15], [sflag:$0x1], $0x80, s31, s14, $0xb8;
	[tilespmem:$0x1D000] =	vst v63  }
0x21: {  	_ =	swait.ge [sflag:s12], $0x4000  }
0x22: {  	s18 =	simm.s32 $0x400;
	s17 =	simm.s32 $0x200;
	[sflag:s12] =	ssyncset.done $0x0  }
.LBB2_2:
0x23: {  	s19 =	sshra.s32 s17, $0x2  }
0x24: {  	[sflag:s12] =	ssyncadd.s32 $0xFFFFC000;
	s17 =	smov.u32 s18;
	s20 =	sadd.s32 $0x200, s18  }
0x25: {  	[tilespmem:s15], [sflag:$0x1] =	stream.indirect.gather [hbm4b:s4+s14], $0x80, s19, s14, $0xb8;
	[tilespmem:$0x1D000] =	vst v63  }
0x26: {  	p0 =	sne.s32 s18, $0x9C00;
	_ =	swait.ge [sflag:s12], $0x4000  }
.Ltmp0:
0x27: {  	[sflag:s12] =	ssyncset.done $0x0;
	(pc) =	sbr.rel @p0 .LBB2_2-.Ltmp0, $4  }
0x28: {  	s18 =	sadd.s32 $0x2800, s19;
	[sflag:s12] =	ssyncadd.s32 $0xFFFFC000  }
0x29: {  	[spmem:s2] =	stream.indirect.scatter.add.f32 [tilespmem:s15], [sflag:$0x1], $0x80, s18, s14, $0xb8;
	[tilespmem:$0x1D000] =	vst v63  }
0x2a: {  	_ =	swait.ge [sflag:s12], $0x4000  }
0x2b: {  	s18 =	smov.u32 s20;
	[sflag:s12] =	ssyncset.done $0x0  }
0x2c: {  	s17 =	sshra.s32 s17, $0x2;
	[sflag:s12] =	ssyncadd.s32 $0xFFFFC000  }
0x2d: {  	[tilespmem:s15], [sflag:$0x1] =	stream.indirect.gather [hbm4b:s4+s14], $0x80, s17, s14, $0xb8;
	[tilespmem:$0x1D000] =	vst v63  }
0x2e: {  	_ =	swait.ge [sflag:s12], $0x4000  }
0x2f: {  	[sflag:s12] =	ssyncset.done $0x0  }
0x30: {  	s17 =	sadd.s32 $0x2800, s17;
	[sflag:s12] =	ssyncadd.s32 $0xFFFFC000  }
0x31: {  	[spmem:s2] =	stream.indirect.scatter.add.f32 [tilespmem:s15], [sflag:$0x1], $0x80, s17, s14, $0xb8;
	[tilespmem:$0x1D000] =	vst v63  }
0x32: {  	_ =	swait.ge [sflag:s12], $0x4000  }
0x33: {  	s16 =	sadd.s32 $0x1, s16;
	[sflag:s12] =	ssyncset.done $0x0  }
0x34: {  	p0 =	sne.s32 s16, s10;
	[sflag:s12] =	ssyncadd.s32 $0xFFFFC000  }
.Ltmp1:
0x35: {  	[bflag:$0x0] =	sbarrier.arrive $0xFFFF;
	(pc) =	sbr.rel @p0 .LBB2_1-.Ltmp1, $4  }
0x36: {  	[hbm:s9], [sflag:s6] =	dma.local [spmem:s11], $0x2800  }
0x37: {  	_ =	swait.ge [sflag:s12], $0x2800  }
0x38: {  	[sflag:s12] =	ssyncset.done $0x0  }
0x39: {  	[sflag:s12] =	ssyncadd.s32 $0xFFFFD800  }
0x3a: {  	_ =	sfence.sel $0x180000  }
0x3b: {  	[bflag:$0x0] =	sbarrier.arrive $0xFFFF  }
0x3c: {  	p0 =	sne.s32 s1, $0x0;
	_ =	strace $0x9000004D  }
0x3d: {  	s0 =	sadd.s32 @!p0 $0x100000, s0;
	[bflag:$0x2] =	sbarrier.arrive $0xFFFF  }
0x3e: {  	[sflag:s0] =	ssyncadd.tile.s32 @!p0 $0x1;
	_ =	shalt  }
.Lfunc_end2:
_tile_overlayer_lowered:
.L_overlay_start_2:
0x3f: {  	(tag) =	ssettag $0x2  }
0x40: {  	s0 =	rddreg [dreg:$0x0];
	s2 =	stileid.u32  }
0x41: {  	s1 =	rddreg [dreg:$0x1];
	p0 =	sne.s32 s2, $0x0  }
0x42: {  	s3 =	rddreg [dreg:$0x2];
	[bflag:$0x3] =	sbarrier.arrive $0xFFFF;
	s2 =	simm.s32 @!p0 $0x1C01  }
0x43: {  	[timem:s3], [sflag:s2] =	dma.local @!p0 [hbm:s0], s1  }
0x44: {  	s0 =	simm.s32 @!p0 $0x1  }
0x45: {  	_ =	swait.ge @!p0 [sflag:s0], s1  }
0x46: {  	s1 =	ssub.s32 @!p0 $0x0, s1;
	[sflag:s0] =	ssyncset.done @!p0 $0x0  }
0x47: {  	[sflag:s0] =	ssyncadd.s32 @!p0 s1  }
0x48: {  	[bflag:$0x3] =	sbarrier.arrive $0xFFFF  }
0x49: {  	_ =	shalt  }

// kernel: kernel.20.cloned.1.call-start
scs
__scs_entry_jumppad:
0x0: {  	(pc) =	sbr.rel $0x88, $3  }
0x1: {  	(tag) =	ssettag $0x0;
	lr =	simm.s32 $0x1  }
0x2: {  	[smem:$0x3F95] =	sst lr;
	_ =	strace $0xD0000000  }
0x3: {  	_ = 	snop  }
0x4: {  	_ = 	snop  }
0x5: {  	_ = 	snop  }
0x6: {  	_ = 	snop  }
0x7: {  	_ = 	snop  }
__scs_overlays_trampoline_lowered:
0x8: {  	[smem:$0x3FA4] =	sst s0  }
0x9: {  	[smem:$0x3FA5] =	sst s1  }
0xa: {  	[smem:$0x3FA6] =	sst s2  }
0xb: {  	[smem:$0x3FA7] =	sst s3  }
0xc: {  	[smem:$0x3FA8] =	sst s4  }
0xd: {  	[smem:$0x3FA9] =	sst s5  }
0xe: {  	[smem:$0x3FAA] =	sst s6  }
0xf: {  	[smem:$0x3FAB] =	sst s7  }
0x10: {  	[smem:$0x3FAC] =	sst s8  }
0x11: {  	[smem:$0x3FAD] =	sst s9;
	s0 =	simm.s32 @!p0 $0x0  }
0x12: {  	s1 =	sld [smem:$0x3F93];
	s0 =	simm.s32 @p0 $0x1  }
0x13: {  	[smem:$0x3FAE] =	sst s0;
	s0 =	simm.s32 @!p1 $0x0  }
0x14: {  	s2 =	sld [smem:$0x3F92];
	s0 =	simm.s32 @p1 $0x1  }
0x15: {  	[smem:$0x3FAF] =	sst s0;
	s0 =	simm.s32 @!p2 $0x0  }
0x16: {  	s3 =	sld [smem:$0x3FDB];
	s0 =	simm.s32 @p2 $0x1  }
0x17: {  	s4 =	simm.s32 $0x1BF5;
	[smem:$0x3FB1] =	sst s0  }
0x18: {  	s0 =	sld [smem:$0x3F94];
	_ =	swait.ge [sflag:s4], $0x0  }
0x19: {  	s7 =	sld [smem:$0x3F95]  }
0x1a: {  	s8 =	sadd.s32 $0xFFFFE003, lr  }
0x1b: {  	s9 =	sadd.s32 $0xFFFFFEF7, lr;
	s5 =	simm.s32 $0xFFFFFFFF;
	p2 =	slt.u32 s8, $0xFFFFF086  }
0x1c: {  	p1 =	slt.u32 s9, $0xF7A;
	s5 =	simm.s32 @!p2 $0x0  }
0x1d: {  	s5 =	simm.s32 @p1 $0x1;
	p0 =	seq.s32 s7, s2  }
0x1e: {  	s7 =	smul.u32 @!p0 $0xF7A, s2;
	p2 =	seq.s32 @!p0 s5, $0x0  }
0x1f: {  	s9 =	smul.u32 $0xF7A, s1;
	s8 =	simm.s32 @!p0 $0x1BF5;
	p2 =	por !p2, p0  }
0x20: {  	[sflag:s8] =	ssyncset.s32 @!p0 $0xFFFFF086;
	s6 =	sadd.s32 @!p0 s3, s7;
	s7 =	simm.s32 @!p0 $0x108  }
0x21: {  	s3 =	sadd.s32 s3, s9;
	s6 =	sadd.s32 @!p0 $0x88, s6;
	s7 =	simm.s32 @p2 $0x1082  }
0x22: {  	[simem:s7], [sflag:s8] =	dma.local @!p0 [hbm:s6], $0xF7A  }
0x23: {  	s9 =	sor.u32 $0xD0000000, s2;
	s6 =	simm.s32 $0x108;
	_ =	swait.ge @!p0 [sflag:s8], $0x0  }
0x24: {  	s3 =	sadd.s32 $0x88, s3;
	s6 =	simm.s32 @!p1 $0x1082;
	[sflag:s4] =	ssyncset.s32 $0xFFFFF086  }
0x25: {  	[simem:s6], [sflag:s4] =	dma.local [hbm:s3], $0xF7A  }
0x26: {  	[smem:$0x3F95] =	sst s1;
	(tag) =	ssettag s2;
	_ =	strace s9  }
0x27: {  	s1 =	sld [smem:$0x3FA5]  }
0x28: {  	s2 =	sld [smem:$0x3FA6]  }
0x29: {  	s4 =	sld [smem:$0x3FA8]  }
0x2a: {  	p0 =	seq.s32 s5, $0x0;
	s5 =	sld [smem:$0x3FA9]  }
0x2b: {  	s6 =	sld [smem:$0x3FAA]  }
0x2c: {  	s7 =	sld [smem:$0x3FAB]  }
0x2d: {  	s3 =	simm.s32 $0x108;
	s8 =	sld [smem:$0x3FAC]  }
0x2e: {  	s3 =	simm.s32 @!p0 $0x1082;
	s9 =	sld [smem:$0x3FAD]  }
0x2f: {  	lr =	sadd.s32 s0, s3;
	s0 =	sld [smem:$0x3FA4]  }
0x30: {  	s3 =	sld [smem:$0x3FA7]  }
0x31: {  	[smem:$0x3FB0] =	sst s10  }
0x32: {  	s10 =	sld [smem:$0x3FAE];
	_ =	sdelay $0x3  }
0x33: {  	p0 =	seq.s32 s10, $0x1;
	s10 =	sld [smem:$0x3FB0];
	_ =	sdelay $0x3  }
0x34: {  	[smem:$0x3FB0] =	sst s10  }
0x35: {  	s10 =	sld [smem:$0x3FAF];
	_ =	sdelay $0x3  }
0x36: {  	p1 =	seq.s32 s10, $0x1;
	s10 =	sld [smem:$0x3FB0];
	_ =	sdelay $0x3  }
0x37: {  	[smem:$0x3FB0] =	sst s10  }
0x38: {  	s10 =	sld [smem:$0x3FB1]  }
0x39: {  	_ = 	snop;
	(pc) =	sbr.ind lr, $3  }
0x3a: {  	_ = 	snop  }
0x3b: {  	_ = 	snop  }
0x3c: {  	p2 =	seq.s32 s10, $0x1;
	s10 =	sld [smem:$0x3FB0]  }
0x3d: {  	_ =	shalt  }
0x3e: {  	_ =	shalt  }
0x3f: {  	_ =	shalt  }
0x40: {  	_ =	shalt  }
0x41: {  	_ =	shalt  }
0x42: {  	_ =	shalt  }
0x43: {  	_ =	shalt  }
0x44: {  	_ =	shalt  }
0x45: {  	_ =	shalt  }
0x46: {  	_ =	shalt  }
0x47: {  	_ =	shalt  }
0x48: {  	_ =	shalt  }
0x49: {  	_ =	shalt  }
0x4a: {  	_ =	shalt  }
0x4b: {  	_ =	shalt  }
0x4c: {  	_ =	shalt  }
0x4d: {  	_ =	shalt  }
0x4e: {  	_ =	shalt  }
0x4f: {  	_ =	shalt  }
0x50: {  	_ =	shalt  }
0x51: {  	_ =	shalt  }
0x52: {  	_ =	shalt  }
0x53: {  	_ =	shalt  }
0x54: {  	_ =	shalt  }
0x55: {  	_ =	shalt  }
0x56: {  	_ =	shalt  }
0x57: {  	_ =	shalt  }
0x58: {  	_ =	shalt  }
0x59: {  	_ =	shalt  }
0x5a: {  	_ =	shalt  }
0x5b: {  	_ =	shalt  }
0x5c: {  	_ =	shalt  }
0x5d: {  	_ =	shalt  }
0x5e: {  	_ =	shalt  }
0x5f: {  	_ =	shalt  }
0x60: {  	_ =	shalt  }
0x61: {  	_ =	shalt  }
0x62: {  	_ =	shalt  }
0x63: {  	_ =	shalt  }
0x64: {  	_ =	shalt  }
0x65: {  	_ =	shalt  }
0x66: {  	_ =	shalt  }
0x67: {  	_ =	shalt  }
0x68: {  	_ =	shalt  }
0x69: {  	_ =	shalt  }
0x6a: {  	_ =	shalt  }
0x6b: {  	_ =	shalt  }
0x6c: {  	_ =	shalt  }
0x6d: {  	_ =	shalt  }
0x6e: {  	_ =	shalt  }
0x6f: {  	_ =	shalt  }
0x70: {  	_ =	shalt  }
0x71: {  	_ =	shalt  }
0x72: {  	_ =	shalt  }
0x73: {  	_ =	shalt  }
0x74: {  	_ =	shalt  }
0x75: {  	_ =	shalt  }
0x76: {  	_ =	shalt  }
0x77: {  	_ =	shalt  }
0x78: {  	_ =	shalt  }
0x79: {  	_ =	shalt  }
0x7a: {  	_ =	shalt  }
0x7b: {  	_ =	shalt  }
0x7c: {  	_ =	shalt  }
0x7d: {  	_ =	shalt  }
0x7e: {  	_ =	shalt  }
0x7f: {  	_ =	shalt  }
0x80: {  	_ =	shalt  }
0x81: {  	_ =	shalt  }
0x82: {  	_ =	shalt  }
0x83: {  	_ =	shalt  }
0x84: {  	_ =	shalt  }
0x85: {  	_ =	shalt  }
0x86: {  	_ =	shalt  }
0x87: {  	_ =	shalt  }
.Lfunc_end0:
.L_simem_size_0:
called_computation.2_lowered:
.L_overlay_start_0:
0x88: {  	s2 =	sld [smem:$0x3FD9]  }
0x89: {  	s3 =	sld [smem:$0x3FFE];
	_ =	sdelay $0x1  }
0x8a: {  	s1 =	srdreg.scid  }
0x8b: {  	s0 =	sand.u32 $0x1, s1  }
0x8c: {  	s16 =	sshll.u32 s0, $0xA;
	s2 =	sadd.s32 s3, s2  }
0x8d: {  	s2 =	sadd.s32 s2, s16  }
0x8e: {  	[smem:$0x3FBC] =	sst s2  }
0x8f: {  	_ = 	snop  }
0x90: {  	(tm) =	ssettm $0x1  }
0x91: {  	s17 =	sld [smem:$0x3FFB];
	_ =	sdelay $0x3  }
0x92: {  	_ =	strace s17  }
0x93: {  	s2 =	sld [smem:$0x3FFC];
	_ =	sdelay $0x3  }
0x94: {  	_ =	strace s2  }
0x95: {  	s2 =	sld [smem:$0x3FFD];
	_ =	sdelay $0x3  }
0x96: {  	_ =	strace s2  }
0x97: {  	_ =	strace $0x8FFFFFFF  }
0x98: {  	s18 =	sld [smem:$0x3FDB];
	_ =	sdelay $0x1  }
0x99: {  	s19 =	simm.s32 $_scs_section_size  }
0x9a: {  	s4 =	simm.s32 $_size__tile_overlayer_lowered;
	s5 =	simm.s32 $_tile_overlayer_lowered  }
0x9b: {  	s22 =	simm.s32 $0x1BFF;
	s21 =	sshll.u32 s5, $0x1;
	s2 =	sadd.s32 s19, s18  }
0x9c: {  	s6 =	simm.s32 $0x0;
	s20 =	sshll.u32 s4, $0x1;
	s4 =	sadd.s32 s21, s2  }
0x9d: {  	[timem:s6], [sflag:s22] =	dma.local [hbm:s4], s20  }
0x9e: {  	_ =	swait.ge [sflag:s22], s20  }
0x9f: {  	s3 =	ssub.s32 $0x0, s20;
	[sflag:s22] =	ssyncset.done $0x0  }
0xa0: {  	[sflag:s22] =	ssyncadd.s32 s3;
	_ =	sdelay $0x1  }
0xa1: {  	s23 =	simm.s32 $0x1B8B  }
0xa2: {  	_ =	swait.ge [sflag:s23], $0x1  }
0xa3: {  	[sflag:s23] =	ssyncset.done $0x0  }
0xa4: {  	s25 =	simm.s32 $0x1B8E;
	s24 =	sld [smem:$0x3FFE];
	[sflag:s23] =	ssyncadd.s32 $0xFFFFFFFF  }
0xa5: {  	s26 =	simm.s32 $execute0_lowered;
	[smem:$0x3FD2] =	sst s25  }
0xa6: {  	s4 =	sshll.u32 s26, $0x1;
	_ =	strace $0x80000049;
	[dreg:$0x1] =	wrdreg $0xFFFFFFFF  }
0xa7: {  	s28 =	simm.s32 $_size_execute0_lowered;
	s2 =	sadd.s32 s2, s4;
	[dreg:$0x0] =	wrdreg $0x0  }
0xa8: {  	s4 =	sshll.u32 s28, $0x1;
	[dreg:$0x2] =	wrdreg s2  }
0xa9: {  	[dreg:$0x3] =	wrdreg s4  }
0xaa: {  	[dreg:$0x4] =	wrdreg $0xC0  }
0xab: {  	_ =	task [dreg:s6], $0x5FFFF  }
0xac: {  	[dreg:$0x1] =	wrdreg $0xFFFFFFFF  }
0xad: {  	[dreg:$0x0] =	wrdreg $0x60  }
0xae: {  	[dreg:$0x2] =	wrdreg s24  }
0xaf: {  	[dreg:$0x3] =	wrdreg $0x90000  }
0xb0: {  	[dreg:$0x4] =	wrdreg $0xA  }
0xb1: {  	_ =	task.clear_ibuf [dreg:s6], $0x5FFFF;
	_ =	strace $0x90000049  }
0xb2: {  	s29 =	simm.s32 $0xA;
	_ =	strace $0x8000004B  }
0xb3: {  	_ =	swait.ge [sflag:s29], $0x1  }
0xb4: {  	[sflag:s29] =	ssyncadd.s32 $0xFFFFFFFF  }
0xb5: {  	_ =	strace $0x9000004B  }
0xb6: {  	_ =	sfence  }
0xb7: {  	s30 =	sld [smem:$0x0];
	_ =	sdelay $0x2  }
0xb8: {  	s31 =	sshll.u32 s1, $0xD;
	s1 =	sshrl.u32 s1, $0x2  }
0xb9: {  	s3 =	sand.u32 $0x4000, s31;
	s1 =	sadd.s32 s1, s30  }
0xba: {  	s0 =	sor.u32 s3, s0;
	s1 =	sshll.u32 s1, $0x11  }
0xbb: {  	s0 =	sor.u32 s1, s0  }
0xbc: {  	s0 =	sadd.s32 $0x8F2B, s0  }
0xbd: {  	[sflag:s0] =	ssyncadd.remote.s32 $0x1  }
0xbe: {  	_ =	sfence.sel $0xFFFF  }
0xbf: {  	[dreg:$0x0] =	wrdreg $0xFFFFFFFF;
	(pc) =	sbr.abs _section_cstart, $3  }
0xc0: {  	[dreg:$0x1] =	wrdreg $0xFFFFFFFF  }
0xc1: {  	_ =	task.clear_ibuf [dreg:s6], $0x2FFFF;
	_ =	strace $0x9FFFFFFF  }
0xc2: {  	(tm) =	ssettm $0x7FFFFFFF  }
0xc3: {  	_ =	shalt  }
tec
execute0_lowered:
.L_overlay_start_1:
0x0: {  	(tag) =	ssettag $0x1  }
0x1: {  	s5 =	rddreg [dreg:$0x0]  }
0x2: {  	s2 =	rddreg [dreg:$0x1];
	s3 =	srdreg.scid  }
0x3: {  	s0 =	rddreg [dreg:$0x2];
	s1 =	stileid.u32;
	s13 =	simm.s32 $0x2800  }
0x4: {  	s14 =	simm.s32 $0x80;
	s15 =	simm.s32 $0x5000;
	s16 =	simm.s32 $0x0  }
0x5: {  	s6 =	sand.u32 $0x1, s3;
	s3 =	simm.s32 $0x0;
	s7 =	smul.u32 $0x14000, s1  }
0x6: {  	s10 =	smul.u32 $0x50000, s1;
	s31 =	sshll.u32 s1, $0x6;
	s4 =	sshll.u32 s6, $0x4  }
0x7: {  	[smem:$0x7FF] =	sst s3;
	s9 =	smul.u32 $0x140000, s6;
	s6 =	ssub.s32 $0x2, s6  }
0x8: {  	s8 =	sor.u32 s1, s4;
	_ =	strace $0x8000004A;
	s4 =	sadd.s32 $0x10C00, s5  }
0x9: {  	s11 =	sshrl.u32 s6, $0x1;
	s29 =	sshrl.u32 s10, $0x2;
	s30 =	sshrl.u32 s7, $0x3  }
0xa: {  	s8 =	smul.u32 $0x500, s8;
	s9 =	sadd.s32 s7, s9;
	s11 =	ssub.s32 s6, s11  }
0xb: {  	s12 =	sadd.s32 s29, s2;
	s6 =	sor.u32 $0x1C01, s31;
	s9 =	sshrl.u32 s9, $0x3  }
0xc: {  	s10 =	smax.u32 s11, $0x1;
	s11 =	sshrl.u32 s12, $0x3;
	s12 =	simm.s32 $0x1  }
0xd: {  	s8 =	sadd.s32 s8, s5;
	s9 =	sadd.s32 s9, s5;
	s5 =	sadd.s32 s4, s30  }
0xe: {  	s7 =	sadd.s32 $0x88C00, s8;
	s8 =	sadd.s32 $0x6C00, s8;
	s9 =	sadd.s32 $0x92C00, s9  }
.LBB2_1:
0xf: {  	[spmem:s11], [sflag:s6] =	dma.local [hbm:s5], $0x2800  }
0x10: {  	_ =	swait.ge [sflag:s12], $0x2800  }
0x11: {  	[sflag:s12] =	ssyncset.done $0x0  }
0x12: {  	[sflag:s12] =	ssyncadd.s32 $0xFFFFD800  }
0x13: {  	[tilespmem:s3], [sflag:$0x1] =	stream.linear.gather [hbm4b:s7+s3], $0x2780, $0x38;
	[tilespmem:$0x1D000] =	vst v63  }
0x14: {  	_ =	swait.ge [sflag:s12], $0x2780  }
0x15: {  	[sflag:s12] =	ssyncset.done $0x0  }
0x16: {  	[sflag:s12] =	ssyncadd.s32 $0xFFFFD880  }
0x17: {  	[tilespmem:s13], [sflag:$0x1] =	stream.linear.gather [hbm4b:s8+s3], $0x2780, $0x38;
	[tilespmem:$0x1D000] =	vst v63  }
0x18: {  	_ =	swait.ge [sflag:s12], $0x2780  }
0x19: {  	[sflag:s12] =	ssyncset.done $0x0  }
0x1a: {  	[sflag:s12] =	ssyncadd.s32 $0xFFFFD880  }
0x1b: {  	s17 =	simm.s32 $0x0;
	[bflag:$0x0] =	sbarrier.arrive $0xFFFF  }
0x1c: {  	[tilespmem:s15], [sflag:$0x1] =	stream.indirect.gather [hbm4b:s4+s14], $0x80, s17, s14, $0xb8;
	[tilespmem:$0x1D000] =	vst v63  }
0x1d: {  	_ =	swait.ge [sflag:s12], $0x4000  }
0x1e: {  	[sflag:s12] =	ssyncset.done $0x0  }
0x1f: {  	s31 =	simm.s32 $0x2800;
	[sflag:s12] =	ssyncadd.s32 $0xFFFFC000  }
0x20: {  	[spmem:s2] =	stream.indirect.scatter.add.f32 [tilespmem:s15], [sflag:$0x1], $0x80, s31, s14, $0xb8;
	[tilespmem:$0x1D000] =	vst v63  }
0x21: {  	_ =	swait.ge [sflag:s12], $0x4000  }
0x22: {  	s18 =	simm.s32 $0x400;
	s17 =	simm.s32 $0x200;
	[sflag:s12] =	ssyncset.done $0x0  }
.LBB2_2:
0x23: {  	s19 =	sshra.s32 s17, $0x2  }
0x24: {  	[sflag:s12] =	ssyncadd.s32 $0xFFFFC000;
	s17 =	smov.u32 s18;
	s20 =	sadd.s32 $0x200, s18  }
0x25: {  	[tilespmem:s15], [sflag:$0x1] =	stream.indirect.gather [hbm4b:s4+s14], $0x80, s19, s14, $0xb8;
	[tilespmem:$0x1D000] =	vst v63  }
0x26: {  	p0 =	sne.s32 s18, $0x9C00;
	_ =	swait.ge [sflag:s12], $0x4000  }
.Ltmp0:
0x27: {  	[sflag:s12] =	ssyncset.done $0x0;
	(pc) =	sbr.rel @p0 .LBB2_2-.Ltmp0, $4  }
0x28: {  	s18 =	sadd.s32 $0x2800, s19;
	[sflag:s12] =	ssyncadd.s32 $0xFFFFC000  }
0x29: {  	[spmem:s2] =	stream.indirect.scatter.add.f32 [tilespmem:s15], [sflag:$0x1], $0x80, s18, s14, $0xb8;
	[tilespmem:$0x1D000] =	vst v63  }
0x2a: {  	_ =	swait.ge [sflag:s12], $0x4000  }
0x2b: {  	s18 =	smov.u32 s20;
	[sflag:s12] =	ssyncset.done $0x0  }
0x2c: {  	s17 =	sshra.s32 s17, $0x2;
	[sflag:s12] =	ssyncadd.s32 $0xFFFFC000  }
0x2d: {  	[tilespmem:s15], [sflag:$0x1] =	stream.indirect.gather [hbm4b:s4+s14], $0x80, s17, s14, $0xb8;
	[tilespmem:$0x1D000] =	vst v63  }
0x2e: {  	_ =	swait.ge [sflag:s12], $0x4000  }
0x2f: {  	[sflag:s12] =	ssyncset.done $0x0  }
0x30: {  	s17 =	sadd.s32 $0x2800, s17;
	[sflag:s12] =	ssyncadd.s32 $0xFFFFC000  }
0x31: {  	[spmem:s2] =	stream.indirect.scatter.add.f32 [tilespmem:s15], [sflag:$0x1], $0x80, s17, s14, $0xb8;
	[tilespmem:$0x1D000] =	vst v63  }
0x32: {  	_ =	swait.ge [sflag:s12], $0x4000  }
0x33: {  	s16 =	sadd.s32 $0x1, s16;
	[sflag:s12] =	ssyncset.done $0x0  }
0x34: {  	p0 =	sne.s32 s16, s10;
	[sflag:s12] =	ssyncadd.s32 $0xFFFFC000  }
.Ltmp1:
0x35: {  	[bflag:$0x0] =	sbarrier.arrive $0xFFFF;
	(pc) =	sbr.rel @p0 .LBB2_1-.Ltmp1, $4  }
0x36: {  	[hbm:s9], [sflag:s6] =	dma.local [spmem:s11], $0x2800  }
0x37: {  	_ =	swait.ge [sflag:s12], $0x2800  }
0x38: {  	[sflag:s12] =	ssyncset.done $0x0  }
0x39: {  	[sflag:s12] =	ssyncadd.s32 $0xFFFFD800  }
0x3a: {  	_ =	sfence.sel $0x180000  }
0x3b: {  	[bflag:$0x0] =	sbarrier.arrive $0xFFFF  }
0x3c: {  	p0 =	sne.s32 s1, $0x0;
	_ =	strace $0x9000004A  }
0x3d: {  	s0 =	sadd.s32 @!p0 $0x100000, s0;
	[bflag:$0x2] =	sbarrier.arrive $0xFFFF  }
0x3e: {  	[sflag:s0] =	ssyncadd.tile.s32 @!p0 $0x1;
	_ =	shalt  }
.Lfunc_end2:
_tile_overlayer_lowered:
.L_overlay_start_2:
0x3f: {  	(tag) =	ssettag $0x2  }
0x40: {  	s0 =	rddreg [dreg:$0x0];
	s2 =	stileid.u32  }
0x41: {  	s1 =	rddreg [dreg:$0x1];
	p0 =	sne.s32 s2, $0x0  }
0x42: {  	s3 =	rddreg [dreg:$0x2];
	[bflag:$0x3] =	sbarrier.arrive $0xFFFF;
	s2 =	simm.s32 @!p0 $0x1C01  }
0x43: {  	[timem:s3], [sflag:s2] =	dma.local @!p0 [hbm:s0], s1  }
0x44: {  	s0 =	simm.s32 @!p0 $0x1  }
0x45: {  	_ =	swait.ge @!p0 [sflag:s0], s1  }
0x46: {  	s1 =	ssub.s32 @!p0 $0x0, s1;
	[sflag:s0] =	ssyncset.done @!p0 $0x0  }
0x47: {  	[sflag:s0] =	ssyncadd.s32 @!p0 s1  }
0x48: {  	[bflag:$0x3] =	sbarrier.arrive $0xFFFF  }
0x49: {  	_ =	shalt  }

// kernel: kernel.23.cloned.1.call-start
scs
__scs_entry_jumppad:
0x0: {  	(pc) =	sbr.rel $0x88, $3  }
0x1: {  	(tag) =	ssettag $0x0;
	lr =	simm.s32 $0x1  }
0x2: {  	[smem:$0x3F95] =	sst lr;
	_ =	strace $0xD0000000  }
0x3: {  	_ = 	snop  }
0x4: {  	_ = 	snop  }
0x5: {  	_ = 	snop  }
0x6: {  	_ = 	snop  }
0x7: {  	_ = 	snop  }
__scs_overlays_trampoline_lowered:
0x8: {  	[smem:$0x3FA4] =	sst s0  }
0x9: {  	[smem:$0x3FA5] =	sst s1  }
0xa: {  	[smem:$0x3FA6] =	sst s2  }
0xb: {  	[smem:$0x3FA7] =	sst s3  }
0xc: {  	[smem:$0x3FA8] =	sst s4  }
0xd: {  	[smem:$0x3FA9] =	sst s5  }
0xe: {  	[smem:$0x3FAA] =	sst s6  }
0xf: {  	[smem:$0x3FAB] =	sst s7  }
0x10: {  	[smem:$0x3FAC] =	sst s8  }
0x11: {  	[smem:$0x3FAD] =	sst s9;
	s0 =	simm.s32 @!p0 $0x0  }
0x12: {  	s1 =	sld [smem:$0x3F93];
	s0 =	simm.s32 @p0 $0x1  }
0x13: {  	[smem:$0x3FAE] =	sst s0;
	s0 =	simm.s32 @!p1 $0x0  }
0x14: {  	s2 =	sld [smem:$0x3F92];
	s0 =	simm.s32 @p1 $0x1  }
0x15: {  	[smem:$0x3FAF] =	sst s0;
	s0 =	simm.s32 @!p2 $0x0  }
0x16: {  	s3 =	sld [smem:$0x3FDB];
	s0 =	simm.s32 @p2 $0x1  }
0x17: {  	s4 =	simm.s32 $0x1BF5;
	[smem:$0x3FB1] =	sst s0  }
0x18: {  	s0 =	sld [smem:$0x3F94];
	_ =	swait.ge [sflag:s4], $0x0  }
0x19: {  	s7 =	sld [smem:$0x3F95]  }
0x1a: {  	s8 =	sadd.s32 $0xFFFFE003, lr  }
0x1b: {  	s9 =	sadd.s32 $0xFFFFFEF7, lr;
	s5 =	simm.s32 $0xFFFFFFFF;
	p2 =	slt.u32 s8, $0xFFFFF086  }
0x1c: {  	p1 =	slt.u32 s9, $0xF7A;
	s5 =	simm.s32 @!p2 $0x0  }
0x1d: {  	s5 =	simm.s32 @p1 $0x1;
	p0 =	seq.s32 s7, s2  }
0x1e: {  	s7 =	smul.u32 @!p0 $0xF7A, s2;
	p2 =	seq.s32 @!p0 s5, $0x0  }
0x1f: {  	s9 =	smul.u32 $0xF7A, s1;
	s8 =	simm.s32 @!p0 $0x1BF5;
	p2 =	por !p2, p0  }
0x20: {  	[sflag:s8] =	ssyncset.s32 @!p0 $0xFFFFF086;
	s6 =	sadd.s32 @!p0 s3, s7;
	s7 =	simm.s32 @!p0 $0x108  }
0x21: {  	s3 =	sadd.s32 s3, s9;
	s6 =	sadd.s32 @!p0 $0x88, s6;
	s7 =	simm.s32 @p2 $0x1082  }
0x22: {  	[simem:s7], [sflag:s8] =	dma.local @!p0 [hbm:s6], $0xF7A  }
0x23: {  	s9 =	sor.u32 $0xD0000000, s2;
	s6 =	simm.s32 $0x108;
	_ =	swait.ge @!p0 [sflag:s8], $0x0  }
0x24: {  	s3 =	sadd.s32 $0x88, s3;
	s6 =	simm.s32 @!p1 $0x1082;
	[sflag:s4] =	ssyncset.s32 $0xFFFFF086  }
0x25: {  	[simem:s6], [sflag:s4] =	dma.local [hbm:s3], $0xF7A  }
0x26: {  	[smem:$0x3F95] =	sst s1;
	(tag) =	ssettag s2;
	_ =	strace s9  }
0x27: {  	s1 =	sld [smem:$0x3FA5]  }
0x28: {  	s2 =	sld [smem:$0x3FA6]  }
0x29: {  	s4 =	sld [smem:$0x3FA8]  }
0x2a: {  	p0 =	seq.s32 s5, $0x0;
	s5 =	sld [smem:$0x3FA9]  }
0x2b: {  	s6 =	sld [smem:$0x3FAA]  }
0x2c: {  	s7 =	sld [smem:$0x3FAB]  }
0x2d: {  	s3 =	simm.s32 $0x108;
	s8 =	sld [smem:$0x3FAC]  }
0x2e: {  	s3 =	simm.s32 @!p0 $0x1082;
	s9 =	sld [smem:$0x3FAD]  }
0x2f: {  	lr =	sadd.s32 s0, s3;
	s0 =	sld [smem:$0x3FA4]  }
0x30: {  	s3 =	sld [smem:$0x3FA7]  }
0x31: {  	[smem:$0x3FB0] =	sst s10  }
0x32: {  	s10 =	sld [smem:$0x3FAE];
	_ =	sdelay $0x3  }
0x33: {  	p0 =	seq.s32 s10, $0x1;
	s10 =	sld [smem:$0x3FB0];
	_ =	sdelay $0x3  }
0x34: {  	[smem:$0x3FB0] =	sst s10  }
0x35: {  	s10 =	sld [smem:$0x3FAF];
	_ =	sdelay $0x3  }
0x36: {  	p1 =	seq.s32 s10, $0x1;
	s10 =	sld [smem:$0x3FB0];
	_ =	sdelay $0x3  }
0x37: {  	[smem:$0x3FB0] =	sst s10  }
0x38: {  	s10 =	sld [smem:$0x3FB1]  }
0x39: {  	_ = 	snop;
	(pc) =	sbr.ind lr, $3  }
0x3a: {  	_ = 	snop  }
0x3b: {  	_ = 	snop  }
0x3c: {  	p2 =	seq.s32 s10, $0x1;
	s10 =	sld [smem:$0x3FB0]  }
0x3d: {  	_ =	shalt  }
0x3e: {  	_ =	shalt  }
0x3f: {  	_ =	shalt  }
0x40: {  	_ =	shalt  }
0x41: {  	_ =	shalt  }
0x42: {  	_ =	shalt  }
0x43: {  	_ =	shalt  }
0x44: {  	_ =	shalt  }
0x45: {  	_ =	shalt  }
0x46: {  	_ =	shalt  }
0x47: {  	_ =	shalt  }
0x48: {  	_ =	shalt  }
0x49: {  	_ =	shalt  }
0x4a: {  	_ =	shalt  }
0x4b: {  	_ =	shalt  }
0x4c: {  	_ =	shalt  }
0x4d: {  	_ =	shalt  }
0x4e: {  	_ =	shalt  }
0x4f: {  	_ =	shalt  }
0x50: {  	_ =	shalt  }
0x51: {  	_ =	shalt  }
0x52: {  	_ =	shalt  }
0x53: {  	_ =	shalt  }
0x54: {  	_ =	shalt  }
0x55: {  	_ =	shalt  }
0x56: {  	_ =	shalt  }
0x57: {  	_ =	shalt  }
0x58: {  	_ =	shalt  }
0x59: {  	_ =	shalt  }
0x5a: {  	_ =	shalt  }
0x5b: {  	_ =	shalt  }
0x5c: {  	_ =	shalt  }
0x5d: {  	_ =	shalt  }
0x5e: {  	_ =	shalt  }
0x5f: {  	_ =	shalt  }
0x60: {  	_ =	shalt  }
0x61: {  	_ =	shalt  }
0x62: {  	_ =	shalt  }
0x63: {  	_ =	shalt  }
0x64: {  	_ =	shalt  }
0x65: {  	_ =	shalt  }
0x66: {  	_ =	shalt  }
0x67: {  	_ =	shalt  }
0x68: {  	_ =	shalt  }
0x69: {  	_ =	shalt  }
0x6a: {  	_ =	shalt  }
0x6b: {  	_ =	shalt  }
0x6c: {  	_ =	shalt  }
0x6d: {  	_ =	shalt  }
0x6e: {  	_ =	shalt  }
0x6f: {  	_ =	shalt  }
0x70: {  	_ =	shalt  }
0x71: {  	_ =	shalt  }
0x72: {  	_ =	shalt  }
0x73: {  	_ =	shalt  }
0x74: {  	_ =	shalt  }
0x75: {  	_ =	shalt  }
0x76: {  	_ =	shalt  }
0x77: {  	_ =	shalt  }
0x78: {  	_ =	shalt  }
0x79: {  	_ =	shalt  }
0x7a: {  	_ =	shalt  }
0x7b: {  	_ =	shalt  }
0x7c: {  	_ =	shalt  }
0x7d: {  	_ =	shalt  }
0x7e: {  	_ =	shalt  }
0x7f: {  	_ =	shalt  }
0x80: {  	_ =	shalt  }
0x81: {  	_ =	shalt  }
0x82: {  	_ =	shalt  }
0x83: {  	_ =	shalt  }
0x84: {  	_ =	shalt  }
0x85: {  	_ =	shalt  }
0x86: {  	_ =	shalt  }
0x87: {  	_ =	shalt  }
.Lfunc_end0:
.L_simem_size_0:
called_computation.3_lowered:
.L_overlay_start_0:
0x88: {  	s2 =	sld [smem:$0x3FD9]  }
0x89: {  	s3 =	sld [smem:$0x3FFE];
	_ =	sdelay $0x1  }
0x8a: {  	s1 =	srdreg.scid  }
0x8b: {  	s0 =	sand.u32 $0x1, s1  }
0x8c: {  	s17 =	sshll.u32 s0, $0xA;
	s2 =	sadd.s32 s3, s2  }
0x8d: {  	s2 =	sadd.s32 s2, s17  }
0x8e: {  	[smem:$0x3FBC] =	sst s2  }
0x8f: {  	_ = 	snop  }
0x90: {  	(tm) =	ssettm $0x1  }
0x91: {  	s18 =	sld [smem:$0x3FFB];
	_ =	sdelay $0x3  }
0x92: {  	_ =	strace s18  }
0x93: {  	s2 =	sld [smem:$0x3FFC];
	_ =	sdelay $0x3  }
0x94: {  	_ =	strace s2  }
0x95: {  	s2 =	sld [smem:$0x3FFD];
	_ =	sdelay $0x3  }
0x96: {  	_ =	strace s2  }
0x97: {  	_ =	strace $0x8FFFFFFF  }
0x98: {  	s19 =	sld [smem:$0x3FDB];
	_ =	sdelay $0x1  }
0x99: {  	s20 =	simm.s32 $_scs_section_size  }
0x9a: {  	s4 =	simm.s32 $_size__tile_overlayer_lowered;
	s5 =	simm.s32 $_tile_overlayer_lowered  }
0x9b: {  	s6 =	simm.s32 $0x1BFF;
	s21 =	sshll.u32 s5, $0x1;
	s3 =	sadd.s32 s20, s19  }
0x9c: {  	s22 =	simm.s32 $0x0;
	s4 =	sshll.u32 s4, $0x1;
	s5 =	sadd.s32 s21, s3  }
0x9d: {  	[timem:s22], [sflag:s6] =	dma.local [hbm:s5], s4  }
0x9e: {  	_ =	swait.ge [sflag:s6], s4  }
0x9f: {  	s4 =	ssub.s32 $0x0, s4;
	[sflag:s6] =	ssyncset.done $0x0  }
0xa0: {  	[sflag:s6] =	ssyncadd.s32 s4;
	_ =	sdelay $0x1  }
0xa1: {  	s23 =	simm.s32 $0x1B8B  }
0xa2: {  	_ =	swait.ge [sflag:s23], $0x1  }
0xa3: {  	[sflag:s23] =	ssyncset.done $0x0  }
0xa4: {  	[sflag:s23] =	ssyncadd.s32 $0xFFFFFFFF  }
0xa5: {  	s4 =	sld [smem:$0x0]  }
0xa6: {  	s5 =	sand.u32 $0xFFFFFFFE, s1  }
0xa7: {  	p0 =	sne.s32 s1, s5  }
0xa8: {  	s5 =	sshll.u32 @p0 s5, $0xE  }
0xa9: {  	s5 =	sadd.s32 @p0 $0x11B8D, s5;
	s6 =	sshll.u32 @p0 s4, $0x11  }
0xaa: {  	s5 =	sor.u32 @p0 s6, s5  }
0xab: {  	[sflag:s5] =	ssyncadd.remote.s32 @p0 $0x1;
	_ =	sdelay $0x1  }
0xac: {  	s5 =	simm.s32 @p0 $0x1B8D  }
0xad: {  	_ =	swait.eq @p0 [sflag:s5], $0x1  }
0xae: {  	[sflag:s5] =	ssyncadd.s32 @p0 $0xFFFFFFFF  }
0xaf: {  	s6 =	sshll.u32 @!p0 s1, $0xE  }
0xb0: {  	s6 =	sor.u32 @!p0 $0x4000, s6;
	s5 =	simm.s32 @!p0 $0x1B8D  }
0xb1: {  	s4 =	sshll.u32 @!p0 s4, $0x11;
	s6 =	sadd.s32 @!p0 $0x11B8D, s6;
	_ =	swait.eq @!p0 [sflag:s5], $0x1  }
0xb2: {  	s4 =	sor.u32 @!p0 s4, s6;
	[sflag:s5] =	ssyncadd.s32 @!p0 $0xFFFFFFFF  }
0xb3: {  	s25 =	simm.s32 $0x1B8E;
	s24 =	sld [smem:$0x3FFE];
	[sflag:s4] =	ssyncadd.remote.s32 @!p0 $0x1  }
0xb4: {  	s26 =	simm.s32 $execute0_lowered;
	[smem:$0x3FD2] =	sst s25  }
0xb5: {  	s5 =	sshll.u32 s26, $0x1;
	_ =	strace $0x80000052;
	[dreg:$0x1] =	wrdreg $0xFFFFFFFF  }
0xb6: {  	s28 =	simm.s32 $_size_execute0_lowered;
	s3 =	sadd.s32 s3, s5;
	[dreg:$0x0] =	wrdreg $0x0  }
0xb7: {  	s5 =	sshll.u32 s28, $0x1;
	[dreg:$0x2] =	wrdreg s3  }
0xb8: {  	[dreg:$0x3] =	wrdreg s5  }
0xb9: {  	[dreg:$0x4] =	wrdreg $0xC0  }
0xba: {  	_ =	task [dreg:s22], $0x5FFFF  }
0xbb: {  	[dreg:$0x1] =	wrdreg $0xFFFFFFFF  }
0xbc: {  	[dreg:$0x0] =	wrdreg $0x60  }
0xbd: {  	[dreg:$0x2] =	wrdreg s24  }
0xbe: {  	[dreg:$0x3] =	wrdreg $0x90000  }
0xbf: {  	[dreg:$0x4] =	wrdreg $0x9  }
0xc0: {  	_ =	task.clear_ibuf [dreg:s22], $0x5FFFF;
	_ =	strace $0x90000052  }
0xc1: {  	s29 =	simm.s32 $0x9;
	_ =	strace $0x80000054  }
0xc2: {  	_ =	swait.ge [sflag:s29], $0x1  }
0xc3: {  	[sflag:s29] =	ssyncadd.s32 $0xFFFFFFFF  }
0xc4: {  	_ =	strace $0x90000054  }
0xc5: {  	_ =	sfence  }
0xc6: {  	s30 =	sld [smem:$0x0];
	_ =	sdelay $0x2  }
0xc7: {  	s31 =	sshll.u32 s1, $0xD;
	s1 =	sshrl.u32 s1, $0x2  }
0xc8: {  	s4 =	sand.u32 $0x4000, s31;
	s1 =	sadd.s32 s1, s30  }
0xc9: {  	s0 =	sor.u32 s4, s0;
	s1 =	sshll.u32 s1, $0x11  }
0xca: {  	s0 =	sor.u32 s1, s0  }
0xcb: {  	s0 =	sadd.s32 $0x8F2B, s0  }
0xcc: {  	[sflag:s0] =	ssyncadd.remote.s32 $0x1  }
0xcd: {  	_ =	sfence.sel $0xFFFF  }
0xce: {  	[dreg:$0x0] =	wrdreg $0xFFFFFFFF;
	(pc) =	sbr.abs _section_cstart, $3  }
0xcf: {  	[dreg:$0x1] =	wrdreg $0xFFFFFFFF  }
0xd0: {  	_ =	task.clear_ibuf [dreg:s22], $0x2FFFF;
	_ =	strace $0x9FFFFFFF  }
0xd1: {  	(tm) =	ssettm $0x7FFFFFFF  }
tec
execute0_lowered:
.L_overlay_start_1:
0x0: {  	(tag) =	ssettag $0x1  }
0x1: {  	s5 =	rddreg [dreg:$0x0]  }
0x2: {  	s2 =	rddreg [dreg:$0x1];
	s3 =	srdreg.scid  }
0x3: {  	s0 =	rddreg [dreg:$0x2];
	s1 =	stileid.u32;
	s13 =	simm.s32 $0x2800  }
0x4: {  	s14 =	simm.s32 $0x80;
	s15 =	simm.s32 $0x5000;
	s16 =	simm.s32 $0x0  }
0x5: {  	s6 =	sand.u32 $0x1, s3;
	s3 =	simm.s32 $0x0;
	s7 =	smul.u32 $0x14000, s1  }
0x6: {  	s10 =	smul.u32 $0x50000, s1;
	s31 =	sshll.u32 s1, $0x6;
	s4 =	sshll.u32 s6, $0x4  }
0x7: {  	[smem:$0x7FF] =	sst s3;
	s9 =	smul.u32 $0x140000, s6;
	s6 =	ssub.s32 $0x2, s6  }
0x8: {  	s8 =	sor.u32 s1, s4;
	_ =	strace $0x80000053;
	s4 =	sadd.s32 $0x38C00, s5  }
0x9: {  	s11 =	sshrl.u32 s6, $0x1;
	s29 =	sshrl.u32 s10, $0x2;
	s30 =	sshrl.u32 s7, $0x3  }
0xa: {  	s8 =	smul.u32 $0x500, s8;
	s9 =	sadd.s32 s7, s9;
	s11 =	ssub.s32 s6, s11  }
0xb: {  	s12 =	sadd.s32 s29, s2;
	s6 =	sor.u32 $0x1C01, s31;
	s9 =	sshrl.u32 s9, $0x3  }
0xc: {  	s10 =	smax.u32 s11, $0x1;
	s11 =	sshrl.u32 s12, $0x3;
	s12 =	simm.s32 $0x1  }
0xd: {  	s8 =	sadd.s32 s8, s5;
	s9 =	sadd.s32 s9, s5;
	s5 =	sadd.s32 s4, s30  }
0xe: {  	s7 =	sadd.s32 $0x88C00, s8;
	s8 =	sadd.s32 $0x6C00, s8;
	s9 =	sadd.s32 $0xE2C00, s9  }
.LBB2_1:
0xf: {  	[spmem:s11], [sflag:s6] =	dma.local [hbm:s5], $0x2800  }
0x10: {  	_ =	swait.ge [sflag:s12], $0x2800  }
0x11: {  	[sflag:s12] =	ssyncset.done $0x0  }
0x12: {  	[sflag:s12] =	ssyncadd.s32 $0xFFFFD800  }
0x13: {  	[tilespmem:s3], [sflag:$0x1] =	stream.linear.gather [hbm4b:s7+s3], $0x2780, $0x38;
	[tilespmem:$0x1D000] =	vst v63  }
0x14: {  	_ =	swait.ge [sflag:s12], $0x2780  }
0x15: {  	[sflag:s12] =	ssyncset.done $0x0  }
0x16: {  	[sflag:s12] =	ssyncadd.s32 $0xFFFFD880  }
0x17: {  	[tilespmem:s13], [sflag:$0x1] =	stream.linear.gather [hbm4b:s8+s3], $0x2780, $0x38;
	[tilespmem:$0x1D000] =	vst v63  }
0x18: {  	_ =	swait.ge [sflag:s12], $0x2780  }
0x19: {  	[sflag:s12] =	ssyncset.done $0x0  }
0x1a: {  	[sflag:s12] =	ssyncadd.s32 $0xFFFFD880  }
0x1b: {  	s17 =	simm.s32 $0x0;
	[bflag:$0x0] =	sbarrier.arrive $0xFFFF  }
0x1c: {  	[tilespmem:s15], [sflag:$0x1] =	stream.indirect.gather [hbm4b:s4+s14], $0x80, s17, s14, $0xb8;
	[tilespmem:$0x1D000] =	vst v63  }
0x1d: {  	_ =	swait.ge [sflag:s12], $0x4000  }
0x1e: {  	[sflag:s12] =	ssyncset.done $0x0  }
0x1f: {  	s31 =	simm.s32 $0x2800;
	[sflag:s12] =	ssyncadd.s32 $0xFFFFC000  }
0x20: {  	[spmem:s2] =	stream.indirect.scatter.add.f32 [tilespmem:s15], [sflag:$0x1], $0x80, s31, s14, $0xb8;
	[tilespmem:$0x1D000] =	vst v63  }
0x21: {  	_ =	swait.ge [sflag:s12], $0x4000  }
0x22: {  	s18 =	simm.s32 $0x400;
	s17 =	simm.s32 $0x200;
	[sflag:s12] =	ssyncset.done $0x0  }
.LBB2_2:
0x23: {  	s19 =	sshra.s32 s17, $0x2  }
0x24: {  	[sflag:s12] =	ssyncadd.s32 $0xFFFFC000;
	s17 =	smov.u32 s18;
	s20 =	sadd.s32 $0x200, s18  }
0x25: {  	[tilespmem:s15], [sflag:$0x1] =	stream.indirect.gather [hbm4b:s4+s14], $0x80, s19, s14, $0xb8;
	[tilespmem:$0x1D000] =	vst v63  }
0x26: {  	p0 =	sne.s32 s18, $0x9C00;
	_ =	swait.ge [sflag:s12], $0x4000  }
.Ltmp0:
0x27: {  	[sflag:s12] =	ssyncset.done $0x0;
	(pc) =	sbr.rel @p0 .LBB2_2-.Ltmp0, $4  }
0x28: {  	s18 =	sadd.s32 $0x2800, s19;
	[sflag:s12] =	ssyncadd.s32 $0xFFFFC000  }
0x29: {  	[spmem:s2] =	stream.indirect.scatter.add.f32 [tilespmem:s15], [sflag:$0x1], $0x80, s18, s14, $0xb8;
	[tilespmem:$0x1D000] =	vst v63  }
0x2a: {  	_ =	swait.ge [sflag:s12], $0x4000  }
0x2b: {  	s18 =	smov.u32 s20;
	[sflag:s12] =	ssyncset.done $0x0  }
0x2c: {  	s17 =	sshra.s32 s17, $0x2;
	[sflag:s12] =	ssyncadd.s32 $0xFFFFC000  }
0x2d: {  	[tilespmem:s15], [sflag:$0x1] =	stream.indirect.gather [hbm4b:s4+s14], $0x80, s17, s14, $0xb8;
	[tilespmem:$0x1D000] =	vst v63  }
0x2e: {  	_ =	swait.ge [sflag:s12], $0x4000  }
0x2f: {  	[sflag:s12] =	ssyncset.done $0x0  }
0x30: {  	s17 =	sadd.s32 $0x2800, s17;
	[sflag:s12] =	ssyncadd.s32 $0xFFFFC000  }
0x31: {  	[spmem:s2] =	stream.indirect.scatter.add.f32 [tilespmem:s15], [sflag:$0x1], $0x80, s17, s14, $0xb8;
	[tilespmem:$0x1D000] =	vst v63  }
0x32: {  	_ =	swait.ge [sflag:s12], $0x4000  }
0x33: {  	s16 =	sadd.s32 $0x1, s16;
	[sflag:s12] =	ssyncset.done $0x0  }
0x34: {  	p0 =	sne.s32 s16, s10;
	[sflag:s12] =	ssyncadd.s32 $0xFFFFC000  }
.Ltmp1:
0x35: {  	[bflag:$0x0] =	sbarrier.arrive $0xFFFF;
	(pc) =	sbr.rel @p0 .LBB2_1-.Ltmp1, $4  }
0x36: {  	[hbm:s9], [sflag:s6] =	dma.local [spmem:s11], $0x2800  }
0x37: {  	_ =	swait.ge [sflag:s12], $0x2800  }
0x38: {  	[sflag:s12] =	ssyncset.done $0x0  }
0x39: {  	[sflag:s12] =	ssyncadd.s32 $0xFFFFD800  }
0x3a: {  	_ =	sfence.sel $0x180000  }
0x3b: {  	[bflag:$0x0] =	sbarrier.arrive $0xFFFF  }
0x3c: {  	p0 =	sne.s32 s1, $0x0;
	_ =	strace $0x90000053  }
0x3d: {  	s0 =	sadd.s32 @!p0 $0x100000, s0;
	[bflag:$0x2] =	sbarrier.arrive $0xFFFF  }
0x3e: {  	[sflag:s0] =	ssyncadd.tile.s32 @!p0 $0x1;
	_ =	shalt  }
.Lfunc_end2:
_tile_overlayer_lowered:
.L_overlay_start_2:
0x3f: {  	(tag) =	ssettag $0x2  }
0x40: {  	s0 =	rddreg [dreg:$0x0];
	s2 =	stileid.u32  }
0x41: {  	s1 =	rddreg [dreg:$0x1];
	p0 =	sne.s32 s2, $0x0  }
0x42: {  	s3 =	rddreg [dreg:$0x2];
	[bflag:$0x3] =	sbarrier.arrive $0xFFFF;
	s2 =	simm.s32 @!p0 $0x1C01  }
0x43: {  	[timem:s3], [sflag:s2] =	dma.local @!p0 [hbm:s0], s1  }
0x44: {  	s0 =	simm.s32 @!p0 $0x1  }
0x45: {  	_ =	swait.ge @!p0 [sflag:s0], s1  }
0x46: {  	s1 =	ssub.s32 @!p0 $0x0, s1;
	[sflag:s0] =	ssyncset.done @!p0 $0x0  }
0x47: {  	[sflag:s0] =	ssyncadd.s32 @!p0 s1  }
0x48: {  	[bflag:$0x3] =	sbarrier.arrive $0xFFFF  }
0x49: {  	_ =	shalt  }

// kernel: kernel.26.cloned.1.call-start
scs
__scs_entry_jumppad:
0x0: {  	(pc) =	sbr.rel $0x88, $3  }
0x1: {  	(tag) =	ssettag $0x0;
	lr =	simm.s32 $0x1  }
0x2: {  	[smem:$0x3F95] =	sst lr;
	_ =	strace $0xD0000000  }
0x3: {  	_ = 	snop  }
0x4: {  	_ = 	snop  }
0x5: {  	_ = 	snop  }
0x6: {  	_ = 	snop  }
0x7: {  	_ = 	snop  }
__scs_overlays_trampoline_lowered:
0x8: {  	[smem:$0x3FA4] =	sst s0  }
0x9: {  	[smem:$0x3FA5] =	sst s1  }
0xa: {  	[smem:$0x3FA6] =	sst s2  }
0xb: {  	[smem:$0x3FA7] =	sst s3  }
0xc: {  	[smem:$0x3FA8] =	sst s4  }
0xd: {  	[smem:$0x3FA9] =	sst s5  }
0xe: {  	[smem:$0x3FAA] =	sst s6  }
0xf: {  	[smem:$0x3FAB] =	sst s7  }
0x10: {  	[smem:$0x3FAC] =	sst s8  }
0x11: {  	[smem:$0x3FAD] =	sst s9;
	s0 =	simm.s32 @!p0 $0x0  }
0x12: {  	s1 =	sld [smem:$0x3F93];
	s0 =	simm.s32 @p0 $0x1  }
0x13: {  	[smem:$0x3FAE] =	sst s0;
	s0 =	simm.s32 @!p1 $0x0  }
0x14: {  	s2 =	sld [smem:$0x3F92];
	s0 =	simm.s32 @p1 $0x1  }
0x15: {  	[smem:$0x3FAF] =	sst s0;
	s0 =	simm.s32 @!p2 $0x0  }
0x16: {  	s3 =	sld [smem:$0x3FDB];
	s0 =	simm.s32 @p2 $0x1  }
0x17: {  	s4 =	simm.s32 $0x1BF5;
	[smem:$0x3FB1] =	sst s0  }
0x18: {  	s0 =	sld [smem:$0x3F94];
	_ =	swait.ge [sflag:s4], $0x0  }
0x19: {  	s7 =	sld [smem:$0x3F95]  }
0x1a: {  	s8 =	sadd.s32 $0xFFFFE003, lr  }
0x1b: {  	s9 =	sadd.s32 $0xFFFFFEF7, lr;
	s5 =	simm.s32 $0xFFFFFFFF;
	p2 =	slt.u32 s8, $0xFFFFF086  }
0x1c: {  	p1 =	slt.u32 s9, $0xF7A;
	s5 =	simm.s32 @!p2 $0x0  }
0x1d: {  	s5 =	simm.s32 @p1 $0x1;
	p0 =	seq.s32 s7, s2  }
0x1e: {  	s7 =	smul.u32 @!p0 $0xF7A, s2;
	p2 =	seq.s32 @!p0 s5, $0x0  }
0x1f: {  	s9 =	smul.u32 $0xF7A, s1;
	s8 =	simm.s32 @!p0 $0x1BF5;
	p2 =	por !p2, p0  }
0x20: {  	[sflag:s8] =	ssyncset.s32 @!p0 $0xFFFFF086;
	s6 =	sadd.s32 @!p0 s3, s7;
	s7 =	simm.s32 @!p0 $0x108  }
0x21: {  	s3 =	sadd.s32 s3, s9;
	s6 =	sadd.s32 @!p0 $0x88, s6;
	s7 =	simm.s32 @p2 $0x1082  }
0x22: {  	[simem:s7], [sflag:s8] =	dma.local @!p0 [hbm:s6], $0xF7A  }
0x23: {  	s9 =	sor.u32 $0xD0000000, s2;
	s6 =	simm.s32 $0x108;
	_ =	swait.ge @!p0 [sflag:s8], $0x0  }
0x24: {  	s3 =	sadd.s32 $0x88, s3;
	s6 =	simm.s32 @!p1 $0x1082;
	[sflag:s4] =	ssyncset.s32 $0xFFFFF086  }
0x25: {  	[simem:s6], [sflag:s4] =	dma.local [hbm:s3], $0xF7A  }
0x26: {  	[smem:$0x3F95] =	sst s1;
	(tag) =	ssettag s2;
	_ =	strace s9  }
0x27: {  	s1 =	sld [smem:$0x3FA5]  }
0x28: {  	s2 =	sld [smem:$0x3FA6]  }
0x29: {  	s4 =	sld [smem:$0x3FA8]  }
0x2a: {  	p0 =	seq.s32 s5, $0x0;
	s5 =	sld [smem:$0x3FA9]  }
0x2b: {  	s6 =	sld [smem:$0x3FAA]  }
0x2c: {  	s7 =	sld [smem:$0x3FAB]  }
0x2d: {  	s3 =	simm.s32 $0x108;
	s8 =	sld [smem:$0x3FAC]  }
0x2e: {  	s3 =	simm.s32 @!p0 $0x1082;
	s9 =	sld [smem:$0x3FAD]  }
0x2f: {  	lr =	sadd.s32 s0, s3;
	s0 =	sld [smem:$0x3FA4]  }
0x30: {  	s3 =	sld [smem:$0x3FA7]  }
0x31: {  	[smem:$0x3FB0] =	sst s10  }
0x32: {  	s10 =	sld [smem:$0x3FAE];
	_ =	sdelay $0x3  }
0x33: {  	p0 =	seq.s32 s10, $0x1;
	s10 =	sld [smem:$0x3FB0];
	_ =	sdelay $0x3  }
0x34: {  	[smem:$0x3FB0] =	sst s10  }
0x35: {  	s10 =	sld [smem:$0x3FAF];
	_ =	sdelay $0x3  }
0x36: {  	p1 =	seq.s32 s10, $0x1;
	s10 =	sld [smem:$0x3FB0];
	_ =	sdelay $0x3  }
0x37: {  	[smem:$0x3FB0] =	sst s10  }
0x38: {  	s10 =	sld [smem:$0x3FB1]  }
0x39: {  	_ = 	snop;
	(pc) =	sbr.ind lr, $3  }
0x3a: {  	_ = 	snop  }
0x3b: {  	_ = 	snop  }
0x3c: {  	p2 =	seq.s32 s10, $0x1;
	s10 =	sld [smem:$0x3FB0]  }
0x3d: {  	_ =	shalt  }
0x3e: {  	_ =	shalt  }
0x3f: {  	_ =	shalt  }
0x40: {  	_ =	shalt  }
0x41: {  	_ =	shalt  }
0x42: {  	_ =	shalt  }
0x43: {  	_ =	shalt  }
0x44: {  	_ =	shalt  }
0x45: {  	_ =	shalt  }
0x46: {  	_ =	shalt  }
0x47: {  	_ =	shalt  }
0x48: {  	_ =	shalt  }
0x49: {  	_ =	shalt  }
0x4a: {  	_ =	shalt  }
0x4b: {  	_ =	shalt  }
0x4c: {  	_ =	shalt  }
0x4d: {  	_ =	shalt  }
0x4e: {  	_ =	shalt  }
0x4f: {  	_ =	shalt  }
0x50: {  	_ =	shalt  }
0x51: {  	_ =	shalt  }
0x52: {  	_ =	shalt  }
0x53: {  	_ =	shalt  }
0x54: {  	_ =	shalt  }
0x55: {  	_ =	shalt  }
0x56: {  	_ =	shalt  }
0x57: {  	_ =	shalt  }
0x58: {  	_ =	shalt  }
0x59: {  	_ =	shalt  }
0x5a: {  	_ =	shalt  }
0x5b: {  	_ =	shalt  }
0x5c: {  	_ =	shalt  }
0x5d: {  	_ =	shalt  }
0x5e: {  	_ =	shalt  }
0x5f: {  	_ =	shalt  }
0x60: {  	_ =	shalt  }
0x61: {  	_ =	shalt  }
0x62: {  	_ =	shalt  }
0x63: {  	_ =	shalt  }
0x64: {  	_ =	shalt  }
0x65: {  	_ =	shalt  }
0x66: {  	_ =	shalt  }
0x67: {  	_ =	shalt  }
0x68: {  	_ =	shalt  }
0x69: {  	_ =	shalt  }
0x6a: {  	_ =	shalt  }
0x6b: {  	_ =	shalt  }
0x6c: {  	_ =	shalt  }
0x6d: {  	_ =	shalt  }
0x6e: {  	_ =	shalt  }
0x6f: {  	_ =	shalt  }
0x70: {  	_ =	shalt  }
0x71: {  	_ =	shalt  }
0x72: {  	_ =	shalt  }
0x73: {  	_ =	shalt  }
0x74: {  	_ =	shalt  }
0x75: {  	_ =	shalt  }
0x76: {  	_ =	shalt  }
0x77: {  	_ =	shalt  }
0x78: {  	_ =	shalt  }
0x79: {  	_ =	shalt  }
0x7a: {  	_ =	shalt  }
0x7b: {  	_ =	shalt  }
0x7c: {  	_ =	shalt  }
0x7d: {  	_ =	shalt  }
0x7e: {  	_ =	shalt  }
0x7f: {  	_ =	shalt  }
0x80: {  	_ =	shalt  }
0x81: {  	_ =	shalt  }
0x82: {  	_ =	shalt  }
0x83: {  	_ =	shalt  }
0x84: {  	_ =	shalt  }
0x85: {  	_ =	shalt  }
0x86: {  	_ =	shalt  }
0x87: {  	_ =	shalt  }
.Lfunc_end0:
.L_simem_size_0:
called_computation.4_lowered:
.L_overlay_start_0:
0x88: {  	s2 =	sld [smem:$0x3FD9]  }
0x89: {  	s3 =	sld [smem:$0x3FFE];
	_ =	sdelay $0x1  }
0x8a: {  	s1 =	srdreg.scid  }
0x8b: {  	s0 =	sand.u32 $0x1, s1  }
0x8c: {  	s17 =	sshll.u32 s0, $0xA;
	s2 =	sadd.s32 s3, s2  }
0x8d: {  	s2 =	sadd.s32 s2, s17  }
0x8e: {  	[smem:$0x3FBC] =	sst s2  }
0x8f: {  	_ = 	snop  }
0x90: {  	(tm) =	ssettm $0x1  }
0x91: {  	s18 =	sld [smem:$0x3FFB];
	_ =	sdelay $0x3  }
0x92: {  	_ =	strace s18  }
0x93: {  	s2 =	sld [smem:$0x3FFC];
	_ =	sdelay $0x3  }
0x94: {  	_ =	strace s2  }
0x95: {  	s2 =	sld [smem:$0x3FFD];
	_ =	sdelay $0x3  }
0x96: {  	_ =	strace s2  }
0x97: {  	_ =	strace $0x8FFFFFFF  }
0x98: {  	s19 =	sld [smem:$0x3FDB];
	_ =	sdelay $0x1  }
0x99: {  	s20 =	simm.s32 $_scs_section_size  }
0x9a: {  	s4 =	simm.s32 $_size__tile_overlayer_lowered;
	s5 =	simm.s32 $_tile_overlayer_lowered  }
0x9b: {  	s6 =	simm.s32 $0x1BFF;
	s21 =	sshll.u32 s5, $0x1;
	s3 =	sadd.s32 s20, s19  }
0x9c: {  	s22 =	simm.s32 $0x0;
	s4 =	sshll.u32 s4, $0x1;
	s5 =	sadd.s32 s21, s3  }
0x9d: {  	[timem:s22], [sflag:s6] =	dma.local [hbm:s5], s4  }
0x9e: {  	_ =	swait.ge [sflag:s6], s4  }
0x9f: {  	s4 =	ssub.s32 $0x0, s4;
	[sflag:s6] =	ssyncset.done $0x0  }
0xa0: {  	[sflag:s6] =	ssyncadd.s32 s4;
	_ =	sdelay $0x1  }
0xa1: {  	s23 =	simm.s32 $0x1B8B  }
0xa2: {  	_ =	swait.ge [sflag:s23], $0x1  }
0xa3: {  	[sflag:s23] =	ssyncset.done $0x0  }
0xa4: {  	[sflag:s23] =	ssyncadd.s32 $0xFFFFFFFF  }
0xa5: {  	s4 =	sld [smem:$0x0]  }
0xa6: {  	s5 =	sand.u32 $0xFFFFFFFE, s1  }
0xa7: {  	p0 =	sne.s32 s1, s5  }
0xa8: {  	s5 =	sshll.u32 @p0 s5, $0xE  }
0xa9: {  	s5 =	sadd.s32 @p0 $0x11B8D, s5;
	s6 =	sshll.u32 @p0 s4, $0x11  }
0xaa: {  	s5 =	sor.u32 @p0 s6, s5  }
0xab: {  	[sflag:s5] =	ssyncadd.remote.s32 @p0 $0x1;
	_ =	sdelay $0x1  }
0xac: {  	s5 =	simm.s32 @p0 $0x1B8D  }
0xad: {  	_ =	swait.eq @p0 [sflag:s5], $0x1  }
0xae: {  	[sflag:s5] =	ssyncadd.s32 @p0 $0xFFFFFFFF  }
0xaf: {  	s6 =	sshll.u32 @!p0 s1, $0xE  }
0xb0: {  	s6 =	sor.u32 @!p0 $0x4000, s6;
	s5 =	simm.s32 @!p0 $0x1B8D  }
0xb1: {  	s4 =	sshll.u32 @!p0 s4, $0x11;
	s6 =	sadd.s32 @!p0 $0x11B8D, s6;
	_ =	swait.eq @!p0 [sflag:s5], $0x1  }
0xb2: {  	s4 =	sor.u32 @!p0 s4, s6;
	[sflag:s5] =	ssyncadd.s32 @!p0 $0xFFFFFFFF  }
0xb3: {  	s25 =	simm.s32 $0x1B8E;
	s24 =	sld [smem:$0x3FFE];
	[sflag:s4] =	ssyncadd.remote.s32 @!p0 $0x1  }
0xb4: {  	s26 =	simm.s32 $execute0_lowered;
	[smem:$0x3FD2] =	sst s25  }
0xb5: {  	s5 =	sshll.u32 s26, $0x1;
	_ =	strace $0x8000004F;
	[dreg:$0x1] =	wrdreg $0xFFFFFFFF  }
0xb6: {  	s28 =	simm.s32 $_size_execute0_lowered;
	s3 =	sadd.s32 s3, s5;
	[dreg:$0x0] =	wrdreg $0x0  }
0xb7: {  	s5 =	sshll.u32 s28, $0x1;
	[dreg:$0x2] =	wrdreg s3  }
0xb8: {  	[dreg:$0x3] =	wrdreg s5  }
0xb9: {  	[dreg:$0x4] =	wrdreg $0xC0  }
0xba: {  	_ =	task [dreg:s22], $0x5FFFF  }
0xbb: {  	[dreg:$0x1] =	wrdreg $0xFFFFFFFF  }
0xbc: {  	[dreg:$0x0] =	wrdreg $0x60  }
0xbd: {  	[dreg:$0x2] =	wrdreg s24  }
0xbe: {  	[dreg:$0x3] =	wrdreg $0x90000  }
0xbf: {  	[dreg:$0x4] =	wrdreg $0xA  }
0xc0: {  	_ =	task.clear_ibuf [dreg:s22], $0x5FFFF;
	_ =	strace $0x9000004F  }
0xc1: {  	s29 =	simm.s32 $0xA;
	_ =	strace $0x80000051  }
0xc2: {  	_ =	swait.ge [sflag:s29], $0x1  }
0xc3: {  	[sflag:s29] =	ssyncadd.s32 $0xFFFFFFFF  }
0xc4: {  	_ =	strace $0x90000051  }
0xc5: {  	_ =	sfence  }
0xc6: {  	s30 =	sld [smem:$0x0];
	_ =	sdelay $0x2  }
0xc7: {  	s31 =	sshll.u32 s1, $0xD;
	s1 =	sshrl.u32 s1, $0x2  }
0xc8: {  	s4 =	sand.u32 $0x4000, s31;
	s1 =	sadd.s32 s1, s30  }
0xc9: {  	s0 =	sor.u32 s4, s0;
	s1 =	sshll.u32 s1, $0x11  }
0xca: {  	s0 =	sor.u32 s1, s0  }
0xcb: {  	s0 =	sadd.s32 $0x8F2B, s0  }
0xcc: {  	[sflag:s0] =	ssyncadd.remote.s32 $0x1  }
0xcd: {  	_ =	sfence.sel $0xFFFF  }
0xce: {  	[dreg:$0x0] =	wrdreg $0xFFFFFFFF;
	(pc) =	sbr.abs _section_cstart, $3  }
0xcf: {  	[dreg:$0x1] =	wrdreg $0xFFFFFFFF  }
0xd0: {  	_ =	task.clear_ibuf [dreg:s22], $0x2FFFF;
	_ =	strace $0x9FFFFFFF  }
0xd1: {  	(tm) =	ssettm $0x7FFFFFFF  }
tec
execute0_lowered:
.L_overlay_start_1:
0x0: {  	(tag) =	ssettag $0x1  }
0x1: {  	s5 =	rddreg [dreg:$0x0]  }
0x2: {  	s2 =	rddreg [dreg:$0x1];
	s3 =	srdreg.scid  }
0x3: {  	s0 =	rddreg [dreg:$0x2];
	s1 =	stileid.u32;
	s13 =	simm.s32 $0x2800  }
0x4: {  	s14 =	simm.s32 $0x80;
	s15 =	simm.s32 $0x5000;
	s16 =	simm.s32 $0x0  }
0x5: {  	s6 =	sand.u32 $0x1, s3;
	s3 =	simm.s32 $0x0;
	s7 =	smul.u32 $0x14000, s1  }
0x6: {  	s10 =	smul.u32 $0x50000, s1;
	s31 =	sshll.u32 s1, $0x6;
	s4 =	sshll.u32 s6, $0x4  }
0x7: {  	[smem:$0x7FF] =	sst s3;
	s9 =	smul.u32 $0x140000, s6;
	s6 =	ssub.s32 $0x2, s6  }
0x8: {  	s8 =	sor.u32 s1, s4;
	_ =	strace $0x80000050;
	s4 =	sadd.s32 $0x10C00, s5  }
0x9: {  	s11 =	sshrl.u32 s6, $0x1;
	s29 =	sshrl.u32 s10, $0x2;
	s30 =	sshrl.u32 s7, $0x3  }
0xa: {  	s8 =	smul.u32 $0x500, s8;
	s9 =	sadd.s32 s7, s9;
	s11 =	ssub.s32 s6, s11  }
0xb: {  	s12 =	sadd.s32 s29, s2;
	s6 =	sor.u32 $0x1C01, s31;
	s9 =	sshrl.u32 s9, $0x3  }
0xc: {  	s10 =	smax.u32 s11, $0x1;
	s11 =	sshrl.u32 s12, $0x3;
	s12 =	simm.s32 $0x1  }
0xd: {  	s8 =	sadd.s32 s8, s5;
	s9 =	sadd.s32 s9, s5;
	s5 =	sadd.s32 s4, s30  }
0xe: {  	s7 =	sadd.s32 $0x88C00, s8;
	s8 =	sadd.s32 $0x6C00, s8;
	s9 =	sadd.s32 $0x92C00, s9  }
.LBB2_1:
0xf: {  	[spmem:s11], [sflag:s6] =	dma.local [hbm:s5], $0x2800  }
0x10: {  	_ =	swait.ge [sflag:s12], $0x2800  }
0x11: {  	[sflag:s12] =	ssyncset.done $0x0  }
0x12: {  	[sflag:s12] =	ssyncadd.s32 $0xFFFFD800  }
0x13: {  	[tilespmem:s3], [sflag:$0x1] =	stream.linear.gather [hbm4b:s7+s3], $0x2780, $0x38;
	[tilespmem:$0x1D000] =	vst v63  }
0x14: {  	_ =	swait.ge [sflag:s12], $0x2780  }
0x15: {  	[sflag:s12] =	ssyncset.done $0x0  }
0x16: {  	[sflag:s12] =	ssyncadd.s32 $0xFFFFD880  }
0x17: {  	[tilespmem:s13], [sflag:$0x1] =	stream.linear.gather [hbm4b:s8+s3], $0x2780, $0x38;
	[tilespmem:$0x1D000] =	vst v63  }
0x18: {  	_ =	swait.ge [sflag:s12], $0x2780  }
0x19: {  	[sflag:s12] =	ssyncset.done $0x0  }
0x1a: {  	[sflag:s12] =	ssyncadd.s32 $0xFFFFD880  }
0x1b: {  	s17 =	simm.s32 $0x0;
	[bflag:$0x0] =	sbarrier.arrive $0xFFFF  }
0x1c: {  	[tilespmem:s15], [sflag:$0x1] =	stream.indirect.gather [hbm4b:s4+s14], $0x80, s17, s14, $0xb8;
	[tilespmem:$0x1D000] =	vst v63  }
0x1d: {  	_ =	swait.ge [sflag:s12], $0x4000  }
0x1e: {  	[sflag:s12] =	ssyncset.done $0x0  }
0x1f: {  	s31 =	simm.s32 $0x2800;
	[sflag:s12] =	ssyncadd.s32 $0xFFFFC000  }
0x20: {  	[spmem:s2] =	stream.indirect.scatter.add.f32 [tilespmem:s15], [sflag:$0x1], $0x80, s31, s14, $0xb8;
	[tilespmem:$0x1D000] =	vst v63  }
0x21: {  	_ =	swait.ge [sflag:s12], $0x4000  }
0x22: {  	s18 =	simm.s32 $0x400;
	s17 =	simm.s32 $0x200;
	[sflag:s12] =	ssyncset.done $0x0  }
.LBB2_2:
0x23: {  	s19 =	sshra.s32 s17, $0x2  }
0x24: {  	[sflag:s12] =	ssyncadd.s32 $0xFFFFC000;
	s17 =	smov.u32 s18;
	s20 =	sadd.s32 $0x200, s18  }
0x25: {  	[tilespmem:s15], [sflag:$0x1] =	stream.indirect.gather [hbm4b:s4+s14], $0x80, s19, s14, $0xb8;
	[tilespmem:$0x1D000] =	vst v63  }
0x26: {  	p0 =	sne.s32 s18, $0x9C00;
	_ =	swait.ge [sflag:s12], $0x4000  }
.Ltmp0:
0x27: {  	[sflag:s12] =	ssyncset.done $0x0;
	(pc) =	sbr.rel @p0 .LBB2_2-.Ltmp0, $4  }
0x28: {  	s18 =	sadd.s32 $0x2800, s19;
	[sflag:s12] =	ssyncadd.s32 $0xFFFFC000  }
0x29: {  	[spmem:s2] =	stream.indirect.scatter.add.f32 [tilespmem:s15], [sflag:$0x1], $0x80, s18, s14, $0xb8;
	[tilespmem:$0x1D000] =	vst v63  }
0x2a: {  	_ =	swait.ge [sflag:s12], $0x4000  }
0x2b: {  	s18 =	smov.u32 s20;
	[sflag:s12] =	ssyncset.done $0x0  }
0x2c: {  	s17 =	sshra.s32 s17, $0x2;
	[sflag:s12] =	ssyncadd.s32 $0xFFFFC000  }
0x2d: {  	[tilespmem:s15], [sflag:$0x1] =	stream.indirect.gather [hbm4b:s4+s14], $0x80, s17, s14, $0xb8;
	[tilespmem:$0x1D000] =	vst v63  }
0x2e: {  	_ =	swait.ge [sflag:s12], $0x4000  }
0x2f: {  	[sflag:s12] =	ssyncset.done $0x0  }
0x30: {  	s17 =	sadd.s32 $0x2800, s17;
	[sflag:s12] =	ssyncadd.s32 $0xFFFFC000  }
0x31: {  	[spmem:s2] =	stream.indirect.scatter.add.f32 [tilespmem:s15], [sflag:$0x1], $0x80, s17, s14, $0xb8;
	[tilespmem:$0x1D000] =	vst v63  }
0x32: {  	_ =	swait.ge [sflag:s12], $0x4000  }
0x33: {  	s16 =	sadd.s32 $0x1, s16;
	[sflag:s12] =	ssyncset.done $0x0  }
0x34: {  	p0 =	sne.s32 s16, s10;
	[sflag:s12] =	ssyncadd.s32 $0xFFFFC000  }
.Ltmp1:
0x35: {  	[bflag:$0x0] =	sbarrier.arrive $0xFFFF;
	(pc) =	sbr.rel @p0 .LBB2_1-.Ltmp1, $4  }
0x36: {  	[hbm:s9], [sflag:s6] =	dma.local [spmem:s11], $0x2800  }
0x37: {  	_ =	swait.ge [sflag:s12], $0x2800  }
0x38: {  	[sflag:s12] =	ssyncset.done $0x0  }
0x39: {  	[sflag:s12] =	ssyncadd.s32 $0xFFFFD800  }
0x3a: {  	_ =	sfence.sel $0x180000  }
0x3b: {  	[bflag:$0x0] =	sbarrier.arrive $0xFFFF  }
0x3c: {  	p0 =	sne.s32 s1, $0x0;
	_ =	strace $0x90000050  }
0x3d: {  	s0 =	sadd.s32 @!p0 $0x100000, s0;
	[bflag:$0x2] =	sbarrier.arrive $0xFFFF  }
0x3e: {  	[sflag:s0] =	ssyncadd.tile.s32 @!p0 $0x1;
	_ =	shalt  }
.Lfunc_end2:
_tile_overlayer_lowered:
.L_overlay_start_2:
0x3f: {  	(tag) =	ssettag $0x2  }
0x40: {  	s0 =	rddreg [dreg:$0x0];
	s2 =	stileid.u32  }
0x41: {  	s1 =	rddreg [dreg:$0x1];
	p0 =	sne.s32 s2, $0x0  }
0x42: {  	s3 =	rddreg [dreg:$0x2];
	[bflag:$0x3] =	sbarrier.arrive $0xFFFF;
	s2 =	simm.s32 @!p0 $0x1C01  }
0x43: {  	[timem:s3], [sflag:s2] =	dma.local @!p0 [hbm:s0], s1  }
0x44: {  	s0 =	simm.s32 @!p0 $0x1  }
0x45: {  	_ =	swait.ge @!p0 [sflag:s0], s1  }
0x46: {  	s1 =	ssub.s32 @!p0 $0x0, s1;
	[sflag:s0] =	ssyncset.done @!p0 $0x0  }
0x47: {  	[sflag:s0] =	ssyncadd.s32 @!p0 s1  }
0x48: {  	[bflag:$0x3] =	sbarrier.arrive $0xFFFF  }
0x49: {  	_ =	shalt  }

// kernel: kernel.29.cloned.1.call-start
scs
__scs_entry_jumppad:
0x0: {  	(pc) =	sbr.rel $0x88, $3  }
0x1: {  	(tag) =	ssettag $0x0;
	lr =	simm.s32 $0x1  }
0x2: {  	[smem:$0x3F95] =	sst lr;
	_ =	strace $0xD0000000  }
0x3: {  	_ = 	snop  }
0x4: {  	_ = 	snop  }
0x5: {  	_ = 	snop  }
0x6: {  	_ = 	snop  }
0x7: {  	_ = 	snop  }
__scs_overlays_trampoline_lowered:
0x8: {  	[smem:$0x3FA4] =	sst s0  }
0x9: {  	[smem:$0x3FA5] =	sst s1  }
0xa: {  	[smem:$0x3FA6] =	sst s2  }
0xb: {  	[smem:$0x3FA7] =	sst s3  }
0xc: {  	[smem:$0x3FA8] =	sst s4  }
0xd: {  	[smem:$0x3FA9] =	sst s5  }
0xe: {  	[smem:$0x3FAA] =	sst s6  }
0xf: {  	[smem:$0x3FAB] =	sst s7  }
0x10: {  	[smem:$0x3FAC] =	sst s8  }
0x11: {  	[smem:$0x3FAD] =	sst s9;
	s0 =	simm.s32 @!p0 $0x0  }
0x12: {  	s1 =	sld [smem:$0x3F93];
	s0 =	simm.s32 @p0 $0x1  }
0x13: {  	[smem:$0x3FAE] =	sst s0;
	s0 =	simm.s32 @!p1 $0x0  }
0x14: {  	s2 =	sld [smem:$0x3F92];
	s0 =	simm.s32 @p1 $0x1  }
0x15: {  	[smem:$0x3FAF] =	sst s0;
	s0 =	simm.s32 @!p2 $0x0  }
0x16: {  	s3 =	sld [smem:$0x3FDB];
	s0 =	simm.s32 @p2 $0x1  }
0x17: {  	s4 =	simm.s32 $0x1BF5;
	[smem:$0x3FB1] =	sst s0  }
0x18: {  	s0 =	sld [smem:$0x3F94];
	_ =	swait.ge [sflag:s4], $0x0  }
0x19: {  	s7 =	sld [smem:$0x3F95]  }
0x1a: {  	s8 =	sadd.s32 $0xFFFFE003, lr  }
0x1b: {  	s9 =	sadd.s32 $0xFFFFFEF7, lr;
	s5 =	simm.s32 $0xFFFFFFFF;
	p2 =	slt.u32 s8, $0xFFFFF086  }
0x1c: {  	p1 =	slt.u32 s9, $0xF7A;
	s5 =	simm.s32 @!p2 $0x0  }
0x1d: {  	s5 =	simm.s32 @p1 $0x1;
	p0 =	seq.s32 s7, s2  }
0x1e: {  	s7 =	smul.u32 @!p0 $0xF7A, s2;
	p2 =	seq.s32 @!p0 s5, $0x0  }
0x1f: {  	s9 =	smul.u32 $0xF7A, s1;
	s8 =	simm.s32 @!p0 $0x1BF5;
	p2 =	por !p2, p0  }
0x20: {  	[sflag:s8] =	ssyncset.s32 @!p0 $0xFFFFF086;
	s6 =	sadd.s32 @!p0 s3, s7;
	s7 =	simm.s32 @!p0 $0x108  }
0x21: {  	s3 =	sadd.s32 s3, s9;
	s6 =	sadd.s32 @!p0 $0x88, s6;
	s7 =	simm.s32 @p2 $0x1082  }
0x22: {  	[simem:s7], [sflag:s8] =	dma.local @!p0 [hbm:s6], $0xF7A  }
0x23: {  	s9 =	sor.u32 $0xD0000000, s2;
	s6 =	simm.s32 $0x108;
	_ =	swait.ge @!p0 [sflag:s8], $0x0  }
0x24: {  	s3 =	sadd.s32 $0x88, s3;
	s6 =	simm.s32 @!p1 $0x1082;
	[sflag:s4] =	ssyncset.s32 $0xFFFFF086  }
0x25: {  	[simem:s6], [sflag:s4] =	dma.local [hbm:s3], $0xF7A  }
0x26: {  	[smem:$0x3F95] =	sst s1;
	(tag) =	ssettag s2;
	_ =	strace s9  }
0x27: {  	s1 =	sld [smem:$0x3FA5]  }
0x28: {  	s2 =	sld [smem:$0x3FA6]  }
0x29: {  	s4 =	sld [smem:$0x3FA8]  }
0x2a: {  	p0 =	seq.s32 s5, $0x0;
	s5 =	sld [smem:$0x3FA9]  }
0x2b: {  	s6 =	sld [smem:$0x3FAA]  }
0x2c: {  	s7 =	sld [smem:$0x3FAB]  }
0x2d: {  	s3 =	simm.s32 $0x108;
	s8 =	sld [smem:$0x3FAC]  }
0x2e: {  	s3 =	simm.s32 @!p0 $0x1082;
	s9 =	sld [smem:$0x3FAD]  }
0x2f: {  	lr =	sadd.s32 s0, s3;
	s0 =	sld [smem:$0x3FA4]  }
0x30: {  	s3 =	sld [smem:$0x3FA7]  }
0x31: {  	[smem:$0x3FB0] =	sst s10  }
0x32: {  	s10 =	sld [smem:$0x3FAE];
	_ =	sdelay $0x3  }
0x33: {  	p0 =	seq.s32 s10, $0x1;
	s10 =	sld [smem:$0x3FB0];
	_ =	sdelay $0x3  }
0x34: {  	[smem:$0x3FB0] =	sst s10  }
0x35: {  	s10 =	sld [smem:$0x3FAF];
	_ =	sdelay $0x3  }
0x36: {  	p1 =	seq.s32 s10, $0x1;
	s10 =	sld [smem:$0x3FB0];
	_ =	sdelay $0x3  }
0x37: {  	[smem:$0x3FB0] =	sst s10  }
0x38: {  	s10 =	sld [smem:$0x3FB1]  }
0x39: {  	_ = 	snop;
	(pc) =	sbr.ind lr, $3  }
0x3a: {  	_ = 	snop  }
0x3b: {  	_ = 	snop  }
0x3c: {  	p2 =	seq.s32 s10, $0x1;
	s10 =	sld [smem:$0x3FB0]  }
0x3d: {  	_ =	shalt  }
0x3e: {  	_ =	shalt  }
0x3f: {  	_ =	shalt  }
0x40: {  	_ =	shalt  }
0x41: {  	_ =	shalt  }
0x42: {  	_ =	shalt  }
0x43: {  	_ =	shalt  }
0x44: {  	_ =	shalt  }
0x45: {  	_ =	shalt  }
0x46: {  	_ =	shalt  }
0x47: {  	_ =	shalt  }
0x48: {  	_ =	shalt  }
0x49: {  	_ =	shalt  }
0x4a: {  	_ =	shalt  }
0x4b: {  	_ =	shalt  }
0x4c: {  	_ =	shalt  }
0x4d: {  	_ =	shalt  }
0x4e: {  	_ =	shalt  }
0x4f: {  	_ =	shalt  }
0x50: {  	_ =	shalt  }
0x51: {  	_ =	shalt  }
0x52: {  	_ =	shalt  }
0x53: {  	_ =	shalt  }
0x54: {  	_ =	shalt  }
0x55: {  	_ =	shalt  }
0x56: {  	_ =	shalt  }
0x57: {  	_ =	shalt  }
0x58: {  	_ =	shalt  }
0x59: {  	_ =	shalt  }
0x5a: {  	_ =	shalt  }
0x5b: {  	_ =	shalt  }
0x5c: {  	_ =	shalt  }
0x5d: {  	_ =	shalt  }
0x5e: {  	_ =	shalt  }
0x5f: {  	_ =	shalt  }
0x60: {  	_ =	shalt  }
0x61: {  	_ =	shalt  }
0x62: {  	_ =	shalt  }
0x63: {  	_ =	shalt  }
0x64: {  	_ =	shalt  }
0x65: {  	_ =	shalt  }
0x66: {  	_ =	shalt  }
0x67: {  	_ =	shalt  }
0x68: {  	_ =	shalt  }
0x69: {  	_ =	shalt  }
0x6a: {  	_ =	shalt  }
0x6b: {  	_ =	shalt  }
0x6c: {  	_ =	shalt  }
0x6d: {  	_ =	shalt  }
0x6e: {  	_ =	shalt  }
0x6f: {  	_ =	shalt  }
0x70: {  	_ =	shalt  }
0x71: {  	_ =	shalt  }
0x72: {  	_ =	shalt  }
0x73: {  	_ =	shalt  }
0x74: {  	_ =	shalt  }
0x75: {  	_ =	shalt  }
0x76: {  	_ =	shalt  }
0x77: {  	_ =	shalt  }
0x78: {  	_ =	shalt  }
0x79: {  	_ =	shalt  }
0x7a: {  	_ =	shalt  }
0x7b: {  	_ =	shalt  }
0x7c: {  	_ =	shalt  }
0x7d: {  	_ =	shalt  }
0x7e: {  	_ =	shalt  }
0x7f: {  	_ =	shalt  }
0x80: {  	_ =	shalt  }
0x81: {  	_ =	shalt  }
0x82: {  	_ =	shalt  }
0x83: {  	_ =	shalt  }
0x84: {  	_ =	shalt  }
0x85: {  	_ =	shalt  }
0x86: {  	_ =	shalt  }
0x87: {  	_ =	shalt  }
.Lfunc_end0:
.L_simem_size_0:
called_computation.5_lowered:
.L_overlay_start_0:
0x88: {  	s2 =	sld [smem:$0x3FD9]  }
0x89: {  	s3 =	sld [smem:$0x3FFE];
	_ =	sdelay $0x1  }
0x8a: {  	s1 =	srdreg.scid  }
0x8b: {  	s0 =	sand.u32 $0x1, s1  }
0x8c: {  	s14 =	sshll.u32 s0, $0xA;
	s2 =	sadd.s32 s3, s2  }
0x8d: {  	s2 =	sadd.s32 s2, s14  }
0x8e: {  	[smem:$0x3FBC] =	sst s2  }
0x8f: {  	_ = 	snop  }
0x90: {  	s2 =	sld [smem:$0x3FD0];
	_ =	sdelay $0x2  }
0x91: {  	s4 =	simm.s32 $0xB;
	s5 =	simm.s32 $0x10;
	s15 =	sld [smem:$0x3FC7]  }
0x92: {  	[smem:s5], [sflag:s4] =	dma.local [hbm:s2], $0x1  }
0x93: {  	_ =	swait.eq [sflag:s4], $0x1  }
0x94: {  	[sflag:s4] =	ssyncset.done $0x0  }
0x95: {  	[sflag:s4] =	ssyncadd.s32 $0xFFFFFFFF  }
0x96: {  	s16 =	sld [smem:$0x10];
	(tm) =	ssettm $0x1  }
0x97: {  	s17 =	sld [smem:$0x3FFB];
	_ =	sdelay $0x3  }
0x98: {  	_ =	strace s17  }
0x99: {  	s4 =	sld [smem:$0x3FFC];
	_ =	sdelay $0x3  }
0x9a: {  	_ =	strace s4  }
0x9b: {  	s4 =	sld [smem:$0x3FFD];
	_ =	sdelay $0x3  }
0x9c: {  	_ =	strace s4  }
0x9d: {  	_ =	strace $0x8FFFFFFF  }
0x9e: {  	s18 =	sld [smem:$0x3FDB];
	_ =	sdelay $0x1  }
0x9f: {  	s19 =	simm.s32 $_scs_section_size  }
0xa0: {  	s6 =	simm.s32 $_size__tile_overlayer_lowered;
	s7 =	simm.s32 $_tile_overlayer_lowered  }
0xa1: {  	s22 =	simm.s32 $0x1BFF;
	s21 =	sshll.u32 s7, $0x1;
	s4 =	sadd.s32 s19, s18  }
0xa2: {  	s8 =	simm.s32 $0x0;
	s20 =	sshll.u32 s6, $0x1;
	s6 =	sadd.s32 s21, s4  }
0xa3: {  	[timem:s8], [sflag:s22] =	dma.local [hbm:s6], s20  }
0xa4: {  	_ =	swait.ge [sflag:s22], s20  }
0xa5: {  	s5 =	ssub.s32 $0x0, s20;
	[sflag:s22] =	ssyncset.done $0x0  }
0xa6: {  	[sflag:s22] =	ssyncadd.s32 s5;
	_ =	sdelay $0x1  }
0xa7: {  	s23 =	simm.s32 $0x1B8B  }
0xa8: {  	_ =	swait.ge [sflag:s23], $0x1  }
0xa9: {  	[sflag:s23] =	ssyncset.done $0x0  }
0xaa: {  	s25 =	simm.s32 $0x1B8E;
	s24 =	sld [smem:$0x3FFE];
	[sflag:s23] =	ssyncadd.s32 $0xFFFFFFFF  }
0xab: {  	s26 =	simm.s32 $execute0_lowered;
	[smem:$0x3FD2] =	sst s25  }
0xac: {  	s6 =	sshll.u32 s26, $0x1;
	_ =	strace $0x80000055;
	[dreg:$0x1] =	wrdreg $0xFFFFFFFF  }
0xad: {  	s28 =	simm.s32 $_size_execute0_lowered;
	s4 =	sadd.s32 s4, s6;
	[dreg:$0x0] =	wrdreg $0x0  }
0xae: {  	s6 =	sshll.u32 s28, $0x1;
	[dreg:$0x2] =	wrdreg s4  }
0xaf: {  	[dreg:$0x3] =	wrdreg s6  }
0xb0: {  	[dreg:$0x4] =	wrdreg $0xC0  }
0xb1: {  	_ =	task [dreg:s8], $0x5FFFF  }
0xb2: {  	[dreg:$0x1] =	wrdreg $0xFFFFFFFF  }
0xb3: {  	[dreg:$0x0] =	wrdreg $0x60  }
0xb4: {  	[dreg:$0x2] =	wrdreg s24  }
0xb5: {  	[dreg:$0x3] =	wrdreg s15  }
0xb6: {  	[dreg:$0x4] =	wrdreg s16  }
0xb7: {  	[dreg:$0x5] =	wrdreg $0x9  }
0xb8: {  	_ =	task.clear_ibuf [dreg:s8], $0x6FFFF;
	_ =	strace $0x90000055  }
0xb9: {  	s29 =	simm.s32 $0x9;
	_ =	strace $0x80000057  }
0xba: {  	_ =	swait.ge [sflag:s29], $0x1  }
0xbb: {  	[sflag:s29] =	ssyncadd.s32 $0xFFFFFFFF  }
0xbc: {  	_ =	strace $0x90000057  }
0xbd: {  	_ =	sfence  }
0xbe: {  	s30 =	sld [smem:$0x0];
	_ =	sdelay $0x2  }
0xbf: {  	s31 =	sshll.u32 s1, $0xD;
	s1 =	sshrl.u32 s1, $0x2  }
0xc0: {  	s3 =	sand.u32 $0x4000, s31;
	s1 =	sadd.s32 s1, s30  }
0xc1: {  	s0 =	sor.u32 s3, s0;
	s1 =	sshll.u32 s1, $0x11  }
0xc2: {  	s0 =	sor.u32 s1, s0  }
0xc3: {  	s0 =	sadd.s32 $0x8F2B, s0  }
0xc4: {  	[sflag:s0] =	ssyncadd.remote.s32 $0x1  }
0xc5: {  	_ =	sfence.sel $0xFFFF  }
0xc6: {  	[dreg:$0x0] =	wrdreg $0xFFFFFFFF;
	(pc) =	sbr.abs _section_cstart, $3  }
0xc7: {  	[dreg:$0x1] =	wrdreg $0xFFFFFFFF  }
0xc8: {  	_ =	task.clear_ibuf [dreg:s8], $0x2FFFF;
	_ =	strace $0x9FFFFFFF  }
0xc9: {  	(tm) =	ssettm $0x7FFFFFFF  }
tec
execute0_lowered:
.L_overlay_start_1:
0x0: {  	(tag) =	ssettag $0x1  }
0x1: {  	s10 =	rddreg [dreg:$0x0];
	s1 =	srdreg.scid  }
0x2: {  	s3 =	rddreg [dreg:$0x1];
	s0 =	stileid.u32;
	s11 =	sand.u32 $0x1, s1  }
0x3: {  	s8 =	rddreg [dreg:$0x2];
	s5 =	sshll.u32 s0, $0x5;
	s4 =	sshll.u32 s11, $0x9  }
0x4: {  	s2 =	simm.s32 $0x0;
	s1 =	rddreg [dreg:$0x3];
	s9 =	sor.u32 s5, s4  }
0x5: {  	[smem:$0x7FF] =	sst s2;
	s4 =	sshrl.u32 s9, $0x3  }
0x6: {  	_ =	strace $0x80000056;
	s4 =	sadd.s32 s3, s4;
	s3 =	simm.s32 $0x1  }
0x7: {  	[tilespmem:s2], [sflag:$0x1] =	stream.linear.gather [hbm4b:s4+s2], $0x20, $0x38;
	[tilespmem:$0x1080] =	vst v63  }
0x8: {  	_ =	swait.ge [sflag:s3], $0x20  }
0x9: {  	s6 =	simm.s32 $0x20;
	[sflag:s3] =	ssyncset.done $0x0  }
0xa: {  	s7 =	simm.s32 $0x80;
	s5 =	sadd.s32 $0x38C00, s10;
	[sflag:s3] =	ssyncadd.s32 $0xFFFFFFE0  }
0xb: {  	[tilespmem:s7], [sflag:$0x1] =	stream.indirect.gather [hbm4b:s5+s6], $0x80, s2, s6, $0xb8;
	[tilespmem:$0x1080] =	vst v63  }
0xc: {  	_ =	swait.ge [sflag:s3], $0x1000  }
0xd: {  	s12 =	sshll.u32 s9, $0x4;
	[sflag:s3] =	ssyncset.done $0x0  }
0xe: {  	s11 =	ssub.s32 $0x2, s11;
	s8 =	sadd.s32 s8, s12;
	[sflag:s3] =	ssyncadd.s32 $0xFFFFF000  }
0xf: {  	[hbm4b:s8+s2] =	stream.linear.scatter [tilespmem:s7], [sflag:$0x1], $0x1000, $0x38;
	[tilespmem:$0x1080] =	vst v63  }
0x10: {  	s13 =	sshrl.u32 s11, $0x1;
	_ =	swait.ge [sflag:s3], $0x1000  }
0x11: {  	s11 =	ssub.s32 s11, s13;
	[sflag:s3] =	ssyncset.done $0x0  }
0x12: {  	s9 =	sadd.s32 $0x10C00, s10;
	s11 =	smax.u32 s11, $0x1;
	[sflag:s3] =	ssyncadd.s32 $0xFFFFF000  }
0x13: {  	[tilespmem:s7], [sflag:$0x1] =	stream.indirect.gather [hbm4b:s9+s6], $0x80, s2, s6, $0xb8;
	[tilespmem:$0x1080] =	vst v63  }
0x14: {  	p0 =	sne.s32 s11, $0x1;
	_ =	swait.ge [sflag:s3], $0x1000  }
.Ltmp0:
0x15: {  	s10 =	sadd.s32 s12, s10;
	[sflag:s3] =	ssyncset.done $0x0;
	(pc) =	sbr.rel @!p0 .LBB2_2-.Ltmp0, $4  }
0x16: {  	s10 =	sadd.s32 $0x6C00, s10;
	[sflag:s3] =	ssyncadd.s32 $0xFFFFF000  }
0x17: {  	[hbm4b:s10+s2] =	stream.linear.scatter [tilespmem:s7], [sflag:$0x1], $0x1000, $0x38;
	[tilespmem:$0x1080] =	vst v63  }
0x18: {  	_ =	swait.ge [sflag:s3], $0x1000  }
0x19: {  	s11 =	sadd.s32 $0xFFFFFFFF, s11;
	[sflag:s3] =	ssyncset.done $0x0  }
.LBB2_1:
0x1a: {  	p0 =	sne.s32 s11, $0x1;
	s11 =	sadd.s32 $0xFFFFFFFF, s11;
	[sflag:s3] =	ssyncadd.s32 $0xFFFFF000  }
0x1b: {  	[tilespmem:s2], [sflag:$0x1] =	stream.linear.gather [hbm4b:s4+s2], $0x20, $0x38;
	[tilespmem:$0x1080] =	vst v63  }
0x1c: {  	_ =	swait.ge [sflag:s3], $0x20  }
0x1d: {  	[sflag:s3] =	ssyncset.done $0x0  }
0x1e: {  	[sflag:s3] =	ssyncadd.s32 $0xFFFFFFE0  }
0x1f: {  	[tilespmem:s7], [sflag:$0x1] =	stream.indirect.gather [hbm4b:s5+s6], $0x80, s2, s6, $0xb8;
	[tilespmem:$0x1080] =	vst v63  }
0x20: {  	_ =	swait.ge [sflag:s3], $0x1000  }
0x21: {  	[sflag:s3] =	ssyncset.done $0x0  }
0x22: {  	[sflag:s3] =	ssyncadd.s32 $0xFFFFF000  }
0x23: {  	[hbm4b:s8+s2] =	stream.linear.scatter [tilespmem:s7], [sflag:$0x1], $0x1000, $0x38;
	[tilespmem:$0x1080] =	vst v63  }
0x24: {  	_ =	swait.ge [sflag:s3], $0x1000  }
0x25: {  	[sflag:s3] =	ssyncset.done $0x0  }
0x26: {  	[sflag:s3] =	ssyncadd.s32 $0xFFFFF000  }
0x27: {  	[tilespmem:s7], [sflag:$0x1] =	stream.indirect.gather [hbm4b:s9+s6], $0x80, s2, s6, $0xb8;
	[tilespmem:$0x1080] =	vst v63  }
0x28: {  	_ =	swait.ge [sflag:s3], $0x1000  }
.Ltmp1:
0x29: {  	[sflag:s3] =	ssyncset.done $0x0;
	(pc) =	sbr.rel @p0 .LBB2_1-.Ltmp1, $4  }
0x2a: {  	[sflag:s3] =	ssyncadd.s32 $0xFFFFF000  }
0x2b: {  	[hbm4b:s10+s2] =	stream.linear.scatter [tilespmem:s7], [sflag:$0x1], $0x1000, $0x38;
	[tilespmem:$0x1080] =	vst v63  }
0x2c: {  	_ =	swait.ge [sflag:s3], $0x1000  }
0x2d: {  	[sflag:s3] =	ssyncset.done $0x0  }
.LBB2_2:
0x2e: {  	[sflag:s3] =	ssyncadd.s32 $0xFFFFF000  }
0x2f: {  	_ =	sfence.sel $0x180000  }
0x30: {  	[bflag:$0x0] =	sbarrier.arrive $0xFFFF  }
0x31: {  	p0 =	sne.s32 s0, $0x0;
	_ =	strace $0x90000056  }
0x32: {  	s0 =	sadd.s32 @!p0 $0x100000, s1;
	[bflag:$0x2] =	sbarrier.arrive $0xFFFF  }
0x33: {  	[sflag:s0] =	ssyncadd.tile.s32 @!p0 $0x1;
	_ =	shalt  }
.Lfunc_end2:
_tile_overlayer_lowered:
.L_overlay_start_2:
0x34: {  	(tag) =	ssettag $0x2  }
0x35: {  	s0 =	rddreg [dreg:$0x0];
	s2 =	stileid.u32  }
0x36: {  	s1 =	rddreg [dreg:$0x1];
	p0 =	sne.s32 s2, $0x0  }
0x37: {  	s3 =	rddreg [dreg:$0x2];
	[bflag:$0x3] =	sbarrier.arrive $0xFFFF;
	s2 =	simm.s32 @!p0 $0x1C01  }
0x38: {  	[timem:s3], [sflag:s2] =	dma.local @!p0 [hbm:s0], s1  }
0x39: {  	s0 =	simm.s32 @!p0 $0x1  }
0x3a: {  	_ =	swait.ge @!p0 [sflag:s0], s1  }
0x3b: {  	s1 =	ssub.s32 @!p0 $0x0, s1;
	[sflag:s0] =	ssyncset.done @!p0 $0x0  }
0x3c: {  	[sflag:s0] =	ssyncadd.s32 @!p0 s1  }
0x3d: {  	[bflag:$0x3] =	sbarrier.arrive $0xFFFF  }
0x3e: {  	_ =	shalt  }

</sc_bundles>
